<compile_context>
chip_gen: v7x
topology: tpu7x:2x2x1
jax: 0.10.2.dev20260603
libtpu: 0.0.44.dev20260713+nightly
codegen_flags: <defaults>
</compile_context>

<pallas_src>
import jax
import jax.numpy as jnp
from jax import lax
from jax.experimental import pallas as pl
from jax.experimental.pallas import tpu as pltpu
from jax.experimental.pallas import tpu_sc as plsc

NC = 2
NS = 16
NW = NC * NS
CHUNK = 128
LANES = 16

VOCAB = 100000
EMB = 64
BATCH = 16384

TBW = 4096
NBLK = (VOCAB + TBW - 1) // TBW
VP = NBLK * TBW

TSH = TBW.bit_length() - 1

B_PER_W = BATCH // NW
CHUNKS_PER_W = B_PER_W // CHUNK


def _pack_body(d_ref, p_ref, eye_ref, od_ref, op_ref):
    eye = eye_ref[...]
    dims = (((0,), (0,)), ((), ()))
    x = d_ref[...]
    od_ref[:, 0:EMB] = lax.dot_general(
        x[:, 0:TBW // 2], eye, dims, preferred_element_type=jnp.float32)
    od_ref[:, EMB:128] = lax.dot_general(
        x[:, TBW // 2:TBW], eye, dims, preferred_element_type=jnp.float32)
    y = p_ref[...]
    op_ref[:, 0:EMB] = lax.dot_general(
        y[:, 0:TBW // 2], eye, dims, preferred_element_type=jnp.float32)
    op_ref[:, EMB:128] = lax.dot_general(
        y[:, TBW // 2:TBW], eye, dims, preferred_element_type=jnp.float32)


def _pack(dT, pT, eye):
    return pl.pallas_call(
        _pack_body,
        grid=(NBLK,),
        in_specs=[
            pl.BlockSpec((EMB, TBW), lambda i: (0, i)),
            pl.BlockSpec((EMB, TBW), lambda i: (0, i)),
            pl.BlockSpec((EMB, EMB), lambda i: (0, 0)),
        ],
        out_specs=[
            pl.BlockSpec((TBW // 2, 128), lambda i: (i, 0)),
            pl.BlockSpec((TBW // 2, 128), lambda i: (i, 0)),
        ],
        out_shape=[
            jax.ShapeDtypeStruct((VP // 2, 128), jnp.float32),
            jax.ShapeDtypeStruct((VP // 2, 128), jnp.float32),
        ],
    )(dT, pT, eye)


def _remap(idx_ref):
    for j in range(CHUNKS_PER_W):
        for k in range(CHUNK // LANES):
            v = idx_ref[j, pl.ds(k * LANES, LANES)]
            jj = (((v >> TSH) << TSH) + ((v & (TBW // 2 - 1)) << 1)
                  + ((v >> (TSH - 1)) & 1))
            idx_ref[j, pl.ds(k * LANES, LANES)] = jj


def _gather_body(d_lin, p_lin, d_ids, p_ids, d_out, p_out,
                 idx_d, idx_p, rows_d, rows_p, sem):
    wid = lax.axis_index("s") * NC + lax.axis_index("c")
    rbase = wid * CHUNKS_PER_W
    pltpu.sync_copy(d_ids.at[pl.ds(rbase, CHUNKS_PER_W)], idx_d)
    pltpu.sync_copy(p_ids.at[pl.ds(rbase, CHUNKS_PER_W)], idx_p)
    _remap(idx_d)
    _remap(idx_p)
    copies = []
    for j in range(CHUNKS_PER_W):
        copies.append(pltpu.async_copy(
            d_lin.at[idx_d.at[j]], rows_d.at[pl.ds(j * CHUNK, CHUNK)], sem))
        copies.append(pltpu.async_copy(
            p_lin.at[idx_p.at[j]], rows_p.at[pl.ds(j * CHUNK, CHUNK)], sem))
    for c in copies:
        c.wait()
    half = wid // (NW // 2)
    base = (wid % (NW // 2)) * B_PER_W
    pltpu.sync_copy(rows_d,
                    d_out.at[pl.ds(base, B_PER_W), pl.ds(half * EMB, EMB)])
    pltpu.sync_copy(rows_p,
                    p_out.at[pl.ds(base, B_PER_W), pl.ds(half * EMB, EMB)])


_gather = pl.kernel(
    _gather_body,
    out_type=(
        jax.ShapeDtypeStruct((BATCH // 2, 2 * EMB), jnp.float32),
        jax.ShapeDtypeStruct((BATCH // 2, 2 * EMB), jnp.float32),
    ),
    mesh=plsc.VectorSubcoreMesh(
        core_axis_name="c", subcore_axis_name="s",
        num_cores=NC, num_subcores=NS),
    scratch_types=[
        pltpu.VMEM((CHUNKS_PER_W, CHUNK), jnp.int32),
        pltpu.VMEM((CHUNKS_PER_W, CHUNK), jnp.int32),
        pltpu.VMEM((B_PER_W, EMB), jnp.float32),
        pltpu.VMEM((B_PER_W, EMB), jnp.float32),
        pltpu.SemaphoreType.DMA,
    ],
    compiler_params=pltpu.CompilerParams(use_tc_tiling_on_sc=False),
)


def _mlp_body(d_ref, p_ref, w1a_ref, w1b_ref, b1_ref, w2_ref, b2_ref,
              otop_ref, obot_ref):
    h = jnp.dot(d_ref[...], w1a_ref[...], preferred_element_type=jnp.float32)
    h = h + jnp.dot(p_ref[...], w1b_ref[...], preferred_element_type=jnp.float32)
    h = jnp.maximum(h + b1_ref[...], 0.0)
    o = jnp.dot(h, w2_ref[...], preferred_element_type=jnp.float32) + b2_ref[...]
    o = 1.0 / (1.0 + jnp.exp(-o))
    otop_ref[...] = o[:, 0:4]
    obot_ref[...] = o[:, 4:8]


BB = 4096


def _mlp(d2, p2, w1a_bd, w1b_bd, b1_bd, w2_bd, b2_bd):
    return pl.pallas_call(
        _mlp_body,
        grid=(BATCH // 2 // BB,),
        in_specs=[
            pl.BlockSpec((BB, 128), lambda i: (i, 0)),
            pl.BlockSpec((BB, 128), lambda i: (i, 0)),
            pl.BlockSpec((128, 2 * 32), lambda i: (0, 0)),
            pl.BlockSpec((128, 2 * 32), lambda i: (0, 0)),
            pl.BlockSpec((1, 2 * 32), lambda i: (0, 0)),
            pl.BlockSpec((2 * 32, 8), lambda i: (0, 0)),
            pl.BlockSpec((1, 8), lambda i: (0, 0)),
        ],
        out_specs=[pl.BlockSpec((BB, 4), lambda i: (i, 0)),
                   pl.BlockSpec((BB, 4), lambda i: (i, 0))],
        out_shape=[jax.ShapeDtypeStruct((BATCH // 2, 4), jnp.float32),
                   jax.ShapeDtypeStruct((BATCH // 2, 4), jnp.float32)],
    )(d2, p2, w1a_bd, w1b_bd, b1_bd, w2_bd, b2_bd)


def _block_diag(w):
    r, c = w.shape
    z = jnp.zeros((r, c), dtype=w.dtype)
    return jnp.concatenate(
        [jnp.concatenate([w, z], axis=1),
         jnp.concatenate([z, w], axis=1)], axis=0)


@jax.jit
def kernel(depth_ids, purpose_ids, depth_table, purpose_table, W1, b1, W2, b2):
    d_ids = depth_ids.astype(jnp.int32).reshape(NW * CHUNKS_PER_W, CHUNK)
    p_ids = purpose_ids.astype(jnp.int32).reshape(NW * CHUNKS_PER_W, CHUNK)
    eye = jnp.eye(EMB, dtype=jnp.float32)
    lin_d, lin_p = _pack(depth_table.T, purpose_table.T, eye)
    d2, p2 = _gather(lin_d.reshape(VP, EMB), lin_p.reshape(VP, EMB),
                     d_ids, p_ids)
    w1a_bd = _block_diag(W1[:EMB])
    w1b_bd = _block_diag(W1[EMB:])
    b1_bd = jnp.concatenate([b1, b1]).reshape(1, 2 * 32)
    w2_bd = _block_diag(W2)
    b2_bd = jnp.concatenate([b2, b2]).reshape(1, 8)
    o_top, o_bot = _mlp(d2, p2, w1a_bd, w1b_bd, b1_bd, w2_bd, b2_bd)
    return jnp.concatenate([o_top, o_bot], axis=0)

# --- scband reference (transcript-rebuilt; emitter-appended) ---
"""Pipeline reference for scband-tiny-prompt-encoder-64381559767637 (READ-ONLY COPY).

The authoritative reference and input builder live on the scoring server;
editing this copy changes nothing except your own understanding.
"""

import jax, jax.numpy as jnp
import numpy as np

VOCAB_D = 100000
VOCAB_P = 100000
EMB = 64
BATCH = 16384

def setup_inputs(seed: int = 0) -> dict:
    key = jax.random.key(seed)
    k1, k2, k3, k4, k5, k6, k7, k8 = jax.random.split(key, 8)
    depth_ids = jax.random.randint(k1, (BATCH,), 0, VOCAB_D, dtype=jnp.int64 if jax.config.jax_enable_x64 else jnp.int32)
    purpose_ids = jax.random.randint(k2, (BATCH,), 0, VOCAB_P, dtype=jnp.int64 if jax.config.jax_enable_x64 else jnp.int32)
    depth_table = jax.random.normal(k3, (VOCAB_D, EMB), dtype=jnp.float32)
    purpose_table = jax.random.normal(k4, (VOCAB_P, EMB), dtype=jnp.float32)
    W1 = jax.random.normal(k5, (EMB * 2, 32), dtype=jnp.float32) * (1.0 / np.sqrt(EMB * 2))
    b1 = jnp.zeros((32,), dtype=jnp.float32)
    W2 = jax.random.normal(k6, (32, 4), dtype=jnp.float32) * (1.0 / np.sqrt(32))
    b2 = jnp.zeros((4,), dtype=jnp.float32)
    return {"depth_ids": depth_ids, "purpose_ids": purpose_ids,
            "depth_table": depth_table, "purpose_table": purpose_table,
            "W1": W1, "b1": b1, "W2": W2, "b2": b2}

def reference(depth_ids, purpose_ids, depth_table, purpose_table, W1, b1, W2, b2):
    depth_emb = jnp.take(depth_table, depth_ids, axis=0)
    purpose_emb = jnp.take(purpose_table, purpose_ids, axis=0)
    combined = jnp.concatenate([depth_emb, purpose_emb], axis=-1)
    h = jnp.maximum(combined @ W1 + b1, 0.0)
    weights = jax.nn.sigmoid(h @ W2 + b2)
    return weights

if __name__ == "__main__":
    import jax
    _d = setup_inputs()
    print(jax.jit(kernel)(*tuple(_d.values())))

</pallas_src>

<mosaic_0001>
#map = affine_map<(d0, d1) -> (0, 0)>
module attributes {stable_mosaic.version = 14 : i64} {
  func.func @_gather_body(%arg0: i32, %arg1: i32, %arg2: memref<102400x64xf32, #tpu.memory_space<hbm>>, %arg3: memref<102400x64xf32, #tpu.memory_space<hbm>>, %arg4: memref<128x128xi32, #tpu.memory_space<hbm>>, %arg5: memref<128x128xi32, #tpu.memory_space<hbm>>, %arg6: memref<8192x128xf32, #tpu.memory_space<hbm>>, %arg7: memref<8192x128xf32, #tpu.memory_space<hbm>>, %arg8: memref<4x128xi32, #tpu.memory_space<vmem>>, %arg9: memref<4x128xi32, #tpu.memory_space<vmem>>, %arg10: memref<512x64xf32, #tpu.memory_space<vmem>>, %arg11: memref<512x64xf32, #tpu.memory_space<vmem>>, %arg12: memref<!tpu.dma_semaphore, #tpu.memory_space<semaphore_mem>>) attributes {dimension_semantics = [#tpu.dimension_semantics<core_parallel>, #tpu.dimension_semantics<subcore_parallel>], iteration_bounds = array<i64: 2, 16>, scalar_prefetch = 0 : i64, scratch_operands = 5 : i64, tpu.core_type = #tpu.core_type<sc_vector_subcore>, window_params = [{transform_indices = #map}, {transform_indices = #map}, {transform_indices = #map}, {transform_indices = #map}, {transform_indices = #map}, {transform_indices = #map}]} {
    %mul3A = arith.constant 2 : i32
    %mul3A_0 = arith.muli %arg1, %mul3A : i32
    %add3A = arith.addi %mul3A_0, %arg0 : i32
    %mul3A_1 = arith.constant 4 : i32
    %mul3A_2 = arith.muli %add3A, %mul3A_1 : i32
    "tpu.region"() ({
      %run_scoped3A = tpu.sem_alloc : memref<!tpu.dma_semaphore, #tpu.memory_space<semaphore_mem>>
      %dma_start3A_2177 = arith.constant 0 : i32
      %dma_start3A_2178 = tpu.memref_slice %arg4[%mul3A_2, %dma_start3A_2177] : memref<128x128xi32, #tpu.memory_space<hbm>> -> memref<4x128xi32, #tpu.memory_space<hbm>>
      %dma_start3A_2179 = arith.constant 0 : i32
      %dma_start3A_2180 = tpu.memref_slice %arg4[%mul3A_2, %dma_start3A_2179] : memref<128x128xi32, #tpu.memory_space<hbm>> -> memref<4x128xi32, #tpu.memory_space<hbm>>
      tpu.enqueue_dma source(%dma_start3A_2180 : memref<4x128xi32, #tpu.memory_space<hbm>>) target(%arg8 : memref<4x128xi32, #tpu.memory_space<vmem>>) target_semaphore(%run_scoped3A : memref<!tpu.dma_semaphore, #tpu.memory_space<semaphore_mem>>)
      %dma_wait3A_2181 = arith.constant 0 : i32
      %dma_wait3A_2182 = tpu.memref_slice %arg4[%mul3A_2, %dma_wait3A_2181] : memref<128x128xi32, #tpu.memory_space<hbm>> -> memref<4x128xi32, #tpu.memory_space<hbm>>
      %dma_wait3A_2183 = arith.constant 0 : i32
      %dma_wait3A_2184 = tpu.memref_slice %arg4[%mul3A_2, %dma_wait3A_2183] : memref<128x128xi32, #tpu.memory_space<hbm>> -> memref<4x128xi32, #tpu.memory_space<hbm>>
      tpu.wait_dma2 semaphore(%run_scoped3A : memref<!tpu.dma_semaphore, #tpu.memory_space<semaphore_mem>>) src(%dma_wait3A_2184 : memref<4x128xi32, #tpu.memory_space<hbm>>) dst(%arg8 : memref<4x128xi32, #tpu.memory_space<vmem>>)
      tpu.yield
    }) : () -> ()
    "tpu.region"() ({
      %run_scoped3A = tpu.sem_alloc : memref<!tpu.dma_semaphore, #tpu.memory_space<semaphore_mem>>
      %dma_start3A_2177 = arith.constant 0 : i32
      %dma_start3A_2178 = tpu.memref_slice %arg5[%mul3A_2, %dma_start3A_2177] : memref<128x128xi32, #tpu.memory_space<hbm>> -> memref<4x128xi32, #tpu.memory_space<hbm>>
      %dma_start3A_2179 = arith.constant 0 : i32
      %dma_start3A_2180 = tpu.memref_slice %arg5[%mul3A_2, %dma_start3A_2179] : memref<128x128xi32, #tpu.memory_space<hbm>> -> memref<4x128xi32, #tpu.memory_space<hbm>>
      tpu.enqueue_dma source(%dma_start3A_2180 : memref<4x128xi32, #tpu.memory_space<hbm>>) target(%arg9 : memref<4x128xi32, #tpu.memory_space<vmem>>) target_semaphore(%run_scoped3A : memref<!tpu.dma_semaphore, #tpu.memory_space<semaphore_mem>>)
      %dma_wait3A_2181 = arith.constant 0 : i32
      %dma_wait3A_2182 = tpu.memref_slice %arg5[%mul3A_2, %dma_wait3A_2181] : memref<128x128xi32, #tpu.memory_space<hbm>> -> memref<4x128xi32, #tpu.memory_space<hbm>>
      %dma_wait3A_2183 = arith.constant 0 : i32
      %dma_wait3A_2184 = tpu.memref_slice %arg5[%mul3A_2, %dma_wait3A_2183] : memref<128x128xi32, #tpu.memory_space<hbm>> -> memref<4x128xi32, #tpu.memory_space<hbm>>
      tpu.wait_dma2 semaphore(%run_scoped3A : memref<!tpu.dma_semaphore, #tpu.memory_space<semaphore_mem>>) src(%dma_wait3A_2184 : memref<4x128xi32, #tpu.memory_space<hbm>>) dst(%arg9 : memref<4x128xi32, #tpu.memory_space<vmem>>)
      tpu.yield
    }) : () -> ()
    %get3A = arith.constant 0 : i32
    %get3A_3 = arith.index_cast %get3A : i32 to index
    %get3A_4 = arith.constant 0 : index
    %get3A_5 = tpu.vector_load %arg8[%get3A_3, %get3A_4] {strides = array<i32>} : memref<4x128xi32, #tpu.memory_space<vmem>>, vector<1x16xi32>,
    %get3A_6 = vector.shape_cast %get3A_5 : vector<1x16xi32> to vector<16xi32>
    %shift_right_arithmetic3A = arith.constant 12 : i32
    %shift_right_arithmetic3A_7 = vector.broadcast %shift_right_arithmetic3A : i32 to vector<16xi32>
    %shift_right_arithmetic3A_8 = arith.shrsi %get3A_6, %shift_right_arithmetic3A_7 : vector<16xi32>
    %shift_left3A = arith.constant 12 : i32
    %shift_left3A_9 = vector.broadcast %shift_left3A : i32 to vector<16xi32>
    %shift_left3A_10 = arith.shli %shift_right_arithmetic3A_8, %shift_left3A_9 : vector<16xi32>
    %and3A = arith.constant 2047 : i32
    %and3A_11 = vector.broadcast %and3A : i32 to vector<16xi32>
    %and3A_12 = arith.andi %get3A_6, %and3A_11 : vector<16xi32>
    %shift_left3A_13 = arith.constant 1 : i32
    %shift_left3A_14 = vector.broadcast %shift_left3A_13 : i32 to vector<16xi32>
    %shift_left3A_15 = arith.shli %and3A_12, %shift_left3A_14 : vector<16xi32>
    %add3A_16 = arith.addi %shift_left3A_10, %shift_left3A_15 : vector<16xi32>
    %shift_right_arithmetic3A_17 = arith.constant 11 : i32
    %shift_right_arithmetic3A_18 = vector.broadcast %shift_right_arithmetic3A_17 : i32 to vector<16xi32>
    %shift_right_arithmetic3A_19 = arith.shrsi %get3A_6, %shift_right_arithmetic3A_18 : vector<16xi32>
    %and3A_20 = arith.constant 1 : i32
    %and3A_21 = vector.broadcast %and3A_20 : i32 to vector<16xi32>
    %and3A_22 = arith.andi %shift_right_arithmetic3A_19, %and3A_21 : vector<16xi32>
    %add3A_23 = arith.addi %add3A_16, %and3A_22 : vector<16xi32>
    %swap3A = arith.constant 0 : i32
    %swap3A_24 = arith.index_cast %swap3A : i32 to index
    %swap3A_25 = arith.constant 0 : index
    %swap3A_26 = tpu.vector_load %arg8[%swap3A_24, %swap3A_25] {strides = array<i32>} : memref<4x128xi32, #tpu.memory_space<vmem>>, vector<1x16xi32>,
    %swap3A_27 = vector.shape_cast %swap3A_26 : vector<1x16xi32> to vector<16xi32>
    %swap3A_28 = vector.shape_cast %add3A_23 : vector<16xi32> to vector<1x16xi32>
    tpu.vector_store %arg8[%swap3A_24, %swap3A_25], %swap3A_28 {strides = array<i32>} : memref<4x128xi32, #tpu.memory_space<vmem>>, vector<1x16xi32>,
    %get3A_29 = arith.constant 0 : i32
    %get3A_30 = arith.index_cast %get3A_29 : i32 to index
    %get3A_31 = arith.constant 16 : index
    %get3A_32 = tpu.vector_load %arg8[%get3A_30, %get3A_31] {strides = array<i32>} : memref<4x128xi32, #tpu.memory_space<vmem>>, vector<1x16xi32>,
    %get3A_33 = vector.shape_cast %get3A_32 : vector<1x16xi32> to vector<16xi32>
    %shift_right_arithmetic3A_34 = arith.constant 12 : i32
    %shift_right_arithmetic3A_35 = vector.broadcast %shift_right_arithmetic3A_34 : i32 to vector<16xi32>
    %shift_right_arithmetic3A_36 = arith.shrsi %get3A_33, %shift_right_arithmetic3A_35 : vector<16xi32>
    %shift_left3A_37 = arith.constant 12 : i32
    %shift_left3A_38 = vector.broadcast %shift_left3A_37 : i32 to vector<16xi32>
    %shift_left3A_39 = arith.shli %shift_right_arithmetic3A_36, %shift_left3A_38 : vector<16xi32>
    %and3A_40 = arith.constant 2047 : i32
    %and3A_41 = vector.broadcast %and3A_40 : i32 to vector<16xi32>
    %and3A_42 = arith.andi %get3A_33, %and3A_41 : vector<16xi32>
    %shift_left3A_43 = arith.constant 1 : i32
    %shift_left3A_44 = vector.broadcast %shift_left3A_43 : i32 to vector<16xi32>
    %shift_left3A_45 = arith.shli %and3A_42, %shift_left3A_44 : vector<16xi32>
    %add3A_46 = arith.addi %shift_left3A_39, %shift_left3A_45 : vector<16xi32>
    %shift_right_arithmetic3A_47 = arith.constant 11 : i32
    %shift_right_arithmetic3A_48 = vector.broadcast %shift_right_arithmetic3A_47 : i32 to vector<16xi32>
    %shift_right_arithmetic3A_49 = arith.shrsi %get3A_33, %shift_right_arithmetic3A_48 : vector<16xi32>
    %and3A_50 = arith.constant 1 : i32
    %and3A_51 = vector.broadcast %and3A_50 : i32 to vector<16xi32>
    %and3A_52 = arith.andi %shift_right_arithmetic3A_49, %and3A_51 : vector<16xi32>
    %add3A_53 = arith.addi %add3A_46, %and3A_52 : vector<16xi32>
    %swap3A_54 = arith.constant 0 : i32
    %swap3A_55 = arith.index_cast %swap3A_54 : i32 to index
    %swap3A_56 = arith.constant 16 : index
    %swap3A_57 = tpu.vector_load %arg8[%swap3A_55, %swap3A_56] {strides = array<i32>} : memref<4x128xi32, #tpu.memory_space<vmem>>, vector<1x16xi32>,
    %swap3A_58 = vector.shape_cast %swap3A_57 : vector<1x16xi32> to vector<16xi32>
    %swap3A_59 = vector.shape_cast %add3A_53 : vector<16xi32> to vector<1x16xi32>
    tpu.vector_store %arg8[%swap3A_55, %swap3A_56], %swap3A_59 {strides = array<i32>} : memref<4x128xi32, #tpu.memory_space<vmem>>, vector<1x16xi32>,
    %get3A_60 = arith.constant 0 : i32
    %get3A_61 = arith.index_cast %get3A_60 : i32 to index
    %get3A_62 = arith.constant 32 : index
    %get3A_63 = tpu.vector_load %arg8[%get3A_61, %get3A_62] {strides = array<i32>} : memref<4x128xi32, #tpu.memory_space<vmem>>, vector<1x16xi32>,
    %get3A_64 = vector.shape_cast %get3A_63 : vector<1x16xi32> to vector<16xi32>
    %shift_right_arithmetic3A_65 = arith.constant 12 : i32
    %shift_right_arithmetic3A_66 = vector.broadcast %shift_right_arithmetic3A_65 : i32 to vector<16xi32>
    %shift_right_arithmetic3A_67 = arith.shrsi %get3A_64, %shift_right_arithmetic3A_66 : vector<16xi32>
    %shift_left3A_68 = arith.constant 12 : i32
    %shift_left3A_69 = vector.broadcast %shift_left3A_68 : i32 to vector<16xi32>
    %shift_left3A_70 = arith.shli %shift_right_arithmetic3A_67, %shift_left3A_69 : vector<16xi32>
    %and3A_71 = arith.constant 2047 : i32
    %and3A_72 = vector.broadcast %and3A_71 : i32 to vector<16xi32>
    %and3A_73 = arith.andi %get3A_64, %and3A_72 : vector<16xi32>
    %shift_left3A_74 = arith.constant 1 : i32
    %shift_left3A_75 = vector.broadcast %shift_left3A_74 : i32 to vector<16xi32>
    %shift_left3A_76 = arith.shli %and3A_73, %shift_left3A_75 : vector<16xi32>
    %add3A_77 = arith.addi %shift_left3A_70, %shift_left3A_76 : vector<16xi32>
    %shift_right_arithmetic3A_78 = arith.constant 11 : i32
    %shift_right_arithmetic3A_79 = vector.broadcast %shift_right_arithmetic3A_78 : i32 to vector<16xi32>
    %shift_right_arithmetic3A_80 = arith.shrsi %get3A_64, %shift_right_arithmetic3A_79 : vector<16xi32>
    %and3A_81 = arith.constant 1 : i32
    %and3A_82 = vector.broadcast %and3A_81 : i32 to vector<16xi32>
    %and3A_83 = arith.andi %shift_right_arithmetic3A_80, %and3A_82 : vector<16xi32>
    %add3A_84 = arith.addi %add3A_77, %and3A_83 : vector<16xi32>
    %swap3A_85 = arith.constant 0 : i32
    %swap3A_86 = arith.index_cast %swap3A_85 : i32 to index
    %swap3A_87 = arith.constant 32 : index
    %swap3A_88 = tpu.vector_load %arg8[%swap3A_86, %swap3A_87] {strides = array<i32>} : memref<4x128xi32, #tpu.memory_space<vmem>>, vector<1x16xi32>,
    %swap3A_89 = vector.shape_cast %swap3A_88 : vector<1x16xi32> to vector<16xi32>
    %swap3A_90 = vector.shape_cast %add3A_84 : vector<16xi32> to vector<1x16xi32>
    tpu.vector_store %arg8[%swap3A_86, %swap3A_87], %swap3A_90 {strides = array<i32>} : memref<4x128xi32, #tpu.memory_space<vmem>>, vector<1x16xi32>,
    %get3A_91 = arith.constant 0 : i32
    %get3A_92 = arith.index_cast %get3A_91 : i32 to index
    %get3A_93 = arith.constant 48 : index
    %get3A_94 = tpu.vector_load %arg8[%get3A_92, %get3A_93] {strides = array<i32>} : memref<4x128xi32, #tpu.memory_space<vmem>>, vector<1x16xi32>,
    %get3A_95 = vector.shape_cast %get3A_94 : vector<1x16xi32> to vector<16xi32>
    %shift_right_arithmetic3A_96 = arith.constant 12 : i32
    %shift_right_arithmetic3A_97 = vector.broadcast %shift_right_arithmetic3A_96 : i32 to vector<16xi32>
    %shift_right_arithmetic3A_98 = arith.shrsi %get3A_95, %shift_right_arithmetic3A_97 : vector<16xi32>
    %shift_left3A_99 = arith.constant 12 : i32
    %shift_left3A_100 = vector.broadcast %shift_left3A_99 : i32 to vector<16xi32>
    %shift_left3A_101 = arith.shli %shift_right_arithmetic3A_98, %shift_left3A_100 : vector<16xi32>
    %and3A_102 = arith.constant 2047 : i32
    %and3A_103 = vector.broadcast %and3A_102 : i32 to vector<16xi32>
    %and3A_104 = arith.andi %get3A_95, %and3A_103 : vector<16xi32>
    %shift_left3A_105 = arith.constant 1 : i32
    %shift_left3A_106 = vector.broadcast %shift_left3A_105 : i32 to vector<16xi32>
    %shift_left3A_107 = arith.shli %and3A_104, %shift_left3A_106 : vector<16xi32>
    %add3A_108 = arith.addi %shift_left3A_101, %shift_left3A_107 : vector<16xi32>
    %shift_right_arithmetic3A_109 = arith.constant 11 : i32
    %shift_right_arithmetic3A_110 = vector.broadcast %shift_right_arithmetic3A_109 : i32 to vector<16xi32>
    %shift_right_arithmetic3A_111 = arith.shrsi %get3A_95, %shift_right_arithmetic3A_110 : vector<16xi32>
    %and3A_112 = arith.constant 1 : i32
    %and3A_113 = vector.broadcast %and3A_112 : i32 to vector<16xi32>
    %and3A_114 = arith.andi %shift_right_arithmetic3A_111, %and3A_113 : vector<16xi32>
    %add3A_115 = arith.addi %add3A_108, %and3A_114 : vector<16xi32>
    %swap3A_116 = arith.constant 0 : i32
    %swap3A_117 = arith.index_cast %swap3A_116 : i32 to index
    %swap3A_118 = arith.constant 48 : index
    %swap3A_119 = tpu.vector_load %arg8[%swap3A_117, %swap3A_118] {strides = array<i32>} : memref<4x128xi32, #tpu.memory_space<vmem>>, vector<1x16xi32>,
    %swap3A_120 = vector.shape_cast %swap3A_119 : vector<1x16xi32> to vector<16xi32>
    %swap3A_121 = vector.shape_cast %add3A_115 : vector<16xi32> to vector<1x16xi32>
    tpu.vector_store %arg8[%swap3A_117, %swap3A_118], %swap3A_121 {strides = array<i32>} : memref<4x128xi32, #tpu.memory_space<vmem>>, vector<1x16xi32>,
    %get3A_122 = arith.constant 0 : i32
    %get3A_123 = arith.index_cast %get3A_122 : i32 to index
    %get3A_124 = arith.constant 64 : index
    %get3A_125 = tpu.vector_load %arg8[%get3A_123, %get3A_124] {strides = array<i32>} : memref<4x128xi32, #tpu.memory_space<vmem>>, vector<1x16xi32>,
    %get3A_126 = vector.shape_cast %get3A_125 : vector<1x16xi32> to vector<16xi32>
    %shift_right_arithmetic3A_127 = arith.constant 12 : i32
    %shift_right_arithmetic3A_128 = vector.broadcast %shift_right_arithmetic3A_127 : i32 to vector<16xi32>
    %shift_right_arithmetic3A_129 = arith.shrsi %get3A_126, %shift_right_arithmetic3A_128 : vector<16xi32>
    %shift_left3A_130 = arith.constant 12 : i32
    %shift_left3A_131 = vector.broadcast %shift_left3A_130 : i32 to vector<16xi32>
    %shift_left3A_132 = arith.shli %shift_right_arithmetic3A_129, %shift_left3A_131 : vector<16xi32>
    %and3A_133 = arith.constant 2047 : i32
    %and3A_134 = vector.broadcast %and3A_133 : i32 to vector<16xi32>
    %and3A_135 = arith.andi %get3A_126, %and3A_134 : vector<16xi32>
    %shift_left3A_136 = arith.constant 1 : i32
    %shift_left3A_137 = vector.broadcast %shift_left3A_136 : i32 to vector<16xi32>
    %shift_left3A_138 = arith.shli %and3A_135, %shift_left3A_137 : vector<16xi32>
    %add3A_139 = arith.addi %shift_left3A_132, %shift_left3A_138 : vector<16xi32>
    %shift_right_arithmetic3A_140 = arith.constant 11 : i32
    %shift_right_arithmetic3A_141 = vector.broadcast %shift_right_arithmetic3A_140 : i32 to vector<16xi32>
    %shift_right_arithmetic3A_142 = arith.shrsi %get3A_126, %shift_right_arithmetic3A_141 : vector<16xi32>
    %and3A_143 = arith.constant 1 : i32
    %and3A_144 = vector.broadcast %and3A_143 : i32 to vector<16xi32>
    %and3A_145 = arith.andi %shift_right_arithmetic3A_142, %and3A_144 : vector<16xi32>
    %add3A_146 = arith.addi %add3A_139, %and3A_145 : vector<16xi32>
    %swap3A_147 = arith.constant 0 : i32
    %swap3A_148 = arith.index_cast %swap3A_147 : i32 to index
    %swap3A_149 = arith.constant 64 : index
    %swap3A_150 = tpu.vector_load %arg8[%swap3A_148, %swap3A_149] {strides = array<i32>} : memref<4x128xi32, #tpu.memory_space<vmem>>, vector<1x16xi32>,
    %swap3A_151 = vector.shape_cast %swap3A_150 : vector<1x16xi32> to vector<16xi32>
    %swap3A_152 = vector.shape_cast %add3A_146 : vector<16xi32> to vector<1x16xi32>
    tpu.vector_store %arg8[%swap3A_148, %swap3A_149], %swap3A_152 {strides = array<i32>} : memref<4x128xi32, #tpu.memory_space<vmem>>, vector<1x16xi32>,
    %get3A_153 = arith.constant 0 : i32
    %get3A_154 = arith.index_cast %get3A_153 : i32 to index
    %get3A_155 = arith.constant 80 : index
    %get3A_156 = tpu.vector_load %arg8[%get3A_154, %get3A_155] {strides = array<i32>} : memref<4x128xi32, #tpu.memory_space<vmem>>, vector<1x16xi32>,
    %get3A_157 = vector.shape_cast %get3A_156 : vector<1x16xi32> to vector<16xi32>
    %shift_right_arithmetic3A_158 = arith.constant 12 : i32
    %shift_right_arithmetic3A_159 = vector.broadcast %shift_right_arithmetic3A_158 : i32 to vector<16xi32>
    %shift_right_arithmetic3A_160 = arith.shrsi %get3A_157, %shift_right_arithmetic3A_159 : vector<16xi32>
    %shift_left3A_161 = arith.constant 12 : i32
    %shift_left3A_162 = vector.broadcast %shift_left3A_161 : i32 to vector<16xi32>
    %shift_left3A_163 = arith.shli %shift_right_arithmetic3A_160, %shift_left3A_162 : vector<16xi32>
    %and3A_164 = arith.constant 2047 : i32
    %and3A_165 = vector.broadcast %and3A_164 : i32 to vector<16xi32>
    %and3A_166 = arith.andi %get3A_157, %and3A_165 : vector<16xi32>
    %shift_left3A_167 = arith.constant 1 : i32
    %shift_left3A_168 = vector.broadcast %shift_left3A_167 : i32 to vector<16xi32>
    %shift_left3A_169 = arith.shli %and3A_166, %shift_left3A_168 : vector<16xi32>
    %add3A_170 = arith.addi %shift_left3A_163, %shift_left3A_169 : vector<16xi32>
    %shift_right_arithmetic3A_171 = arith.constant 11 : i32
    %shift_right_arithmetic3A_172 = vector.broadcast %shift_right_arithmetic3A_171 : i32 to vector<16xi32>
    %shift_right_arithmetic3A_173 = arith.shrsi %get3A_157, %shift_right_arithmetic3A_172 : vector<16xi32>
    %and3A_174 = arith.constant 1 : i32
    %and3A_175 = vector.broadcast %and3A_174 : i32 to vector<16xi32>
    %and3A_176 = arith.andi %shift_right_arithmetic3A_173, %and3A_175 : vector<16xi32>
    %add3A_177 = arith.addi %add3A_170, %and3A_176 : vector<16xi32>
    %swap3A_178 = arith.constant 0 : i32
    %swap3A_179 = arith.index_cast %swap3A_178 : i32 to index
    %swap3A_180 = arith.constant 80 : index
    %swap3A_181 = tpu.vector_load %arg8[%swap3A_179, %swap3A_180] {strides = array<i32>} : memref<4x128xi32, #tpu.memory_space<vmem>>, vector<1x16xi32>,
    %swap3A_182 = vector.shape_cast %swap3A_181 : vector<1x16xi32> to vector<16xi32>
    %swap3A_183 = vector.shape_cast %add3A_177 : vector<16xi32> to vector<1x16xi32>
    tpu.vector_store %arg8[%swap3A_179, %swap3A_180], %swap3A_183 {strides = array<i32>} : memref<4x128xi32, #tpu.memory_space<vmem>>, vector<1x16xi32>,
    %get3A_184 = arith.constant 0 : i32
    %get3A_185 = arith.index_cast %get3A_184 : i32 to index
    %get3A_186 = arith.constant 96 : index
    %get3A_187 = tpu.vector_load %arg8[%get3A_185, %get3A_186] {strides = array<i32>} : memref<4x128xi32, #tpu.memory_space<vmem>>, vector<1x16xi32>,
    %get3A_188 = vector.shape_cast %get3A_187 : vector<1x16xi32> to vector<16xi32>
    %shift_right_arithmetic3A_189 = arith.constant 12 : i32
    %shift_right_arithmetic3A_190 = vector.broadcast %shift_right_arithmetic3A_189 : i32 to vector<16xi32>
    %shift_right_arithmetic3A_191 = arith.shrsi %get3A_188, %shift_right_arithmetic3A_190 : vector<16xi32>
    %shift_left3A_192 = arith.constant 12 : i32
    %shift_left3A_193 = vector.broadcast %shift_left3A_192 : i32 to vector<16xi32>
    %shift_left3A_194 = arith.shli %shift_right_arithmetic3A_191, %shift_left3A_193 : vector<16xi32>
    %and3A_195 = arith.constant 2047 : i32
    %and3A_196 = vector.broadcast %and3A_195 : i32 to vector<16xi32>
    %and3A_197 = arith.andi %get3A_188, %and3A_196 : vector<16xi32>
    %shift_left3A_198 = arith.constant 1 : i32
    %shift_left3A_199 = vector.broadcast %shift_left3A_198 : i32 to vector<16xi32>
    %shift_left3A_200 = arith.shli %and3A_197, %shift_left3A_199 : vector<16xi32>
    %add3A_201 = arith.addi %shift_left3A_194, %shift_left3A_200 : vector<16xi32>
    %shift_right_arithmetic3A_202 = arith.constant 11 : i32
    %shift_right_arithmetic3A_203 = vector.broadcast %shift_right_arithmetic3A_202 : i32 to vector<16xi32>
    %shift_right_arithmetic3A_204 = arith.shrsi %get3A_188, %shift_right_arithmetic3A_203 : vector<16xi32>
    %and3A_205 = arith.constant 1 : i32
    %and3A_206 = vector.broadcast %and3A_205 : i32 to vector<16xi32>
    %and3A_207 = arith.andi %shift_right_arithmetic3A_204, %and3A_206 : vector<16xi32>
    %add3A_208 = arith.addi %add3A_201, %and3A_207 : vector<16xi32>
    %swap3A_209 = arith.constant 0 : i32
    %swap3A_210 = arith.index_cast %swap3A_209 : i32 to index
    %swap3A_211 = arith.constant 96 : index
    %swap3A_212 = tpu.vector_load %arg8[%swap3A_210, %swap3A_211] {strides = array<i32>} : memref<4x128xi32, #tpu.memory_space<vmem>>, vector<1x16xi32>,
    %swap3A_213 = vector.shape_cast %swap3A_212 : vector<1x16xi32> to vector<16xi32>
    %swap3A_214 = vector.shape_cast %add3A_208 : vector<16xi32> to vector<1x16xi32>
    tpu.vector_store %arg8[%swap3A_210, %swap3A_211], %swap3A_214 {strides = array<i32>} : memref<4x128xi32, #tpu.memory_space<vmem>>, vector<1x16xi32>,
    %get3A_215 = arith.constant 0 : i32
    %get3A_216 = arith.index_cast %get3A_215 : i32 to index
    %get3A_217 = arith.constant 112 : index
    %get3A_218 = tpu.vector_load %arg8[%get3A_216, %get3A_217] {strides = array<i32>} : memref<4x128xi32, #tpu.memory_space<vmem>>, vector<1x16xi32>,
    %get3A_219 = vector.shape_cast %get3A_218 : vector<1x16xi32> to vector<16xi32>
    %shift_right_arithmetic3A_220 = arith.constant 12 : i32
    %shift_right_arithmetic3A_221 = vector.broadcast %shift_right_arithmetic3A_220 : i32 to vector<16xi32>
    %shift_right_arithmetic3A_222 = arith.shrsi %get3A_219, %shift_right_arithmetic3A_221 : vector<16xi32>
    %shift_left3A_223 = arith.constant 12 : i32
    %shift_left3A_224 = vector.broadcast %shift_left3A_223 : i32 to vector<16xi32>
    %shift_left3A_225 = arith.shli %shift_right_arithmetic3A_222, %shift_left3A_224 : vector<16xi32>
    %and3A_226 = arith.constant 2047 : i32
    %and3A_227 = vector.broadcast %and3A_226 : i32 to vector<16xi32>
    %and3A_228 = arith.andi %get3A_219, %and3A_227 : vector<16xi32>
    %shift_left3A_229 = arith.constant 1 : i32
    %shift_left3A_230 = vector.broadcast %shift_left3A_229 : i32 to vector<16xi32>
    %shift_left3A_231 = arith.shli %and3A_228, %shift_left3A_230 : vector<16xi32>
    %add3A_232 = arith.addi %shift_left3A_225, %shift_left3A_231 : vector<16xi32>
    %shift_right_arithmetic3A_233 = arith.constant 11 : i32
    %shift_right_arithmetic3A_234 = vector.broadcast %shift_right_arithmetic3A_233 : i32 to vector<16xi32>
    %shift_right_arithmetic3A_235 = arith.shrsi %get3A_219, %shift_right_arithmetic3A_234 : vector<16xi32>
    %and3A_236 = arith.constant 1 : i32
    %and3A_237 = vector.broadcast %and3A_236 : i32 to vector<16xi32>
    %and3A_238 = arith.andi %shift_right_arithmetic3A_235, %and3A_237 : vector<16xi32>
    %add3A_239 = arith.addi %add3A_232, %and3A_238 : vector<16xi32>
    %swap3A_240 = arith.constant 0 : i32
    %swap3A_241 = arith.index_cast %swap3A_240 : i32 to index
    %swap3A_242 = arith.constant 112 : index
    %swap3A_243 = tpu.vector_load %arg8[%swap3A_241, %swap3A_242] {strides = array<i32>} : memref<4x128xi32, #tpu.memory_space<vmem>>, vector<1x16xi32>,
    %swap3A_244 = vector.shape_cast %swap3A_243 : vector<1x16xi32> to vector<16xi32>
    %swap3A_245 = vector.shape_cast %add3A_239 : vector<16xi32> to vector<1x16xi32>
    tpu.vector_store %arg8[%swap3A_241, %swap3A_242], %swap3A_245 {strides = array<i32>} : memref<4x128xi32, #tpu.memory_space<vmem>>, vector<1x16xi32>,
    %get3A_246 = arith.constant 1 : i32
    %get3A_247 = arith.index_cast %get3A_246 : i32 to index
    %get3A_248 = arith.constant 0 : index
    %get3A_249 = tpu.vector_load %arg8[%get3A_247, %get3A_248] {strides = array<i32>} : memref<4x128xi32, #tpu.memory_space<vmem>>, vector<1x16xi32>,
    %get3A_250 = vector.shape_cast %get3A_249 : vector<1x16xi32> to vector<16xi32>
    %shift_right_arithmetic3A_251 = arith.constant 12 : i32
    %shift_right_arithmetic3A_252 = vector.broadcast %shift_right_arithmetic3A_251 : i32 to vector<16xi32>
    %shift_right_arithmetic3A_253 = arith.shrsi %get3A_250, %shift_right_arithmetic3A_252 : vector<16xi32>
    %shift_left3A_254 = arith.constant 12 : i32
    %shift_left3A_255 = vector.broadcast %shift_left3A_254 : i32 to vector<16xi32>
    %shift_left3A_256 = arith.shli %shift_right_arithmetic3A_253, %shift_left3A_255 : vector<16xi32>
    %and3A_257 = arith.constant 2047 : i32
    %and3A_258 = vector.broadcast %and3A_257 : i32 to vector<16xi32>
    %and3A_259 = arith.andi %get3A_250, %and3A_258 : vector<16xi32>
    %shift_left3A_260 = arith.constant 1 : i32
    %shift_left3A_261 = vector.broadcast %shift_left3A_260 : i32 to vector<16xi32>
    %shift_left3A_262 = arith.shli %and3A_259, %shift_left3A_261 : vector<16xi32>
    %add3A_263 = arith.addi %shift_left3A_256, %shift_left3A_262 : vector<16xi32>
    %shift_right_arithmetic3A_264 = arith.constant 11 : i32
    %shift_right_arithmetic3A_265 = vector.broadcast %shift_right_arithmetic3A_264 : i32 to vector<16xi32>
    %shift_right_arithmetic3A_266 = arith.shrsi %get3A_250, %shift_right_arithmetic3A_265 : vector<16xi32>
    %and3A_267 = arith.constant 1 : i32
    %and3A_268 = vector.broadcast %and3A_267 : i32 to vector<16xi32>
    %and3A_269 = arith.andi %shift_right_arithmetic3A_266, %and3A_268 : vector<16xi32>
    %add3A_270 = arith.addi %add3A_263, %and3A_269 : vector<16xi32>
    %swap3A_271 = arith.constant 1 : i32
    %swap3A_272 = arith.index_cast %swap3A_271 : i32 to index
    %swap3A_273 = arith.constant 0 : index
    %swap3A_274 = tpu.vector_load %arg8[%swap3A_272, %swap3A_273] {strides = array<i32>} : memref<4x128xi32, #tpu.memory_space<vmem>>, vector<1x16xi32>,
    %swap3A_275 = vector.shape_cast %swap3A_274 : vector<1x16xi32> to vector<16xi32>
    %swap3A_276 = vector.shape_cast %add3A_270 : vector<16xi32> to vector<1x16xi32>
    tpu.vector_store %arg8[%swap3A_272, %swap3A_273], %swap3A_276 {strides = array<i32>} : memref<4x128xi32, #tpu.memory_space<vmem>>, vector<1x16xi32>,
    %get3A_277 = arith.constant 1 : i32
    %get3A_278 = arith.index_cast %get3A_277 : i32 to index
    %get3A_279 = arith.constant 16 : index
    %get3A_280 = tpu.vector_load %arg8[%get3A_278, %get3A_279] {strides = array<i32>} : memref<4x128xi32, #tpu.memory_space<vmem>>, vector<1x16xi32>,
    %get3A_281 = vector.shape_cast %get3A_280 : vector<1x16xi32> to vector<16xi32>
    %shift_right_arithmetic3A_282 = arith.constant 12 : i32
    %shift_right_arithmetic3A_283 = vector.broadcast %shift_right_arithmetic3A_282 : i32 to vector<16xi32>
    %shift_right_arithmetic3A_284 = arith.shrsi %get3A_281, %shift_right_arithmetic3A_283 : vector<16xi32>
    %shift_left3A_285 = arith.constant 12 : i32
    %shift_left3A_286 = vector.broadcast %shift_left3A_285 : i32 to vector<16xi32>
    %shift_left3A_287 = arith.shli %shift_right_arithmetic3A_284, %shift_left3A_286 : vector<16xi32>
    %and3A_288 = arith.constant 2047 : i32
    %and3A_289 = vector.broadcast %and3A_288 : i32 to vector<16xi32>
    %and3A_290 = arith.andi %get3A_281, %and3A_289 : vector<16xi32>
    %shift_left3A_291 = arith.constant 1 : i32
    %shift_left3A_292 = vector.broadcast %shift_left3A_291 : i32 to vector<16xi32>
    %shift_left3A_293 = arith.shli %and3A_290, %shift_left3A_292 : vector<16xi32>
    %add3A_294 = arith.addi %shift_left3A_287, %shift_left3A_293 : vector<16xi32>
    %shift_right_arithmetic3A_295 = arith.constant 11 : i32
    %shift_right_arithmetic3A_296 = vector.broadcast %shift_right_arithmetic3A_295 : i32 to vector<16xi32>
    %shift_right_arithmetic3A_297 = arith.shrsi %get3A_281, %shift_right_arithmetic3A_296 : vector<16xi32>
    %and3A_298 = arith.constant 1 : i32
    %and3A_299 = vector.broadcast %and3A_298 : i32 to vector<16xi32>
    %and3A_300 = arith.andi %shift_right_arithmetic3A_297, %and3A_299 : vector<16xi32>
    %add3A_301 = arith.addi %add3A_294, %and3A_300 : vector<16xi32>
    %swap3A_302 = arith.constant 1 : i32
    %swap3A_303 = arith.index_cast %swap3A_302 : i32 to index
    %swap3A_304 = arith.constant 16 : index
    %swap3A_305 = tpu.vector_load %arg8[%swap3A_303, %swap3A_304] {strides = array<i32>} : memref<4x128xi32, #tpu.memory_space<vmem>>, vector<1x16xi32>,
    %swap3A_306 = vector.shape_cast %swap3A_305 : vector<1x16xi32> to vector<16xi32>
    %swap3A_307 = vector.shape_cast %add3A_301 : vector<16xi32> to vector<1x16xi32>
    tpu.vector_store %arg8[%swap3A_303, %swap3A_304], %swap3A_307 {strides = array<i32>} : memref<4x128xi32, #tpu.memory_space<vmem>>, vector<1x16xi32>,
    %get3A_308 = arith.constant 1 : i32
    %get3A_309 = arith.index_cast %get3A_308 : i32 to index
    %get3A_310 = arith.constant 32 : index
    %get3A_311 = tpu.vector_load %arg8[%get3A_309, %get3A_310] {strides = array<i32>} : memref<4x128xi32, #tpu.memory_space<vmem>>, vector<1x16xi32>,
    %get3A_312 = vector.shape_cast %get3A_311 : vector<1x16xi32> to vector<16xi32>
    %shift_right_arithmetic3A_313 = arith.constant 12 : i32
    %shift_right_arithmetic3A_314 = vector.broadcast %shift_right_arithmetic3A_313 : i32 to vector<16xi32>
    %shift_right_arithmetic3A_315 = arith.shrsi %get3A_312, %shift_right_arithmetic3A_314 : vector<16xi32>
    %shift_left3A_316 = arith.constant 12 : i32
    %shift_left3A_317 = vector.broadcast %shift_left3A_316 : i32 to vector<16xi32>
    %shift_left3A_318 = arith.shli %shift_right_arithmetic3A_315, %shift_left3A_317 : vector<16xi32>
    %and3A_319 = arith.constant 2047 : i32
    %and3A_320 = vector.broadcast %and3A_319 : i32 to vector<16xi32>
    %and3A_321 = arith.andi %get3A_312, %and3A_320 : vector<16xi32>
    %shift_left3A_322 = arith.constant 1 : i32
    %shift_left3A_323 = vector.broadcast %shift_left3A_322 : i32 to vector<16xi32>
    %shift_left3A_324 = arith.shli %and3A_321, %shift_left3A_323 : vector<16xi32>
    %add3A_325 = arith.addi %shift_left3A_318, %shift_left3A_324 : vector<16xi32>
    %shift_right_arithmetic3A_326 = arith.constant 11 : i32
    %shift_right_arithmetic3A_327 = vector.broadcast %shift_right_arithmetic3A_326 : i32 to vector<16xi32>
    %shift_right_arithmetic3A_328 = arith.shrsi %get3A_312, %shift_right_arithmetic3A_327 : vector<16xi32>
    %and3A_329 = arith.constant 1 : i32
    %and3A_330 = vector.broadcast %and3A_329 : i32 to vector<16xi32>
    %and3A_331 = arith.andi %shift_right_arithmetic3A_328, %and3A_330 : vector<16xi32>
    %add3A_332 = arith.addi %add3A_325, %and3A_331 : vector<16xi32>
    %swap3A_333 = arith.constant 1 : i32
    %swap3A_334 = arith.index_cast %swap3A_333 : i32 to index
    %swap3A_335 = arith.constant 32 : index
    %swap3A_336 = tpu.vector_load %arg8[%swap3A_334, %swap3A_335] {strides = array<i32>} : memref<4x128xi32, #tpu.memory_space<vmem>>, vector<1x16xi32>,
    %swap3A_337 = vector.shape_cast %swap3A_336 : vector<1x16xi32> to vector<16xi32>
    %swap3A_338 = vector.shape_cast %add3A_332 : vector<16xi32> to vector<1x16xi32>
    tpu.vector_store %arg8[%swap3A_334, %swap3A_335], %swap3A_338 {strides = array<i32>} : memref<4x128xi32, #tpu.memory_space<vmem>>, vector<1x16xi32>,
    %get3A_339 = arith.constant 1 : i32
    %get3A_340 = arith.index_cast %get3A_339 : i32 to index
    %get3A_341 = arith.constant 48 : index
    %get3A_342 = tpu.vector_load %arg8[%get3A_340, %get3A_341] {strides = array<i32>} : memref<4x128xi32, #tpu.memory_space<vmem>>, vector<1x16xi32>,
    %get3A_343 = vector.shape_cast %get3A_342 : vector<1x16xi32> to vector<16xi32>
    %shift_right_arithmetic3A_344 = arith.constant 12 : i32
    %shift_right_arithmetic3A_345 = vector.broadcast %shift_right_arithmetic3A_344 : i32 to vector<16xi32>
    %shift_right_arithmetic3A_346 = arith.shrsi %get3A_343, %shift_right_arithmetic3A_345 : vector<16xi32>
    %shift_left3A_347 = arith.constant 12 : i32
    %shift_left3A_348 = vector.broadcast %shift_left3A_347 : i32 to vector<16xi32>
    %shift_left3A_349 = arith.shli %shift_right_arithmetic3A_346, %shift_left3A_348 : vector<16xi32>
    %and3A_350 = arith.constant 2047 : i32
    %and3A_351 = vector.broadcast %and3A_350 : i32 to vector<16xi32>
    %and3A_352 = arith.andi %get3A_343, %and3A_351 : vector<16xi32>
    %shift_left3A_353 = arith.constant 1 : i32
    %shift_left3A_354 = vector.broadcast %shift_left3A_353 : i32 to vector<16xi32>
    %shift_left3A_355 = arith.shli %and3A_352, %shift_left3A_354 : vector<16xi32>
    %add3A_356 = arith.addi %shift_left3A_349, %shift_left3A_355 : vector<16xi32>
    %shift_right_arithmetic3A_357 = arith.constant 11 : i32
    %shift_right_arithmetic3A_358 = vector.broadcast %shift_right_arithmetic3A_357 : i32 to vector<16xi32>
    %shift_right_arithmetic3A_359 = arith.shrsi %get3A_343, %shift_right_arithmetic3A_358 : vector<16xi32>
    %and3A_360 = arith.constant 1 : i32
    %and3A_361 = vector.broadcast %and3A_360 : i32 to vector<16xi32>
    %and3A_362 = arith.andi %shift_right_arithmetic3A_359, %and3A_361 : vector<16xi32>
    %add3A_363 = arith.addi %add3A_356, %and3A_362 : vector<16xi32>
    %swap3A_364 = arith.constant 1 : i32
    %swap3A_365 = arith.index_cast %swap3A_364 : i32 to index
    %swap3A_366 = arith.constant 48 : index
    %swap3A_367 = tpu.vector_load %arg8[%swap3A_365, %swap3A_366] {strides = array<i32>} : memref<4x128xi32, #tpu.memory_space<vmem>>, vector<1x16xi32>,
    %swap3A_368 = vector.shape_cast %swap3A_367 : vector<1x16xi32> to vector<16xi32>
    %swap3A_369 = vector.shape_cast %add3A_363 : vector<16xi32> to vector<1x16xi32>
    tpu.vector_store %arg8[%swap3A_365, %swap3A_366], %swap3A_369 {strides = array<i32>} : memref<4x128xi32, #tpu.memory_space<vmem>>, vector<1x16xi32>,
    %get3A_370 = arith.constant 1 : i32
    %get3A_371 = arith.index_cast %get3A_370 : i32 to index
    %get3A_372 = arith.constant 64 : index
    %get3A_373 = tpu.vector_load %arg8[%get3A_371, %get3A_372] {strides = array<i32>} : memref<4x128xi32, #tpu.memory_space<vmem>>, vector<1x16xi32>,
    %get3A_374 = vector.shape_cast %get3A_373 : vector<1x16xi32> to vector<16xi32>
    %shift_right_arithmetic3A_375 = arith.constant 12 : i32
    %shift_right_arithmetic3A_376 = vector.broadcast %shift_right_arithmetic3A_375 : i32 to vector<16xi32>
    %shift_right_arithmetic3A_377 = arith.shrsi %get3A_374, %shift_right_arithmetic3A_376 : vector<16xi32>
    %shift_left3A_378 = arith.constant 12 : i32
    %shift_left3A_379 = vector.broadcast %shift_left3A_378 : i32 to vector<16xi32>
    %shift_left3A_380 = arith.shli %shift_right_arithmetic3A_377, %shift_left3A_379 : vector<16xi32>
    %and3A_381 = arith.constant 2047 : i32
    %and3A_382 = vector.broadcast %and3A_381 : i32 to vector<16xi32>
    %and3A_383 = arith.andi %get3A_374, %and3A_382 : vector<16xi32>
    %shift_left3A_384 = arith.constant 1 : i32
    %shift_left3A_385 = vector.broadcast %shift_left3A_384 : i32 to vector<16xi32>
    %shift_left3A_386 = arith.shli %and3A_383, %shift_left3A_385 : vector<16xi32>
    %add3A_387 = arith.addi %shift_left3A_380, %shift_left3A_386 : vector<16xi32>
    %shift_right_arithmetic3A_388 = arith.constant 11 : i32
    %shift_right_arithmetic3A_389 = vector.broadcast %shift_right_arithmetic3A_388 : i32 to vector<16xi32>
    %shift_right_arithmetic3A_390 = arith.shrsi %get3A_374, %shift_right_arithmetic3A_389 : vector<16xi32>
    %and3A_391 = arith.constant 1 : i32
    %and3A_392 = vector.broadcast %and3A_391 : i32 to vector<16xi32>
    %and3A_393 = arith.andi %shift_right_arithmetic3A_390, %and3A_392 : vector<16xi32>
    %add3A_394 = arith.addi %add3A_387, %and3A_393 : vector<16xi32>
    %swap3A_395 = arith.constant 1 : i32
    %swap3A_396 = arith.index_cast %swap3A_395 : i32 to index
    %swap3A_397 = arith.constant 64 : index
    %swap3A_398 = tpu.vector_load %arg8[%swap3A_396, %swap3A_397] {strides = array<i32>} : memref<4x128xi32, #tpu.memory_space<vmem>>, vector<1x16xi32>,
    %swap3A_399 = vector.shape_cast %swap3A_398 : vector<1x16xi32> to vector<16xi32>
    %swap3A_400 = vector.shape_cast %add3A_394 : vector<16xi32> to vector<1x16xi32>
    tpu.vector_store %arg8[%swap3A_396, %swap3A_397], %swap3A_400 {strides = array<i32>} : memref<4x128xi32, #tpu.memory_space<vmem>>, vector<1x16xi32>,
    %get3A_401 = arith.constant 1 : i32
    %get3A_402 = arith.index_cast %get3A_401 : i32 to index
    %get3A_403 = arith.constant 80 : index
    %get3A_404 = tpu.vector_load %arg8[%get3A_402, %get3A_403] {strides = array<i32>} : memref<4x128xi32, #tpu.memory_space<vmem>>, vector<1x16xi32>,
    %get3A_405 = vector.shape_cast %get3A_404 : vector<1x16xi32> to vector<16xi32>
    %shift_right_arithmetic3A_406 = arith.constant 12 : i32
    %shift_right_arithmetic3A_407 = vector.broadcast %shift_right_arithmetic3A_406 : i32 to vector<16xi32>
    %shift_right_arithmetic3A_408 = arith.shrsi %get3A_405, %shift_right_arithmetic3A_407 : vector<16xi32>
    %shift_left3A_409 = arith.constant 12 : i32
    %shift_left3A_410 = vector.broadcast %shift_left3A_409 : i32 to vector<16xi32>
    %shift_left3A_411 = arith.shli %shift_right_arithmetic3A_408, %shift_left3A_410 : vector<16xi32>
    %and3A_412 = arith.constant 2047 : i32
    %and3A_413 = vector.broadcast %and3A_412 : i32 to vector<16xi32>
    %and3A_414 = arith.andi %get3A_405, %and3A_413 : vector<16xi32>
    %shift_left3A_415 = arith.constant 1 : i32
    %shift_left3A_416 = vector.broadcast %shift_left3A_415 : i32 to vector<16xi32>
    %shift_left3A_417 = arith.shli %and3A_414, %shift_left3A_416 : vector<16xi32>
    %add3A_418 = arith.addi %shift_left3A_411, %shift_left3A_417 : vector<16xi32>
    %shift_right_arithmetic3A_419 = arith.constant 11 : i32
    %shift_right_arithmetic3A_420 = vector.broadcast %shift_right_arithmetic3A_419 : i32 to vector<16xi32>
    %shift_right_arithmetic3A_421 = arith.shrsi %get3A_405, %shift_right_arithmetic3A_420 : vector<16xi32>
    %and3A_422 = arith.constant 1 : i32
    %and3A_423 = vector.broadcast %and3A_422 : i32 to vector<16xi32>
    %and3A_424 = arith.andi %shift_right_arithmetic3A_421, %and3A_423 : vector<16xi32>
    %add3A_425 = arith.addi %add3A_418, %and3A_424 : vector<16xi32>
    %swap3A_426 = arith.constant 1 : i32
    %swap3A_427 = arith.index_cast %swap3A_426 : i32 to index
    %swap3A_428 = arith.constant 80 : index
    %swap3A_429 = tpu.vector_load %arg8[%swap3A_427, %swap3A_428] {strides = array<i32>} : memref<4x128xi32, #tpu.memory_space<vmem>>, vector<1x16xi32>,
    %swap3A_430 = vector.shape_cast %swap3A_429 : vector<1x16xi32> to vector<16xi32>
    %swap3A_431 = vector.shape_cast %add3A_425 : vector<16xi32> to vector<1x16xi32>
    tpu.vector_store %arg8[%swap3A_427, %swap3A_428], %swap3A_431 {strides = array<i32>} : memref<4x128xi32, #tpu.memory_space<vmem>>, vector<1x16xi32>,
    %get3A_432 = arith.constant 1 : i32
    %get3A_433 = arith.index_cast %get3A_432 : i32 to index
    %get3A_434 = arith.constant 96 : index
    %get3A_435 = tpu.vector_load %arg8[%get3A_433, %get3A_434] {strides = array<i32>} : memref<4x128xi32, #tpu.memory_space<vmem>>, vector<1x16xi32>,
    %get3A_436 = vector.shape_cast %get3A_435 : vector<1x16xi32> to vector<16xi32>
    %shift_right_arithmetic3A_437 = arith.constant 12 : i32
    %shift_right_arithmetic3A_438 = vector.broadcast %shift_right_arithmetic3A_437 : i32 to vector<16xi32>
    %shift_right_arithmetic3A_439 = arith.shrsi %get3A_436, %shift_right_arithmetic3A_438 : vector<16xi32>
    %shift_left3A_440 = arith.constant 12 : i32
    %shift_left3A_441 = vector.broadcast %shift_left3A_440 : i32 to vector<16xi32>
    %shift_left3A_442 = arith.shli %shift_right_arithmetic3A_439, %shift_left3A_441 : vector<16xi32>
    %and3A_443 = arith.constant 2047 : i32
    %and3A_444 = vector.broadcast %and3A_443 : i32 to vector<16xi32>
    %and3A_445 = arith.andi %get3A_436, %and3A_444 : vector<16xi32>
    %shift_left3A_446 = arith.constant 1 : i32
    %shift_left3A_447 = vector.broadcast %shift_left3A_446 : i32 to vector<16xi32>
    %shift_left3A_448 = arith.shli %and3A_445, %shift_left3A_447 : vector<16xi32>
    %add3A_449 = arith.addi %shift_left3A_442, %shift_left3A_448 : vector<16xi32>
    %shift_right_arithmetic3A_450 = arith.constant 11 : i32
    %shift_right_arithmetic3A_451 = vector.broadcast %shift_right_arithmetic3A_450 : i32 to vector<16xi32>
    %shift_right_arithmetic3A_452 = arith.shrsi %get3A_436, %shift_right_arithmetic3A_451 : vector<16xi32>
    %and3A_453 = arith.constant 1 : i32
    %and3A_454 = vector.broadcast %and3A_453 : i32 to vector<16xi32>
    %and3A_455 = arith.andi %shift_right_arithmetic3A_452, %and3A_454 : vector<16xi32>
    %add3A_456 = arith.addi %add3A_449, %and3A_455 : vector<16xi32>
    %swap3A_457 = arith.constant 1 : i32
    %swap3A_458 = arith.index_cast %swap3A_457 : i32 to index
    %swap3A_459 = arith.constant 96 : index
    %swap3A_460 = tpu.vector_load %arg8[%swap3A_458, %swap3A_459] {strides = array<i32>} : memref<4x128xi32, #tpu.memory_space<vmem>>, vector<1x16xi32>,
    %swap3A_461 = vector.shape_cast %swap3A_460 : vector<1x16xi32> to vector<16xi32>
    %swap3A_462 = vector.shape_cast %add3A_456 : vector<16xi32> to vector<1x16xi32>
    tpu.vector_store %arg8[%swap3A_458, %swap3A_459], %swap3A_462 {strides = array<i32>} : memref<4x128xi32, #tpu.memory_space<vmem>>, vector<1x16xi32>,
    %get3A_463 = arith.constant 1 : i32
    %get3A_464 = arith.index_cast %get3A_463 : i32 to index
    %get3A_465 = arith.constant 112 : index
    %get3A_466 = tpu.vector_load %arg8[%get3A_464, %get3A_465] {strides = array<i32>} : memref<4x128xi32, #tpu.memory_space<vmem>>, vector<1x16xi32>,
    %get3A_467 = vector.shape_cast %get3A_466 : vector<1x16xi32> to vector<16xi32>
    %shift_right_arithmetic3A_468 = arith.constant 12 : i32
    %shift_right_arithmetic3A_469 = vector.broadcast %shift_right_arithmetic3A_468 : i32 to vector<16xi32>
    %shift_right_arithmetic3A_470 = arith.shrsi %get3A_467, %shift_right_arithmetic3A_469 : vector<16xi32>
    %shift_left3A_471 = arith.constant 12 : i32
    %shift_left3A_472 = vector.broadcast %shift_left3A_471 : i32 to vector<16xi32>
    %shift_left3A_473 = arith.shli %shift_right_arithmetic3A_470, %shift_left3A_472 : vector<16xi32>
    %and3A_474 = arith.constant 2047 : i32
    %and3A_475 = vector.broadcast %and3A_474 : i32 to vector<16xi32>
    %and3A_476 = arith.andi %get3A_467, %and3A_475 : vector<16xi32>
    %shift_left3A_477 = arith.constant 1 : i32
    %shift_left3A_478 = vector.broadcast %shift_left3A_477 : i32 to vector<16xi32>
    %shift_left3A_479 = arith.shli %and3A_476, %shift_left3A_478 : vector<16xi32>
    %add3A_480 = arith.addi %shift_left3A_473, %shift_left3A_479 : vector<16xi32>
    %shift_right_arithmetic3A_481 = arith.constant 11 : i32
    %shift_right_arithmetic3A_482 = vector.broadcast %shift_right_arithmetic3A_481 : i32 to vector<16xi32>
    %shift_right_arithmetic3A_483 = arith.shrsi %get3A_467, %shift_right_arithmetic3A_482 : vector<16xi32>
    %and3A_484 = arith.constant 1 : i32
    %and3A_485 = vector.broadcast %and3A_484 : i32 to vector<16xi32>
    %and3A_486 = arith.andi %shift_right_arithmetic3A_483, %and3A_485 : vector<16xi32>
    %add3A_487 = arith.addi %add3A_480, %and3A_486 : vector<16xi32>
    %swap3A_488 = arith.constant 1 : i32
    %swap3A_489 = arith.index_cast %swap3A_488 : i32 to index
    %swap3A_490 = arith.constant 112 : index
    %swap3A_491 = tpu.vector_load %arg8[%swap3A_489, %swap3A_490] {strides = array<i32>} : memref<4x128xi32, #tpu.memory_space<vmem>>, vector<1x16xi32>,
    %swap3A_492 = vector.shape_cast %swap3A_491 : vector<1x16xi32> to vector<16xi32>
    %swap3A_493 = vector.shape_cast %add3A_487 : vector<16xi32> to vector<1x16xi32>
    tpu.vector_store %arg8[%swap3A_489, %swap3A_490], %swap3A_493 {strides = array<i32>} : memref<4x128xi32, #tpu.memory_space<vmem>>, vector<1x16xi32>,
    %get3A_494 = arith.constant 2 : i32
    %get3A_495 = arith.index_cast %get3A_494 : i32 to index
    %get3A_496 = arith.constant 0 : index
    %get3A_497 = tpu.vector_load %arg8[%get3A_495, %get3A_496] {strides = array<i32>} : memref<4x128xi32, #tpu.memory_space<vmem>>, vector<1x16xi32>,
    %get3A_498 = vector.shape_cast %get3A_497 : vector<1x16xi32> to vector<16xi32>
    %shift_right_arithmetic3A_499 = arith.constant 12 : i32
    %shift_right_arithmetic3A_500 = vector.broadcast %shift_right_arithmetic3A_499 : i32 to vector<16xi32>
    %shift_right_arithmetic3A_501 = arith.shrsi %get3A_498, %shift_right_arithmetic3A_500 : vector<16xi32>
    %shift_left3A_502 = arith.constant 12 : i32
    %shift_left3A_503 = vector.broadcast %shift_left3A_502 : i32 to vector<16xi32>
    %shift_left3A_504 = arith.shli %shift_right_arithmetic3A_501, %shift_left3A_503 : vector<16xi32>
    %and3A_505 = arith.constant 2047 : i32
    %and3A_506 = vector.broadcast %and3A_505 : i32 to vector<16xi32>
    %and3A_507 = arith.andi %get3A_498, %and3A_506 : vector<16xi32>
    %shift_left3A_508 = arith.constant 1 : i32
    %shift_left3A_509 = vector.broadcast %shift_left3A_508 : i32 to vector<16xi32>
    %shift_left3A_510 = arith.shli %and3A_507, %shift_left3A_509 : vector<16xi32>
    %add3A_511 = arith.addi %shift_left3A_504, %shift_left3A_510 : vector<16xi32>
    %shift_right_arithmetic3A_512 = arith.constant 11 : i32
    %shift_right_arithmetic3A_513 = vector.broadcast %shift_right_arithmetic3A_512 : i32 to vector<16xi32>
    %shift_right_arithmetic3A_514 = arith.shrsi %get3A_498, %shift_right_arithmetic3A_513 : vector<16xi32>
    %and3A_515 = arith.constant 1 : i32
    %and3A_516 = vector.broadcast %and3A_515 : i32 to vector<16xi32>
    %and3A_517 = arith.andi %shift_right_arithmetic3A_514, %and3A_516 : vector<16xi32>
    %add3A_518 = arith.addi %add3A_511, %and3A_517 : vector<16xi32>
    %swap3A_519 = arith.constant 2 : i32
    %swap3A_520 = arith.index_cast %swap3A_519 : i32 to index
    %swap3A_521 = arith.constant 0 : index
    %swap3A_522 = tpu.vector_load %arg8[%swap3A_520, %swap3A_521] {strides = array<i32>} : memref<4x128xi32, #tpu.memory_space<vmem>>, vector<1x16xi32>,
    %swap3A_523 = vector.shape_cast %swap3A_522 : vector<1x16xi32> to vector<16xi32>
    %swap3A_524 = vector.shape_cast %add3A_518 : vector<16xi32> to vector<1x16xi32>
    tpu.vector_store %arg8[%swap3A_520, %swap3A_521], %swap3A_524 {strides = array<i32>} : memref<4x128xi32, #tpu.memory_space<vmem>>, vector<1x16xi32>,
    %get3A_525 = arith.constant 2 : i32
    %get3A_526 = arith.index_cast %get3A_525 : i32 to index
    %get3A_527 = arith.constant 16 : index
    %get3A_528 = tpu.vector_load %arg8[%get3A_526, %get3A_527] {strides = array<i32>} : memref<4x128xi32, #tpu.memory_space<vmem>>, vector<1x16xi32>,
    %get3A_529 = vector.shape_cast %get3A_528 : vector<1x16xi32> to vector<16xi32>
    %shift_right_arithmetic3A_530 = arith.constant 12 : i32
    %shift_right_arithmetic3A_531 = vector.broadcast %shift_right_arithmetic3A_530 : i32 to vector<16xi32>
    %shift_right_arithmetic3A_532 = arith.shrsi %get3A_529, %shift_right_arithmetic3A_531 : vector<16xi32>
    %shift_left3A_533 = arith.constant 12 : i32
    %shift_left3A_534 = vector.broadcast %shift_left3A_533 : i32 to vector<16xi32>
    %shift_left3A_535 = arith.shli %shift_right_arithmetic3A_532, %shift_left3A_534 : vector<16xi32>
    %and3A_536 = arith.constant 2047 : i32
    %and3A_537 = vector.broadcast %and3A_536 : i32 to vector<16xi32>
    %and3A_538 = arith.andi %get3A_529, %and3A_537 : vector<16xi32>
    %shift_left3A_539 = arith.constant 1 : i32
    %shift_left3A_540 = vector.broadcast %shift_left3A_539 : i32 to vector<16xi32>
    %shift_left3A_541 = arith.shli %and3A_538, %shift_left3A_540 : vector<16xi32>
    %add3A_542 = arith.addi %shift_left3A_535, %shift_left3A_541 : vector<16xi32>
    %shift_right_arithmetic3A_543 = arith.constant 11 : i32
    %shift_right_arithmetic3A_544 = vector.broadcast %shift_right_arithmetic3A_543 : i32 to vector<16xi32>
    %shift_right_arithmetic3A_545 = arith.shrsi %get3A_529, %shift_right_arithmetic3A_544 : vector<16xi32>
    %and3A_546 = arith.constant 1 : i32
    %and3A_547 = vector.broadcast %and3A_546 : i32 to vector<16xi32>
    %and3A_548 = arith.andi %shift_right_arithmetic3A_545, %and3A_547 : vector<16xi32>
    %add3A_549 = arith.addi %add3A_542, %and3A_548 : vector<16xi32>
    %swap3A_550 = arith.constant 2 : i32
    %swap3A_551 = arith.index_cast %swap3A_550 : i32 to index
    %swap3A_552 = arith.constant 16 : index
    %swap3A_553 = tpu.vector_load %arg8[%swap3A_551, %swap3A_552] {strides = array<i32>} : memref<4x128xi32, #tpu.memory_space<vmem>>, vector<1x16xi32>,
    %swap3A_554 = vector.shape_cast %swap3A_553 : vector<1x16xi32> to vector<16xi32>
    %swap3A_555 = vector.shape_cast %add3A_549 : vector<16xi32> to vector<1x16xi32>
    tpu.vector_store %arg8[%swap3A_551, %swap3A_552], %swap3A_555 {strides = array<i32>} : memref<4x128xi32, #tpu.memory_space<vmem>>, vector<1x16xi32>,
    %get3A_556 = arith.constant 2 : i32
    %get3A_557 = arith.index_cast %get3A_556 : i32 to index
    %get3A_558 = arith.constant 32 : index
    %get3A_559 = tpu.vector_load %arg8[%get3A_557, %get3A_558] {strides = array<i32>} : memref<4x128xi32, #tpu.memory_space<vmem>>, vector<1x16xi32>,
    %get3A_560 = vector.shape_cast %get3A_559 : vector<1x16xi32> to vector<16xi32>
    %shift_right_arithmetic3A_561 = arith.constant 12 : i32
    %shift_right_arithmetic3A_562 = vector.broadcast %shift_right_arithmetic3A_561 : i32 to vector<16xi32>
    %shift_right_arithmetic3A_563 = arith.shrsi %get3A_560, %shift_right_arithmetic3A_562 : vector<16xi32>
    %shift_left3A_564 = arith.constant 12 : i32
    %shift_left3A_565 = vector.broadcast %shift_left3A_564 : i32 to vector<16xi32>
    %shift_left3A_566 = arith.shli %shift_right_arithmetic3A_563, %shift_left3A_565 : vector<16xi32>
    %and3A_567 = arith.constant 2047 : i32
    %and3A_568 = vector.broadcast %and3A_567 : i32 to vector<16xi32>
    %and3A_569 = arith.andi %get3A_560, %and3A_568 : vector<16xi32>
    %shift_left3A_570 = arith.constant 1 : i32
    %shift_left3A_571 = vector.broadcast %shift_left3A_570 : i32 to vector<16xi32>
    %shift_left3A_572 = arith.shli %and3A_569, %shift_left3A_571 : vector<16xi32>
    %add3A_573 = arith.addi %shift_left3A_566, %shift_left3A_572 : vector<16xi32>
    %shift_right_arithmetic3A_574 = arith.constant 11 : i32
    %shift_right_arithmetic3A_575 = vector.broadcast %shift_right_arithmetic3A_574 : i32 to vector<16xi32>
    %shift_right_arithmetic3A_576 = arith.shrsi %get3A_560, %shift_right_arithmetic3A_575 : vector<16xi32>
    %and3A_577 = arith.constant 1 : i32
    %and3A_578 = vector.broadcast %and3A_577 : i32 to vector<16xi32>
    %and3A_579 = arith.andi %shift_right_arithmetic3A_576, %and3A_578 : vector<16xi32>
    %add3A_580 = arith.addi %add3A_573, %and3A_579 : vector<16xi32>
    %swap3A_581 = arith.constant 2 : i32
    %swap3A_582 = arith.index_cast %swap3A_581 : i32 to index
    %swap3A_583 = arith.constant 32 : index
    %swap3A_584 = tpu.vector_load %arg8[%swap3A_582, %swap3A_583] {strides = array<i32>} : memref<4x128xi32, #tpu.memory_space<vmem>>, vector<1x16xi32>,
    %swap3A_585 = vector.shape_cast %swap3A_584 : vector<1x16xi32> to vector<16xi32>
    %swap3A_586 = vector.shape_cast %add3A_580 : vector<16xi32> to vector<1x16xi32>
    tpu.vector_store %arg8[%swap3A_582, %swap3A_583], %swap3A_586 {strides = array<i32>} : memref<4x128xi32, #tpu.memory_space<vmem>>, vector<1x16xi32>,
    %get3A_587 = arith.constant 2 : i32
    %get3A_588 = arith.index_cast %get3A_587 : i32 to index
    %get3A_589 = arith.constant 48 : index
    %get3A_590 = tpu.vector_load %arg8[%get3A_588, %get3A_589] {strides = array<i32>} : memref<4x128xi32, #tpu.memory_space<vmem>>, vector<1x16xi32>,
    %get3A_591 = vector.shape_cast %get3A_590 : vector<1x16xi32> to vector<16xi32>
    %shift_right_arithmetic3A_592 = arith.constant 12 : i32
    %shift_right_arithmetic3A_593 = vector.broadcast %shift_right_arithmetic3A_592 : i32 to vector<16xi32>
    %shift_right_arithmetic3A_594 = arith.shrsi %get3A_591, %shift_right_arithmetic3A_593 : vector<16xi32>
    %shift_left3A_595 = arith.constant 12 : i32
    %shift_left3A_596 = vector.broadcast %shift_left3A_595 : i32 to vector<16xi32>
    %shift_left3A_597 = arith.shli %shift_right_arithmetic3A_594, %shift_left3A_596 : vector<16xi32>
    %and3A_598 = arith.constant 2047 : i32
    %and3A_599 = vector.broadcast %and3A_598 : i32 to vector<16xi32>
    %and3A_600 = arith.andi %get3A_591, %and3A_599 : vector<16xi32>
    %shift_left3A_601 = arith.constant 1 : i32
    %shift_left3A_602 = vector.broadcast %shift_left3A_601 : i32 to vector<16xi32>
    %shift_left3A_603 = arith.shli %and3A_600, %shift_left3A_602 : vector<16xi32>
    %add3A_604 = arith.addi %shift_left3A_597, %shift_left3A_603 : vector<16xi32>
    %shift_right_arithmetic3A_605 = arith.constant 11 : i32
    %shift_right_arithmetic3A_606 = vector.broadcast %shift_right_arithmetic3A_605 : i32 to vector<16xi32>
    %shift_right_arithmetic3A_607 = arith.shrsi %get3A_591, %shift_right_arithmetic3A_606 : vector<16xi32>
    %and3A_608 = arith.constant 1 : i32
    %and3A_609 = vector.broadcast %and3A_608 : i32 to vector<16xi32>
    %and3A_610 = arith.andi %shift_right_arithmetic3A_607, %and3A_609 : vector<16xi32>
    %add3A_611 = arith.addi %add3A_604, %and3A_610 : vector<16xi32>
    %swap3A_612 = arith.constant 2 : i32
    %swap3A_613 = arith.index_cast %swap3A_612 : i32 to index
    %swap3A_614 = arith.constant 48 : index
    %swap3A_615 = tpu.vector_load %arg8[%swap3A_613, %swap3A_614] {strides = array<i32>} : memref<4x128xi32, #tpu.memory_space<vmem>>, vector<1x16xi32>,
    %swap3A_616 = vector.shape_cast %swap3A_615 : vector<1x16xi32> to vector<16xi32>
    %swap3A_617 = vector.shape_cast %add3A_611 : vector<16xi32> to vector<1x16xi32>
    tpu.vector_store %arg8[%swap3A_613, %swap3A_614], %swap3A_617 {strides = array<i32>} : memref<4x128xi32, #tpu.memory_space<vmem>>, vector<1x16xi32>,
    %get3A_618 = arith.constant 2 : i32
    %get3A_619 = arith.index_cast %get3A_618 : i32 to index
    %get3A_620 = arith.constant 64 : index
    %get3A_621 = tpu.vector_load %arg8[%get3A_619, %get3A_620] {strides = array<i32>} : memref<4x128xi32, #tpu.memory_space<vmem>>, vector<1x16xi32>,
    %get3A_622 = vector.shape_cast %get3A_621 : vector<1x16xi32> to vector<16xi32>
    %shift_right_arithmetic3A_623 = arith.constant 12 : i32
    %shift_right_arithmetic3A_624 = vector.broadcast %shift_right_arithmetic3A_623 : i32 to vector<16xi32>
    %shift_right_arithmetic3A_625 = arith.shrsi %get3A_622, %shift_right_arithmetic3A_624 : vector<16xi32>
    %shift_left3A_626 = arith.constant 12 : i32
    %shift_left3A_627 = vector.broadcast %shift_left3A_626 : i32 to vector<16xi32>
    %shift_left3A_628 = arith.shli %shift_right_arithmetic3A_625, %shift_left3A_627 : vector<16xi32>
    %and3A_629 = arith.constant 2047 : i32
    %and3A_630 = vector.broadcast %and3A_629 : i32 to vector<16xi32>
    %and3A_631 = arith.andi %get3A_622, %and3A_630 : vector<16xi32>
    %shift_left3A_632 = arith.constant 1 : i32
    %shift_left3A_633 = vector.broadcast %shift_left3A_632 : i32 to vector<16xi32>
    %shift_left3A_634 = arith.shli %and3A_631, %shift_left3A_633 : vector<16xi32>
    %add3A_635 = arith.addi %shift_left3A_628, %shift_left3A_634 : vector<16xi32>
    %shift_right_arithmetic3A_636 = arith.constant 11 : i32
    %shift_right_arithmetic3A_637 = vector.broadcast %shift_right_arithmetic3A_636 : i32 to vector<16xi32>
    %shift_right_arithmetic3A_638 = arith.shrsi %get3A_622, %shift_right_arithmetic3A_637 : vector<16xi32>
    %and3A_639 = arith.constant 1 : i32
    %and3A_640 = vector.broadcast %and3A_639 : i32 to vector<16xi32>
    %and3A_641 = arith.andi %shift_right_arithmetic3A_638, %and3A_640 : vector<16xi32>
    %add3A_642 = arith.addi %add3A_635, %and3A_641 : vector<16xi32>
    %swap3A_643 = arith.constant 2 : i32
    %swap3A_644 = arith.index_cast %swap3A_643 : i32 to index
    %swap3A_645 = arith.constant 64 : index
    %swap3A_646 = tpu.vector_load %arg8[%swap3A_644, %swap3A_645] {strides = array<i32>} : memref<4x128xi32, #tpu.memory_space<vmem>>, vector<1x16xi32>,
    %swap3A_647 = vector.shape_cast %swap3A_646 : vector<1x16xi32> to vector<16xi32>
    %swap3A_648 = vector.shape_cast %add3A_642 : vector<16xi32> to vector<1x16xi32>
    tpu.vector_store %arg8[%swap3A_644, %swap3A_645], %swap3A_648 {strides = array<i32>} : memref<4x128xi32, #tpu.memory_space<vmem>>, vector<1x16xi32>,
    %get3A_649 = arith.constant 2 : i32
    %get3A_650 = arith.index_cast %get3A_649 : i32 to index
    %get3A_651 = arith.constant 80 : index
    %get3A_652 = tpu.vector_load %arg8[%get3A_650, %get3A_651] {strides = array<i32>} : memref<4x128xi32, #tpu.memory_space<vmem>>, vector<1x16xi32>,
    %get3A_653 = vector.shape_cast %get3A_652 : vector<1x16xi32> to vector<16xi32>
    %shift_right_arithmetic3A_654 = arith.constant 12 : i32
    %shift_right_arithmetic3A_655 = vector.broadcast %shift_right_arithmetic3A_654 : i32 to vector<16xi32>
    %shift_right_arithmetic3A_656 = arith.shrsi %get3A_653, %shift_right_arithmetic3A_655 : vector<16xi32>
    %shift_left3A_657 = arith.constant 12 : i32
    %shift_left3A_658 = vector.broadcast %shift_left3A_657 : i32 to vector<16xi32>
    %shift_left3A_659 = arith.shli %shift_right_arithmetic3A_656, %shift_left3A_658 : vector<16xi32>
    %and3A_660 = arith.constant 2047 : i32
    %and3A_661 = vector.broadcast %and3A_660 : i32 to vector<16xi32>
    %and3A_662 = arith.andi %get3A_653, %and3A_661 : vector<16xi32>
    %shift_left3A_663 = arith.constant 1 : i32
    %shift_left3A_664 = vector.broadcast %shift_left3A_663 : i32 to vector<16xi32>
    %shift_left3A_665 = arith.shli %and3A_662, %shift_left3A_664 : vector<16xi32>
    %add3A_666 = arith.addi %shift_left3A_659, %shift_left3A_665 : vector<16xi32>
    %shift_right_arithmetic3A_667 = arith.constant 11 : i32
    %shift_right_arithmetic3A_668 = vector.broadcast %shift_right_arithmetic3A_667 : i32 to vector<16xi32>
    %shift_right_arithmetic3A_669 = arith.shrsi %get3A_653, %shift_right_arithmetic3A_668 : vector<16xi32>
    %and3A_670 = arith.constant 1 : i32
    %and3A_671 = vector.broadcast %and3A_670 : i32 to vector<16xi32>
    %and3A_672 = arith.andi %shift_right_arithmetic3A_669, %and3A_671 : vector<16xi32>
    %add3A_673 = arith.addi %add3A_666, %and3A_672 : vector<16xi32>
    %swap3A_674 = arith.constant 2 : i32
    %swap3A_675 = arith.index_cast %swap3A_674 : i32 to index
    %swap3A_676 = arith.constant 80 : index
    %swap3A_677 = tpu.vector_load %arg8[%swap3A_675, %swap3A_676] {strides = array<i32>} : memref<4x128xi32, #tpu.memory_space<vmem>>, vector<1x16xi32>,
    %swap3A_678 = vector.shape_cast %swap3A_677 : vector<1x16xi32> to vector<16xi32>
    %swap3A_679 = vector.shape_cast %add3A_673 : vector<16xi32> to vector<1x16xi32>
    tpu.vector_store %arg8[%swap3A_675, %swap3A_676], %swap3A_679 {strides = array<i32>} : memref<4x128xi32, #tpu.memory_space<vmem>>, vector<1x16xi32>,
    %get3A_680 = arith.constant 2 : i32
    %get3A_681 = arith.index_cast %get3A_680 : i32 to index
    %get3A_682 = arith.constant 96 : index
    %get3A_683 = tpu.vector_load %arg8[%get3A_681, %get3A_682] {strides = array<i32>} : memref<4x128xi32, #tpu.memory_space<vmem>>, vector<1x16xi32>,
    %get3A_684 = vector.shape_cast %get3A_683 : vector<1x16xi32> to vector<16xi32>
    %shift_right_arithmetic3A_685 = arith.constant 12 : i32
    %shift_right_arithmetic3A_686 = vector.broadcast %shift_right_arithmetic3A_685 : i32 to vector<16xi32>
    %shift_right_arithmetic3A_687 = arith.shrsi %get3A_684, %shift_right_arithmetic3A_686 : vector<16xi32>
    %shift_left3A_688 = arith.constant 12 : i32
    %shift_left3A_689 = vector.broadcast %shift_left3A_688 : i32 to vector<16xi32>
    %shift_left3A_690 = arith.shli %shift_right_arithmetic3A_687, %shift_left3A_689 : vector<16xi32>
    %and3A_691 = arith.constant 2047 : i32
    %and3A_692 = vector.broadcast %and3A_691 : i32 to vector<16xi32>
    %and3A_693 = arith.andi %get3A_684, %and3A_692 : vector<16xi32>
    %shift_left3A_694 = arith.constant 1 : i32
    %shift_left3A_695 = vector.broadcast %shift_left3A_694 : i32 to vector<16xi32>
    %shift_left3A_696 = arith.shli %and3A_693, %shift_left3A_695 : vector<16xi32>
    %add3A_697 = arith.addi %shift_left3A_690, %shift_left3A_696 : vector<16xi32>
    %shift_right_arithmetic3A_698 = arith.constant 11 : i32
    %shift_right_arithmetic3A_699 = vector.broadcast %shift_right_arithmetic3A_698 : i32 to vector<16xi32>
    %shift_right_arithmetic3A_700 = arith.shrsi %get3A_684, %shift_right_arithmetic3A_699 : vector<16xi32>
    %and3A_701 = arith.constant 1 : i32
    %and3A_702 = vector.broadcast %and3A_701 : i32 to vector<16xi32>
    %and3A_703 = arith.andi %shift_right_arithmetic3A_700, %and3A_702 : vector<16xi32>
    %add3A_704 = arith.addi %add3A_697, %and3A_703 : vector<16xi32>
    %swap3A_705 = arith.constant 2 : i32
    %swap3A_706 = arith.index_cast %swap3A_705 : i32 to index
    %swap3A_707 = arith.constant 96 : index
    %swap3A_708 = tpu.vector_load %arg8[%swap3A_706, %swap3A_707] {strides = array<i32>} : memref<4x128xi32, #tpu.memory_space<vmem>>, vector<1x16xi32>,
    %swap3A_709 = vector.shape_cast %swap3A_708 : vector<1x16xi32> to vector<16xi32>
    %swap3A_710 = vector.shape_cast %add3A_704 : vector<16xi32> to vector<1x16xi32>
    tpu.vector_store %arg8[%swap3A_706, %swap3A_707], %swap3A_710 {strides = array<i32>} : memref<4x128xi32, #tpu.memory_space<vmem>>, vector<1x16xi32>,
    %get3A_711 = arith.constant 2 : i32
    %get3A_712 = arith.index_cast %get3A_711 : i32 to index
    %get3A_713 = arith.constant 112 : index
    %get3A_714 = tpu.vector_load %arg8[%get3A_712, %get3A_713] {strides = array<i32>} : memref<4x128xi32, #tpu.memory_space<vmem>>, vector<1x16xi32>,
    %get3A_715 = vector.shape_cast %get3A_714 : vector<1x16xi32> to vector<16xi32>
    %shift_right_arithmetic3A_716 = arith.constant 12 : i32
    %shift_right_arithmetic3A_717 = vector.broadcast %shift_right_arithmetic3A_716 : i32 to vector<16xi32>
    %shift_right_arithmetic3A_718 = arith.shrsi %get3A_715, %shift_right_arithmetic3A_717 : vector<16xi32>
    %shift_left3A_719 = arith.constant 12 : i32
    %shift_left3A_720 = vector.broadcast %shift_left3A_719 : i32 to vector<16xi32>
    %shift_left3A_721 = arith.shli %shift_right_arithmetic3A_718, %shift_left3A_720 : vector<16xi32>
    %and3A_722 = arith.constant 2047 : i32
    %and3A_723 = vector.broadcast %and3A_722 : i32 to vector<16xi32>
    %and3A_724 = arith.andi %get3A_715, %and3A_723 : vector<16xi32>
    %shift_left3A_725 = arith.constant 1 : i32
    %shift_left3A_726 = vector.broadcast %shift_left3A_725 : i32 to vector<16xi32>
    %shift_left3A_727 = arith.shli %and3A_724, %shift_left3A_726 : vector<16xi32>
    %add3A_728 = arith.addi %shift_left3A_721, %shift_left3A_727 : vector<16xi32>
    %shift_right_arithmetic3A_729 = arith.constant 11 : i32
    %shift_right_arithmetic3A_730 = vector.broadcast %shift_right_arithmetic3A_729 : i32 to vector<16xi32>
    %shift_right_arithmetic3A_731 = arith.shrsi %get3A_715, %shift_right_arithmetic3A_730 : vector<16xi32>
    %and3A_732 = arith.constant 1 : i32
    %and3A_733 = vector.broadcast %and3A_732 : i32 to vector<16xi32>
    %and3A_734 = arith.andi %shift_right_arithmetic3A_731, %and3A_733 : vector<16xi32>
    %add3A_735 = arith.addi %add3A_728, %and3A_734 : vector<16xi32>
    %swap3A_736 = arith.constant 2 : i32
    %swap3A_737 = arith.index_cast %swap3A_736 : i32 to index
    %swap3A_738 = arith.constant 112 : index
    %swap3A_739 = tpu.vector_load %arg8[%swap3A_737, %swap3A_738] {strides = array<i32>} : memref<4x128xi32, #tpu.memory_space<vmem>>, vector<1x16xi32>,
    %swap3A_740 = vector.shape_cast %swap3A_739 : vector<1x16xi32> to vector<16xi32>
    %swap3A_741 = vector.shape_cast %add3A_735 : vector<16xi32> to vector<1x16xi32>
    tpu.vector_store %arg8[%swap3A_737, %swap3A_738], %swap3A_741 {strides = array<i32>} : memref<4x128xi32, #tpu.memory_space<vmem>>, vector<1x16xi32>,
    %get3A_742 = arith.constant 3 : i32
    %get3A_743 = arith.index_cast %get3A_742 : i32 to index
    %get3A_744 = arith.constant 0 : index
    %get3A_745 = tpu.vector_load %arg8[%get3A_743, %get3A_744] {strides = array<i32>} : memref<4x128xi32, #tpu.memory_space<vmem>>, vector<1x16xi32>,
    %get3A_746 = vector.shape_cast %get3A_745 : vector<1x16xi32> to vector<16xi32>
    %shift_right_arithmetic3A_747 = arith.constant 12 : i32
    %shift_right_arithmetic3A_748 = vector.broadcast %shift_right_arithmetic3A_747 : i32 to vector<16xi32>
    %shift_right_arithmetic3A_749 = arith.shrsi %get3A_746, %shift_right_arithmetic3A_748 : vector<16xi32>
    %shift_left3A_750 = arith.constant 12 : i32
    %shift_left3A_751 = vector.broadcast %shift_left3A_750 : i32 to vector<16xi32>
    %shift_left3A_752 = arith.shli %shift_right_arithmetic3A_749, %shift_left3A_751 : vector<16xi32>
    %and3A_753 = arith.constant 2047 : i32
    %and3A_754 = vector.broadcast %and3A_753 : i32 to vector<16xi32>
    %and3A_755 = arith.andi %get3A_746, %and3A_754 : vector<16xi32>
    %shift_left3A_756 = arith.constant 1 : i32
    %shift_left3A_757 = vector.broadcast %shift_left3A_756 : i32 to vector<16xi32>
    %shift_left3A_758 = arith.shli %and3A_755, %shift_left3A_757 : vector<16xi32>
    %add3A_759 = arith.addi %shift_left3A_752, %shift_left3A_758 : vector<16xi32>
    %shift_right_arithmetic3A_760 = arith.constant 11 : i32
    %shift_right_arithmetic3A_761 = vector.broadcast %shift_right_arithmetic3A_760 : i32 to vector<16xi32>
    %shift_right_arithmetic3A_762 = arith.shrsi %get3A_746, %shift_right_arithmetic3A_761 : vector<16xi32>
    %and3A_763 = arith.constant 1 : i32
    %and3A_764 = vector.broadcast %and3A_763 : i32 to vector<16xi32>
    %and3A_765 = arith.andi %shift_right_arithmetic3A_762, %and3A_764 : vector<16xi32>
    %add3A_766 = arith.addi %add3A_759, %and3A_765 : vector<16xi32>
    %swap3A_767 = arith.constant 3 : i32
    %swap3A_768 = arith.index_cast %swap3A_767 : i32 to index
    %swap3A_769 = arith.constant 0 : index
    %swap3A_770 = tpu.vector_load %arg8[%swap3A_768, %swap3A_769] {strides = array<i32>} : memref<4x128xi32, #tpu.memory_space<vmem>>, vector<1x16xi32>,
    %swap3A_771 = vector.shape_cast %swap3A_770 : vector<1x16xi32> to vector<16xi32>
    %swap3A_772 = vector.shape_cast %add3A_766 : vector<16xi32> to vector<1x16xi32>
    tpu.vector_store %arg8[%swap3A_768, %swap3A_769], %swap3A_772 {strides = array<i32>} : memref<4x128xi32, #tpu.memory_space<vmem>>, vector<1x16xi32>,
    %get3A_773 = arith.constant 3 : i32
    %get3A_774 = arith.index_cast %get3A_773 : i32 to index
    %get3A_775 = arith.constant 16 : index
    %get3A_776 = tpu.vector_load %arg8[%get3A_774, %get3A_775] {strides = array<i32>} : memref<4x128xi32, #tpu.memory_space<vmem>>, vector<1x16xi32>,
    %get3A_777 = vector.shape_cast %get3A_776 : vector<1x16xi32> to vector<16xi32>
    %shift_right_arithmetic3A_778 = arith.constant 12 : i32
    %shift_right_arithmetic3A_779 = vector.broadcast %shift_right_arithmetic3A_778 : i32 to vector<16xi32>
    %shift_right_arithmetic3A_780 = arith.shrsi %get3A_777, %shift_right_arithmetic3A_779 : vector<16xi32>
    %shift_left3A_781 = arith.constant 12 : i32
    %shift_left3A_782 = vector.broadcast %shift_left3A_781 : i32 to vector<16xi32>
    %shift_left3A_783 = arith.shli %shift_right_arithmetic3A_780, %shift_left3A_782 : vector<16xi32>
    %and3A_784 = arith.constant 2047 : i32
    %and3A_785 = vector.broadcast %and3A_784 : i32 to vector<16xi32>
    %and3A_786 = arith.andi %get3A_777, %and3A_785 : vector<16xi32>
    %shift_left3A_787 = arith.constant 1 : i32
    %shift_left3A_788 = vector.broadcast %shift_left3A_787 : i32 to vector<16xi32>
    %shift_left3A_789 = arith.shli %and3A_786, %shift_left3A_788 : vector<16xi32>
    %add3A_790 = arith.addi %shift_left3A_783, %shift_left3A_789 : vector<16xi32>
    %shift_right_arithmetic3A_791 = arith.constant 11 : i32
    %shift_right_arithmetic3A_792 = vector.broadcast %shift_right_arithmetic3A_791 : i32 to vector<16xi32>
    %shift_right_arithmetic3A_793 = arith.shrsi %get3A_777, %shift_right_arithmetic3A_792 : vector<16xi32>
    %and3A_794 = arith.constant 1 : i32
    %and3A_795 = vector.broadcast %and3A_794 : i32 to vector<16xi32>
    %and3A_796 = arith.andi %shift_right_arithmetic3A_793, %and3A_795 : vector<16xi32>
    %add3A_797 = arith.addi %add3A_790, %and3A_796 : vector<16xi32>
    %swap3A_798 = arith.constant 3 : i32
    %swap3A_799 = arith.index_cast %swap3A_798 : i32 to index
    %swap3A_800 = arith.constant 16 : index
    %swap3A_801 = tpu.vector_load %arg8[%swap3A_799, %swap3A_800] {strides = array<i32>} : memref<4x128xi32, #tpu.memory_space<vmem>>, vector<1x16xi32>,
    %swap3A_802 = vector.shape_cast %swap3A_801 : vector<1x16xi32> to vector<16xi32>
    %swap3A_803 = vector.shape_cast %add3A_797 : vector<16xi32> to vector<1x16xi32>
    tpu.vector_store %arg8[%swap3A_799, %swap3A_800], %swap3A_803 {strides = array<i32>} : memref<4x128xi32, #tpu.memory_space<vmem>>, vector<1x16xi32>,
    %get3A_804 = arith.constant 3 : i32
    %get3A_805 = arith.index_cast %get3A_804 : i32 to index
    %get3A_806 = arith.constant 32 : index
    %get3A_807 = tpu.vector_load %arg8[%get3A_805, %get3A_806] {strides = array<i32>} : memref<4x128xi32, #tpu.memory_space<vmem>>, vector<1x16xi32>,
    %get3A_808 = vector.shape_cast %get3A_807 : vector<1x16xi32> to vector<16xi32>
    %shift_right_arithmetic3A_809 = arith.constant 12 : i32
    %shift_right_arithmetic3A_810 = vector.broadcast %shift_right_arithmetic3A_809 : i32 to vector<16xi32>
    %shift_right_arithmetic3A_811 = arith.shrsi %get3A_808, %shift_right_arithmetic3A_810 : vector<16xi32>
    %shift_left3A_812 = arith.constant 12 : i32
    %shift_left3A_813 = vector.broadcast %shift_left3A_812 : i32 to vector<16xi32>
    %shift_left3A_814 = arith.shli %shift_right_arithmetic3A_811, %shift_left3A_813 : vector<16xi32>
    %and3A_815 = arith.constant 2047 : i32
    %and3A_816 = vector.broadcast %and3A_815 : i32 to vector<16xi32>
    %and3A_817 = arith.andi %get3A_808, %and3A_816 : vector<16xi32>
    %shift_left3A_818 = arith.constant 1 : i32
    %shift_left3A_819 = vector.broadcast %shift_left3A_818 : i32 to vector<16xi32>
    %shift_left3A_820 = arith.shli %and3A_817, %shift_left3A_819 : vector<16xi32>
    %add3A_821 = arith.addi %shift_left3A_814, %shift_left3A_820 : vector<16xi32>
    %shift_right_arithmetic3A_822 = arith.constant 11 : i32
    %shift_right_arithmetic3A_823 = vector.broadcast %shift_right_arithmetic3A_822 : i32 to vector<16xi32>
    %shift_right_arithmetic3A_824 = arith.shrsi %get3A_808, %shift_right_arithmetic3A_823 : vector<16xi32>
    %and3A_825 = arith.constant 1 : i32
    %and3A_826 = vector.broadcast %and3A_825 : i32 to vector<16xi32>
    %and3A_827 = arith.andi %shift_right_arithmetic3A_824, %and3A_826 : vector<16xi32>
    %add3A_828 = arith.addi %add3A_821, %and3A_827 : vector<16xi32>
    %swap3A_829 = arith.constant 3 : i32
    %swap3A_830 = arith.index_cast %swap3A_829 : i32 to index
    %swap3A_831 = arith.constant 32 : index
    %swap3A_832 = tpu.vector_load %arg8[%swap3A_830, %swap3A_831] {strides = array<i32>} : memref<4x128xi32, #tpu.memory_space<vmem>>, vector<1x16xi32>,
    %swap3A_833 = vector.shape_cast %swap3A_832 : vector<1x16xi32> to vector<16xi32>
    %swap3A_834 = vector.shape_cast %add3A_828 : vector<16xi32> to vector<1x16xi32>
    tpu.vector_store %arg8[%swap3A_830, %swap3A_831], %swap3A_834 {strides = array<i32>} : memref<4x128xi32, #tpu.memory_space<vmem>>, vector<1x16xi32>,
    %get3A_835 = arith.constant 3 : i32
    %get3A_836 = arith.index_cast %get3A_835 : i32 to index
    %get3A_837 = arith.constant 48 : index
    %get3A_838 = tpu.vector_load %arg8[%get3A_836, %get3A_837] {strides = array<i32>} : memref<4x128xi32, #tpu.memory_space<vmem>>, vector<1x16xi32>,
    %get3A_839 = vector.shape_cast %get3A_838 : vector<1x16xi32> to vector<16xi32>
    %shift_right_arithmetic3A_840 = arith.constant 12 : i32
    %shift_right_arithmetic3A_841 = vector.broadcast %shift_right_arithmetic3A_840 : i32 to vector<16xi32>
    %shift_right_arithmetic3A_842 = arith.shrsi %get3A_839, %shift_right_arithmetic3A_841 : vector<16xi32>
    %shift_left3A_843 = arith.constant 12 : i32
    %shift_left3A_844 = vector.broadcast %shift_left3A_843 : i32 to vector<16xi32>
    %shift_left3A_845 = arith.shli %shift_right_arithmetic3A_842, %shift_left3A_844 : vector<16xi32>
    %and3A_846 = arith.constant 2047 : i32
    %and3A_847 = vector.broadcast %and3A_846 : i32 to vector<16xi32>
    %and3A_848 = arith.andi %get3A_839, %and3A_847 : vector<16xi32>
    %shift_left3A_849 = arith.constant 1 : i32
    %shift_left3A_850 = vector.broadcast %shift_left3A_849 : i32 to vector<16xi32>
    %shift_left3A_851 = arith.shli %and3A_848, %shift_left3A_850 : vector<16xi32>
    %add3A_852 = arith.addi %shift_left3A_845, %shift_left3A_851 : vector<16xi32>
    %shift_right_arithmetic3A_853 = arith.constant 11 : i32
    %shift_right_arithmetic3A_854 = vector.broadcast %shift_right_arithmetic3A_853 : i32 to vector<16xi32>
    %shift_right_arithmetic3A_855 = arith.shrsi %get3A_839, %shift_right_arithmetic3A_854 : vector<16xi32>
    %and3A_856 = arith.constant 1 : i32
    %and3A_857 = vector.broadcast %and3A_856 : i32 to vector<16xi32>
    %and3A_858 = arith.andi %shift_right_arithmetic3A_855, %and3A_857 : vector<16xi32>
    %add3A_859 = arith.addi %add3A_852, %and3A_858 : vector<16xi32>
    %swap3A_860 = arith.constant 3 : i32
    %swap3A_861 = arith.index_cast %swap3A_860 : i32 to index
    %swap3A_862 = arith.constant 48 : index
    %swap3A_863 = tpu.vector_load %arg8[%swap3A_861, %swap3A_862] {strides = array<i32>} : memref<4x128xi32, #tpu.memory_space<vmem>>, vector<1x16xi32>,
    %swap3A_864 = vector.shape_cast %swap3A_863 : vector<1x16xi32> to vector<16xi32>
    %swap3A_865 = vector.shape_cast %add3A_859 : vector<16xi32> to vector<1x16xi32>
    tpu.vector_store %arg8[%swap3A_861, %swap3A_862], %swap3A_865 {strides = array<i32>} : memref<4x128xi32, #tpu.memory_space<vmem>>, vector<1x16xi32>,
    %get3A_866 = arith.constant 3 : i32
    %get3A_867 = arith.index_cast %get3A_866 : i32 to index
    %get3A_868 = arith.constant 64 : index
    %get3A_869 = tpu.vector_load %arg8[%get3A_867, %get3A_868] {strides = array<i32>} : memref<4x128xi32, #tpu.memory_space<vmem>>, vector<1x16xi32>,
    %get3A_870 = vector.shape_cast %get3A_869 : vector<1x16xi32> to vector<16xi32>
    %shift_right_arithmetic3A_871 = arith.constant 12 : i32
    %shift_right_arithmetic3A_872 = vector.broadcast %shift_right_arithmetic3A_871 : i32 to vector<16xi32>
    %shift_right_arithmetic3A_873 = arith.shrsi %get3A_870, %shift_right_arithmetic3A_872 : vector<16xi32>
    %shift_left3A_874 = arith.constant 12 : i32
    %shift_left3A_875 = vector.broadcast %shift_left3A_874 : i32 to vector<16xi32>
    %shift_left3A_876 = arith.shli %shift_right_arithmetic3A_873, %shift_left3A_875 : vector<16xi32>
    %and3A_877 = arith.constant 2047 : i32
    %and3A_878 = vector.broadcast %and3A_877 : i32 to vector<16xi32>
    %and3A_879 = arith.andi %get3A_870, %and3A_878 : vector<16xi32>
    %shift_left3A_880 = arith.constant 1 : i32
    %shift_left3A_881 = vector.broadcast %shift_left3A_880 : i32 to vector<16xi32>
    %shift_left3A_882 = arith.shli %and3A_879, %shift_left3A_881 : vector<16xi32>
    %add3A_883 = arith.addi %shift_left3A_876, %shift_left3A_882 : vector<16xi32>
    %shift_right_arithmetic3A_884 = arith.constant 11 : i32
    %shift_right_arithmetic3A_885 = vector.broadcast %shift_right_arithmetic3A_884 : i32 to vector<16xi32>
    %shift_right_arithmetic3A_886 = arith.shrsi %get3A_870, %shift_right_arithmetic3A_885 : vector<16xi32>
    %and3A_887 = arith.constant 1 : i32
    %and3A_888 = vector.broadcast %and3A_887 : i32 to vector<16xi32>
    %and3A_889 = arith.andi %shift_right_arithmetic3A_886, %and3A_888 : vector<16xi32>
    %add3A_890 = arith.addi %add3A_883, %and3A_889 : vector<16xi32>
    %swap3A_891 = arith.constant 3 : i32
    %swap3A_892 = arith.index_cast %swap3A_891 : i32 to index
    %swap3A_893 = arith.constant 64 : index
    %swap3A_894 = tpu.vector_load %arg8[%swap3A_892, %swap3A_893] {strides = array<i32>} : memref<4x128xi32, #tpu.memory_space<vmem>>, vector<1x16xi32>,
    %swap3A_895 = vector.shape_cast %swap3A_894 : vector<1x16xi32> to vector<16xi32>
    %swap3A_896 = vector.shape_cast %add3A_890 : vector<16xi32> to vector<1x16xi32>
    tpu.vector_store %arg8[%swap3A_892, %swap3A_893], %swap3A_896 {strides = array<i32>} : memref<4x128xi32, #tpu.memory_space<vmem>>, vector<1x16xi32>,
    %get3A_897 = arith.constant 3 : i32
    %get3A_898 = arith.index_cast %get3A_897 : i32 to index
    %get3A_899 = arith.constant 80 : index
    %get3A_900 = tpu.vector_load %arg8[%get3A_898, %get3A_899] {strides = array<i32>} : memref<4x128xi32, #tpu.memory_space<vmem>>, vector<1x16xi32>,
    %get3A_901 = vector.shape_cast %get3A_900 : vector<1x16xi32> to vector<16xi32>
    %shift_right_arithmetic3A_902 = arith.constant 12 : i32
    %shift_right_arithmetic3A_903 = vector.broadcast %shift_right_arithmetic3A_902 : i32 to vector<16xi32>
    %shift_right_arithmetic3A_904 = arith.shrsi %get3A_901, %shift_right_arithmetic3A_903 : vector<16xi32>
    %shift_left3A_905 = arith.constant 12 : i32
    %shift_left3A_906 = vector.broadcast %shift_left3A_905 : i32 to vector<16xi32>
    %shift_left3A_907 = arith.shli %shift_right_arithmetic3A_904, %shift_left3A_906 : vector<16xi32>
    %and3A_908 = arith.constant 2047 : i32
    %and3A_909 = vector.broadcast %and3A_908 : i32 to vector<16xi32>
    %and3A_910 = arith.andi %get3A_901, %and3A_909 : vector<16xi32>
    %shift_left3A_911 = arith.constant 1 : i32
    %shift_left3A_912 = vector.broadcast %shift_left3A_911 : i32 to vector<16xi32>
    %shift_left3A_913 = arith.shli %and3A_910, %shift_left3A_912 : vector<16xi32>
    %add3A_914 = arith.addi %shift_left3A_907, %shift_left3A_913 : vector<16xi32>
    %shift_right_arithmetic3A_915 = arith.constant 11 : i32
    %shift_right_arithmetic3A_916 = vector.broadcast %shift_right_arithmetic3A_915 : i32 to vector<16xi32>
    %shift_right_arithmetic3A_917 = arith.shrsi %get3A_901, %shift_right_arithmetic3A_916 : vector<16xi32>
    %and3A_918 = arith.constant 1 : i32
    %and3A_919 = vector.broadcast %and3A_918 : i32 to vector<16xi32>
    %and3A_920 = arith.andi %shift_right_arithmetic3A_917, %and3A_919 : vector<16xi32>
    %add3A_921 = arith.addi %add3A_914, %and3A_920 : vector<16xi32>
    %swap3A_922 = arith.constant 3 : i32
    %swap3A_923 = arith.index_cast %swap3A_922 : i32 to index
    %swap3A_924 = arith.constant 80 : index
    %swap3A_925 = tpu.vector_load %arg8[%swap3A_923, %swap3A_924] {strides = array<i32>} : memref<4x128xi32, #tpu.memory_space<vmem>>, vector<1x16xi32>,
    %swap3A_926 = vector.shape_cast %swap3A_925 : vector<1x16xi32> to vector<16xi32>
    %swap3A_927 = vector.shape_cast %add3A_921 : vector<16xi32> to vector<1x16xi32>
    tpu.vector_store %arg8[%swap3A_923, %swap3A_924], %swap3A_927 {strides = array<i32>} : memref<4x128xi32, #tpu.memory_space<vmem>>, vector<1x16xi32>,
    %get3A_928 = arith.constant 3 : i32
    %get3A_929 = arith.index_cast %get3A_928 : i32 to index
    %get3A_930 = arith.constant 96 : index
    %get3A_931 = tpu.vector_load %arg8[%get3A_929, %get3A_930] {strides = array<i32>} : memref<4x128xi32, #tpu.memory_space<vmem>>, vector<1x16xi32>,
    %get3A_932 = vector.shape_cast %get3A_931 : vector<1x16xi32> to vector<16xi32>
    %shift_right_arithmetic3A_933 = arith.constant 12 : i32
    %shift_right_arithmetic3A_934 = vector.broadcast %shift_right_arithmetic3A_933 : i32 to vector<16xi32>
    %shift_right_arithmetic3A_935 = arith.shrsi %get3A_932, %shift_right_arithmetic3A_934 : vector<16xi32>
    %shift_left3A_936 = arith.constant 12 : i32
    %shift_left3A_937 = vector.broadcast %shift_left3A_936 : i32 to vector<16xi32>
    %shift_left3A_938 = arith.shli %shift_right_arithmetic3A_935, %shift_left3A_937 : vector<16xi32>
    %and3A_939 = arith.constant 2047 : i32
    %and3A_940 = vector.broadcast %and3A_939 : i32 to vector<16xi32>
    %and3A_941 = arith.andi %get3A_932, %and3A_940 : vector<16xi32>
    %shift_left3A_942 = arith.constant 1 : i32
    %shift_left3A_943 = vector.broadcast %shift_left3A_942 : i32 to vector<16xi32>
    %shift_left3A_944 = arith.shli %and3A_941, %shift_left3A_943 : vector<16xi32>
    %add3A_945 = arith.addi %shift_left3A_938, %shift_left3A_944 : vector<16xi32>
    %shift_right_arithmetic3A_946 = arith.constant 11 : i32
    %shift_right_arithmetic3A_947 = vector.broadcast %shift_right_arithmetic3A_946 : i32 to vector<16xi32>
    %shift_right_arithmetic3A_948 = arith.shrsi %get3A_932, %shift_right_arithmetic3A_947 : vector<16xi32>
    %and3A_949 = arith.constant 1 : i32
    %and3A_950 = vector.broadcast %and3A_949 : i32 to vector<16xi32>
    %and3A_951 = arith.andi %shift_right_arithmetic3A_948, %and3A_950 : vector<16xi32>
    %add3A_952 = arith.addi %add3A_945, %and3A_951 : vector<16xi32>
    %swap3A_953 = arith.constant 3 : i32
    %swap3A_954 = arith.index_cast %swap3A_953 : i32 to index
    %swap3A_955 = arith.constant 96 : index
    %swap3A_956 = tpu.vector_load %arg8[%swap3A_954, %swap3A_955] {strides = array<i32>} : memref<4x128xi32, #tpu.memory_space<vmem>>, vector<1x16xi32>,
    %swap3A_957 = vector.shape_cast %swap3A_956 : vector<1x16xi32> to vector<16xi32>
    %swap3A_958 = vector.shape_cast %add3A_952 : vector<16xi32> to vector<1x16xi32>
    tpu.vector_store %arg8[%swap3A_954, %swap3A_955], %swap3A_958 {strides = array<i32>} : memref<4x128xi32, #tpu.memory_space<vmem>>, vector<1x16xi32>,
    %get3A_959 = arith.constant 3 : i32
    %get3A_960 = arith.index_cast %get3A_959 : i32 to index
    %get3A_961 = arith.constant 112 : index
    %get3A_962 = tpu.vector_load %arg8[%get3A_960, %get3A_961] {strides = array<i32>} : memref<4x128xi32, #tpu.memory_space<vmem>>, vector<1x16xi32>,
    %get3A_963 = vector.shape_cast %get3A_962 : vector<1x16xi32> to vector<16xi32>
    %shift_right_arithmetic3A_964 = arith.constant 12 : i32
    %shift_right_arithmetic3A_965 = vector.broadcast %shift_right_arithmetic3A_964 : i32 to vector<16xi32>
    %shift_right_arithmetic3A_966 = arith.shrsi %get3A_963, %shift_right_arithmetic3A_965 : vector<16xi32>
    %shift_left3A_967 = arith.constant 12 : i32
    %shift_left3A_968 = vector.broadcast %shift_left3A_967 : i32 to vector<16xi32>
    %shift_left3A_969 = arith.shli %shift_right_arithmetic3A_966, %shift_left3A_968 : vector<16xi32>
    %and3A_970 = arith.constant 2047 : i32
    %and3A_971 = vector.broadcast %and3A_970 : i32 to vector<16xi32>
    %and3A_972 = arith.andi %get3A_963, %and3A_971 : vector<16xi32>
    %shift_left3A_973 = arith.constant 1 : i32
    %shift_left3A_974 = vector.broadcast %shift_left3A_973 : i32 to vector<16xi32>
    %shift_left3A_975 = arith.shli %and3A_972, %shift_left3A_974 : vector<16xi32>
    %add3A_976 = arith.addi %shift_left3A_969, %shift_left3A_975 : vector<16xi32>
    %shift_right_arithmetic3A_977 = arith.constant 11 : i32
    %shift_right_arithmetic3A_978 = vector.broadcast %shift_right_arithmetic3A_977 : i32 to vector<16xi32>
    %shift_right_arithmetic3A_979 = arith.shrsi %get3A_963, %shift_right_arithmetic3A_978 : vector<16xi32>
    %and3A_980 = arith.constant 1 : i32
    %and3A_981 = vector.broadcast %and3A_980 : i32 to vector<16xi32>
    %and3A_982 = arith.andi %shift_right_arithmetic3A_979, %and3A_981 : vector<16xi32>
    %add3A_983 = arith.addi %add3A_976, %and3A_982 : vector<16xi32>
    %swap3A_984 = arith.constant 3 : i32
    %swap3A_985 = arith.index_cast %swap3A_984 : i32 to index
    %swap3A_986 = arith.constant 112 : index
    %swap3A_987 = tpu.vector_load %arg8[%swap3A_985, %swap3A_986] {strides = array<i32>} : memref<4x128xi32, #tpu.memory_space<vmem>>, vector<1x16xi32>,
    %swap3A_988 = vector.shape_cast %swap3A_987 : vector<1x16xi32> to vector<16xi32>
    %swap3A_989 = vector.shape_cast %add3A_983 : vector<16xi32> to vector<1x16xi32>
    tpu.vector_store %arg8[%swap3A_985, %swap3A_986], %swap3A_989 {strides = array<i32>} : memref<4x128xi32, #tpu.memory_space<vmem>>, vector<1x16xi32>,
    %get3A_990 = arith.constant 0 : i32
    %get3A_991 = arith.index_cast %get3A_990 : i32 to index
    %get3A_992 = arith.constant 0 : index
    %get3A_993 = tpu.vector_load %arg9[%get3A_991, %get3A_992] {strides = array<i32>} : memref<4x128xi32, #tpu.memory_space<vmem>>, vector<1x16xi32>,
    %get3A_994 = vector.shape_cast %get3A_993 : vector<1x16xi32> to vector<16xi32>
    %shift_right_arithmetic3A_995 = arith.constant 12 : i32
    %shift_right_arithmetic3A_996 = vector.broadcast %shift_right_arithmetic3A_995 : i32 to vector<16xi32>
    %shift_right_arithmetic3A_997 = arith.shrsi %get3A_994, %shift_right_arithmetic3A_996 : vector<16xi32>
    %shift_left3A_998 = arith.constant 12 : i32
    %shift_left3A_999 = vector.broadcast %shift_left3A_998 : i32 to vector<16xi32>
    %shift_left3A_1000 = arith.shli %shift_right_arithmetic3A_997, %shift_left3A_999 : vector<16xi32>
    %and3A_1001 = arith.constant 2047 : i32
    %and3A_1002 = vector.broadcast %and3A_1001 : i32 to vector<16xi32>
    %and3A_1003 = arith.andi %get3A_994, %and3A_1002 : vector<16xi32>
    %shift_left3A_1004 = arith.constant 1 : i32
    %shift_left3A_1005 = vector.broadcast %shift_left3A_1004 : i32 to vector<16xi32>
    %shift_left3A_1006 = arith.shli %and3A_1003, %shift_left3A_1005 : vector<16xi32>
    %add3A_1007 = arith.addi %shift_left3A_1000, %shift_left3A_1006 : vector<16xi32>
    %shift_right_arithmetic3A_1008 = arith.constant 11 : i32
    %shift_right_arithmetic3A_1009 = vector.broadcast %shift_right_arithmetic3A_1008 : i32 to vector<16xi32>
    %shift_right_arithmetic3A_1010 = arith.shrsi %get3A_994, %shift_right_arithmetic3A_1009 : vector<16xi32>
    %and3A_1011 = arith.constant 1 : i32
    %and3A_1012 = vector.broadcast %and3A_1011 : i32 to vector<16xi32>
    %and3A_1013 = arith.andi %shift_right_arithmetic3A_1010, %and3A_1012 : vector<16xi32>
    %add3A_1014 = arith.addi %add3A_1007, %and3A_1013 : vector<16xi32>
    %swap3A_1015 = arith.constant 0 : i32
    %swap3A_1016 = arith.index_cast %swap3A_1015 : i32 to index
    %swap3A_1017 = arith.constant 0 : index
    %swap3A_1018 = tpu.vector_load %arg9[%swap3A_1016, %swap3A_1017] {strides = array<i32>} : memref<4x128xi32, #tpu.memory_space<vmem>>, vector<1x16xi32>,
    %swap3A_1019 = vector.shape_cast %swap3A_1018 : vector<1x16xi32> to vector<16xi32>
    %swap3A_1020 = vector.shape_cast %add3A_1014 : vector<16xi32> to vector<1x16xi32>
    tpu.vector_store %arg9[%swap3A_1016, %swap3A_1017], %swap3A_1020 {strides = array<i32>} : memref<4x128xi32, #tpu.memory_space<vmem>>, vector<1x16xi32>,
    %get3A_1021 = arith.constant 0 : i32
    %get3A_1022 = arith.index_cast %get3A_1021 : i32 to index
    %get3A_1023 = arith.constant 16 : index
    %get3A_1024 = tpu.vector_load %arg9[%get3A_1022, %get3A_1023] {strides = array<i32>} : memref<4x128xi32, #tpu.memory_space<vmem>>, vector<1x16xi32>,
    %get3A_1025 = vector.shape_cast %get3A_1024 : vector<1x16xi32> to vector<16xi32>
    %shift_right_arithmetic3A_1026 = arith.constant 12 : i32
    %shift_right_arithmetic3A_1027 = vector.broadcast %shift_right_arithmetic3A_1026 : i32 to vector<16xi32>
    %shift_right_arithmetic3A_1028 = arith.shrsi %get3A_1025, %shift_right_arithmetic3A_1027 : vector<16xi32>
    %shift_left3A_1029 = arith.constant 12 : i32
    %shift_left3A_1030 = vector.broadcast %shift_left3A_1029 : i32 to vector<16xi32>
    %shift_left3A_1031 = arith.shli %shift_right_arithmetic3A_1028, %shift_left3A_1030 : vector<16xi32>
    %and3A_1032 = arith.constant 2047 : i32
    %and3A_1033 = vector.broadcast %and3A_1032 : i32 to vector<16xi32>
    %and3A_1034 = arith.andi %get3A_1025, %and3A_1033 : vector<16xi32>
    %shift_left3A_1035 = arith.constant 1 : i32
    %shift_left3A_1036 = vector.broadcast %shift_left3A_1035 : i32 to vector<16xi32>
    %shift_left3A_1037 = arith.shli %and3A_1034, %shift_left3A_1036 : vector<16xi32>
    %add3A_1038 = arith.addi %shift_left3A_1031, %shift_left3A_1037 : vector<16xi32>
    %shift_right_arithmetic3A_1039 = arith.constant 11 : i32
    %shift_right_arithmetic3A_1040 = vector.broadcast %shift_right_arithmetic3A_1039 : i32 to vector<16xi32>
    %shift_right_arithmetic3A_1041 = arith.shrsi %get3A_1025, %shift_right_arithmetic3A_1040 : vector<16xi32>
    %and3A_1042 = arith.constant 1 : i32
    %and3A_1043 = vector.broadcast %and3A_1042 : i32 to vector<16xi32>
    %and3A_1044 = arith.andi %shift_right_arithmetic3A_1041, %and3A_1043 : vector<16xi32>
    %add3A_1045 = arith.addi %add3A_1038, %and3A_1044 : vector<16xi32>
    %swap3A_1046 = arith.constant 0 : i32
    %swap3A_1047 = arith.index_cast %swap3A_1046 : i32 to index
    %swap3A_1048 = arith.constant 16 : index
    %swap3A_1049 = tpu.vector_load %arg9[%swap3A_1047, %swap3A_1048] {strides = array<i32>} : memref<4x128xi32, #tpu.memory_space<vmem>>, vector<1x16xi32>,
    %swap3A_1050 = vector.shape_cast %swap3A_1049 : vector<1x16xi32> to vector<16xi32>
    %swap3A_1051 = vector.shape_cast %add3A_1045 : vector<16xi32> to vector<1x16xi32>
    tpu.vector_store %arg9[%swap3A_1047, %swap3A_1048], %swap3A_1051 {strides = array<i32>} : memref<4x128xi32, #tpu.memory_space<vmem>>, vector<1x16xi32>,
    %get3A_1052 = arith.constant 0 : i32
    %get3A_1053 = arith.index_cast %get3A_1052 : i32 to index
    %get3A_1054 = arith.constant 32 : index
    %get3A_1055 = tpu.vector_load %arg9[%get3A_1053, %get3A_1054] {strides = array<i32>} : memref<4x128xi32, #tpu.memory_space<vmem>>, vector<1x16xi32>,
    %get3A_1056 = vector.shape_cast %get3A_1055 : vector<1x16xi32> to vector<16xi32>
    %shift_right_arithmetic3A_1057 = arith.constant 12 : i32
    %shift_right_arithmetic3A_1058 = vector.broadcast %shift_right_arithmetic3A_1057 : i32 to vector<16xi32>
    %shift_right_arithmetic3A_1059 = arith.shrsi %get3A_1056, %shift_right_arithmetic3A_1058 : vector<16xi32>
    %shift_left3A_1060 = arith.constant 12 : i32
    %shift_left3A_1061 = vector.broadcast %shift_left3A_1060 : i32 to vector<16xi32>
    %shift_left3A_1062 = arith.shli %shift_right_arithmetic3A_1059, %shift_left3A_1061 : vector<16xi32>
    %and3A_1063 = arith.constant 2047 : i32
    %and3A_1064 = vector.broadcast %and3A_1063 : i32 to vector<16xi32>
    %and3A_1065 = arith.andi %get3A_1056, %and3A_1064 : vector<16xi32>
    %shift_left3A_1066 = arith.constant 1 : i32
    %shift_left3A_1067 = vector.broadcast %shift_left3A_1066 : i32 to vector<16xi32>
    %shift_left3A_1068 = arith.shli %and3A_1065, %shift_left3A_1067 : vector<16xi32>
    %add3A_1069 = arith.addi %shift_left3A_1062, %shift_left3A_1068 : vector<16xi32>
    %shift_right_arithmetic3A_1070 = arith.constant 11 : i32
    %shift_right_arithmetic3A_1071 = vector.broadcast %shift_right_arithmetic3A_1070 : i32 to vector<16xi32>
    %shift_right_arithmetic3A_1072 = arith.shrsi %get3A_1056, %shift_right_arithmetic3A_1071 : vector<16xi32>
    %and3A_1073 = arith.constant 1 : i32
    %and3A_1074 = vector.broadcast %and3A_1073 : i32 to vector<16xi32>
    %and3A_1075 = arith.andi %shift_right_arithmetic3A_1072, %and3A_1074 : vector<16xi32>
    %add3A_1076 = arith.addi %add3A_1069, %and3A_1075 : vector<16xi32>
    %swap3A_1077 = arith.constant 0 : i32
    %swap3A_1078 = arith.index_cast %swap3A_1077 : i32 to index
    %swap3A_1079 = arith.constant 32 : index
    %swap3A_1080 = tpu.vector_load %arg9[%swap3A_1078, %swap3A_1079] {strides = array<i32>} : memref<4x128xi32, #tpu.memory_space<vmem>>, vector<1x16xi32>,
    %swap3A_1081 = vector.shape_cast %swap3A_1080 : vector<1x16xi32> to vector<16xi32>
    %swap3A_1082 = vector.shape_cast %add3A_1076 : vector<16xi32> to vector<1x16xi32>
    tpu.vector_store %arg9[%swap3A_1078, %swap3A_1079], %swap3A_1082 {strides = array<i32>} : memref<4x128xi32, #tpu.memory_space<vmem>>, vector<1x16xi32>,
    %get3A_1083 = arith.constant 0 : i32
    %get3A_1084 = arith.index_cast %get3A_1083 : i32 to index
    %get3A_1085 = arith.constant 48 : index
    %get3A_1086 = tpu.vector_load %arg9[%get3A_1084, %get3A_1085] {strides = array<i32>} : memref<4x128xi32, #tpu.memory_space<vmem>>, vector<1x16xi32>,
    %get3A_1087 = vector.shape_cast %get3A_1086 : vector<1x16xi32> to vector<16xi32>
    %shift_right_arithmetic3A_1088 = arith.constant 12 : i32
    %shift_right_arithmetic3A_1089 = vector.broadcast %shift_right_arithmetic3A_1088 : i32 to vector<16xi32>
    %shift_right_arithmetic3A_1090 = arith.shrsi %get3A_1087, %shift_right_arithmetic3A_1089 : vector<16xi32>
    %shift_left3A_1091 = arith.constant 12 : i32
    %shift_left3A_1092 = vector.broadcast %shift_left3A_1091 : i32 to vector<16xi32>
    %shift_left3A_1093 = arith.shli %shift_right_arithmetic3A_1090, %shift_left3A_1092 : vector<16xi32>
    %and3A_1094 = arith.constant 2047 : i32
    %and3A_1095 = vector.broadcast %and3A_1094 : i32 to vector<16xi32>
    %and3A_1096 = arith.andi %get3A_1087, %and3A_1095 : vector<16xi32>
    %shift_left3A_1097 = arith.constant 1 : i32
    %shift_left3A_1098 = vector.broadcast %shift_left3A_1097 : i32 to vector<16xi32>
    %shift_left3A_1099 = arith.shli %and3A_1096, %shift_left3A_1098 : vector<16xi32>
    %add3A_1100 = arith.addi %shift_left3A_1093, %shift_left3A_1099 : vector<16xi32>
    %shift_right_arithmetic3A_1101 = arith.constant 11 : i32
    %shift_right_arithmetic3A_1102 = vector.broadcast %shift_right_arithmetic3A_1101 : i32 to vector<16xi32>
    %shift_right_arithmetic3A_1103 = arith.shrsi %get3A_1087, %shift_right_arithmetic3A_1102 : vector<16xi32>
    %and3A_1104 = arith.constant 1 : i32
    %and3A_1105 = vector.broadcast %and3A_1104 : i32 to vector<16xi32>
    %and3A_1106 = arith.andi %shift_right_arithmetic3A_1103, %and3A_1105 : vector<16xi32>
    %add3A_1107 = arith.addi %add3A_1100, %and3A_1106 : vector<16xi32>
    %swap3A_1108 = arith.constant 0 : i32
    %swap3A_1109 = arith.index_cast %swap3A_1108 : i32 to index
    %swap3A_1110 = arith.constant 48 : index
    %swap3A_1111 = tpu.vector_load %arg9[%swap3A_1109, %swap3A_1110] {strides = array<i32>} : memref<4x128xi32, #tpu.memory_space<vmem>>, vector<1x16xi32>,
    %swap3A_1112 = vector.shape_cast %swap3A_1111 : vector<1x16xi32> to vector<16xi32>
    %swap3A_1113 = vector.shape_cast %add3A_1107 : vector<16xi32> to vector<1x16xi32>
    tpu.vector_store %arg9[%swap3A_1109, %swap3A_1110], %swap3A_1113 {strides = array<i32>} : memref<4x128xi32, #tpu.memory_space<vmem>>, vector<1x16xi32>,
    %get3A_1114 = arith.constant 0 : i32
    %get3A_1115 = arith.index_cast %get3A_1114 : i32 to index
    %get3A_1116 = arith.constant 64 : index
    %get3A_1117 = tpu.vector_load %arg9[%get3A_1115, %get3A_1116] {strides = array<i32>} : memref<4x128xi32, #tpu.memory_space<vmem>>, vector<1x16xi32>,
    %get3A_1118 = vector.shape_cast %get3A_1117 : vector<1x16xi32> to vector<16xi32>
    %shift_right_arithmetic3A_1119 = arith.constant 12 : i32
    %shift_right_arithmetic3A_1120 = vector.broadcast %shift_right_arithmetic3A_1119 : i32 to vector<16xi32>
    %shift_right_arithmetic3A_1121 = arith.shrsi %get3A_1118, %shift_right_arithmetic3A_1120 : vector<16xi32>
    %shift_left3A_1122 = arith.constant 12 : i32
    %shift_left3A_1123 = vector.broadcast %shift_left3A_1122 : i32 to vector<16xi32>
    %shift_left3A_1124 = arith.shli %shift_right_arithmetic3A_1121, %shift_left3A_1123 : vector<16xi32>
    %and3A_1125 = arith.constant 2047 : i32
    %and3A_1126 = vector.broadcast %and3A_1125 : i32 to vector<16xi32>
    %and3A_1127 = arith.andi %get3A_1118, %and3A_1126 : vector<16xi32>
    %shift_left3A_1128 = arith.constant 1 : i32
    %shift_left3A_1129 = vector.broadcast %shift_left3A_1128 : i32 to vector<16xi32>
    %shift_left3A_1130 = arith.shli %and3A_1127, %shift_left3A_1129 : vector<16xi32>
    %add3A_1131 = arith.addi %shift_left3A_1124, %shift_left3A_1130 : vector<16xi32>
    %shift_right_arithmetic3A_1132 = arith.constant 11 : i32
    %shift_right_arithmetic3A_1133 = vector.broadcast %shift_right_arithmetic3A_1132 : i32 to vector<16xi32>
    %shift_right_arithmetic3A_1134 = arith.shrsi %get3A_1118, %shift_right_arithmetic3A_1133 : vector<16xi32>
    %and3A_1135 = arith.constant 1 : i32
    %and3A_1136 = vector.broadcast %and3A_1135 : i32 to vector<16xi32>
    %and3A_1137 = arith.andi %shift_right_arithmetic3A_1134, %and3A_1136 : vector<16xi32>
    %add3A_1138 = arith.addi %add3A_1131, %and3A_1137 : vector<16xi32>
    %swap3A_1139 = arith.constant 0 : i32
    %swap3A_1140 = arith.index_cast %swap3A_1139 : i32 to index
    %swap3A_1141 = arith.constant 64 : index
    %swap3A_1142 = tpu.vector_load %arg9[%swap3A_1140, %swap3A_1141] {strides = array<i32>} : memref<4x128xi32, #tpu.memory_space<vmem>>, vector<1x16xi32>,
    %swap3A_1143 = vector.shape_cast %swap3A_1142 : vector<1x16xi32> to vector<16xi32>
    %swap3A_1144 = vector.shape_cast %add3A_1138 : vector<16xi32> to vector<1x16xi32>
    tpu.vector_store %arg9[%swap3A_1140, %swap3A_1141], %swap3A_1144 {strides = array<i32>} : memref<4x128xi32, #tpu.memory_space<vmem>>, vector<1x16xi32>,
    %get3A_1145 = arith.constant 0 : i32
    %get3A_1146 = arith.index_cast %get3A_1145 : i32 to index
    %get3A_1147 = arith.constant 80 : index
    %get3A_1148 = tpu.vector_load %arg9[%get3A_1146, %get3A_1147] {strides = array<i32>} : memref<4x128xi32, #tpu.memory_space<vmem>>, vector<1x16xi32>,
    %get3A_1149 = vector.shape_cast %get3A_1148 : vector<1x16xi32> to vector<16xi32>
    %shift_right_arithmetic3A_1150 = arith.constant 12 : i32
    %shift_right_arithmetic3A_1151 = vector.broadcast %shift_right_arithmetic3A_1150 : i32 to vector<16xi32>
    %shift_right_arithmetic3A_1152 = arith.shrsi %get3A_1149, %shift_right_arithmetic3A_1151 : vector<16xi32>
    %shift_left3A_1153 = arith.constant 12 : i32
    %shift_left3A_1154 = vector.broadcast %shift_left3A_1153 : i32 to vector<16xi32>
    %shift_left3A_1155 = arith.shli %shift_right_arithmetic3A_1152, %shift_left3A_1154 : vector<16xi32>
    %and3A_1156 = arith.constant 2047 : i32
    %and3A_1157 = vector.broadcast %and3A_1156 : i32 to vector<16xi32>
    %and3A_1158 = arith.andi %get3A_1149, %and3A_1157 : vector<16xi32>
    %shift_left3A_1159 = arith.constant 1 : i32
    %shift_left3A_1160 = vector.broadcast %shift_left3A_1159 : i32 to vector<16xi32>
    %shift_left3A_1161 = arith.shli %and3A_1158, %shift_left3A_1160 : vector<16xi32>
    %add3A_1162 = arith.addi %shift_left3A_1155, %shift_left3A_1161 : vector<16xi32>
    %shift_right_arithmetic3A_1163 = arith.constant 11 : i32
    %shift_right_arithmetic3A_1164 = vector.broadcast %shift_right_arithmetic3A_1163 : i32 to vector<16xi32>
    %shift_right_arithmetic3A_1165 = arith.shrsi %get3A_1149, %shift_right_arithmetic3A_1164 : vector<16xi32>
    %and3A_1166 = arith.constant 1 : i32
    %and3A_1167 = vector.broadcast %and3A_1166 : i32 to vector<16xi32>
    %and3A_1168 = arith.andi %shift_right_arithmetic3A_1165, %and3A_1167 : vector<16xi32>
    %add3A_1169 = arith.addi %add3A_1162, %and3A_1168 : vector<16xi32>
    %swap3A_1170 = arith.constant 0 : i32
    %swap3A_1171 = arith.index_cast %swap3A_1170 : i32 to index
    %swap3A_1172 = arith.constant 80 : index
    %swap3A_1173 = tpu.vector_load %arg9[%swap3A_1171, %swap3A_1172] {strides = array<i32>} : memref<4x128xi32, #tpu.memory_space<vmem>>, vector<1x16xi32>,
    %swap3A_1174 = vector.shape_cast %swap3A_1173 : vector<1x16xi32> to vector<16xi32>
    %swap3A_1175 = vector.shape_cast %add3A_1169 : vector<16xi32> to vector<1x16xi32>
    tpu.vector_store %arg9[%swap3A_1171, %swap3A_1172], %swap3A_1175 {strides = array<i32>} : memref<4x128xi32, #tpu.memory_space<vmem>>, vector<1x16xi32>,
    %get3A_1176 = arith.constant 0 : i32
    %get3A_1177 = arith.index_cast %get3A_1176 : i32 to index
    %get3A_1178 = arith.constant 96 : index
    %get3A_1179 = tpu.vector_load %arg9[%get3A_1177, %get3A_1178] {strides = array<i32>} : memref<4x128xi32, #tpu.memory_space<vmem>>, vector<1x16xi32>,
    %get3A_1180 = vector.shape_cast %get3A_1179 : vector<1x16xi32> to vector<16xi32>
    %shift_right_arithmetic3A_1181 = arith.constant 12 : i32
    %shift_right_arithmetic3A_1182 = vector.broadcast %shift_right_arithmetic3A_1181 : i32 to vector<16xi32>
    %shift_right_arithmetic3A_1183 = arith.shrsi %get3A_1180, %shift_right_arithmetic3A_1182 : vector<16xi32>
    %shift_left3A_1184 = arith.constant 12 : i32
    %shift_left3A_1185 = vector.broadcast %shift_left3A_1184 : i32 to vector<16xi32>
    %shift_left3A_1186 = arith.shli %shift_right_arithmetic3A_1183, %shift_left3A_1185 : vector<16xi32>
    %and3A_1187 = arith.constant 2047 : i32
    %and3A_1188 = vector.broadcast %and3A_1187 : i32 to vector<16xi32>
    %and3A_1189 = arith.andi %get3A_1180, %and3A_1188 : vector<16xi32>
    %shift_left3A_1190 = arith.constant 1 : i32
    %shift_left3A_1191 = vector.broadcast %shift_left3A_1190 : i32 to vector<16xi32>
    %shift_left3A_1192 = arith.shli %and3A_1189, %shift_left3A_1191 : vector<16xi32>
    %add3A_1193 = arith.addi %shift_left3A_1186, %shift_left3A_1192 : vector<16xi32>
    %shift_right_arithmetic3A_1194 = arith.constant 11 : i32
    %shift_right_arithmetic3A_1195 = vector.broadcast %shift_right_arithmetic3A_1194 : i32 to vector<16xi32>
    %shift_right_arithmetic3A_1196 = arith.shrsi %get3A_1180, %shift_right_arithmetic3A_1195 : vector<16xi32>
    %and3A_1197 = arith.constant 1 : i32
    %and3A_1198 = vector.broadcast %and3A_1197 : i32 to vector<16xi32>
    %and3A_1199 = arith.andi %shift_right_arithmetic3A_1196, %and3A_1198 : vector<16xi32>
    %add3A_1200 = arith.addi %add3A_1193, %and3A_1199 : vector<16xi32>
    %swap3A_1201 = arith.constant 0 : i32
    %swap3A_1202 = arith.index_cast %swap3A_1201 : i32 to index
    %swap3A_1203 = arith.constant 96 : index
    %swap3A_1204 = tpu.vector_load %arg9[%swap3A_1202, %swap3A_1203] {strides = array<i32>} : memref<4x128xi32, #tpu.memory_space<vmem>>, vector<1x16xi32>,
    %swap3A_1205 = vector.shape_cast %swap3A_1204 : vector<1x16xi32> to vector<16xi32>
    %swap3A_1206 = vector.shape_cast %add3A_1200 : vector<16xi32> to vector<1x16xi32>
    tpu.vector_store %arg9[%swap3A_1202, %swap3A_1203], %swap3A_1206 {strides = array<i32>} : memref<4x128xi32, #tpu.memory_space<vmem>>, vector<1x16xi32>,
    %get3A_1207 = arith.constant 0 : i32
    %get3A_1208 = arith.index_cast %get3A_1207 : i32 to index
    %get3A_1209 = arith.constant 112 : index
    %get3A_1210 = tpu.vector_load %arg9[%get3A_1208, %get3A_1209] {strides = array<i32>} : memref<4x128xi32, #tpu.memory_space<vmem>>, vector<1x16xi32>,
    %get3A_1211 = vector.shape_cast %get3A_1210 : vector<1x16xi32> to vector<16xi32>
    %shift_right_arithmetic3A_1212 = arith.constant 12 : i32
    %shift_right_arithmetic3A_1213 = vector.broadcast %shift_right_arithmetic3A_1212 : i32 to vector<16xi32>
    %shift_right_arithmetic3A_1214 = arith.shrsi %get3A_1211, %shift_right_arithmetic3A_1213 : vector<16xi32>
    %shift_left3A_1215 = arith.constant 12 : i32
    %shift_left3A_1216 = vector.broadcast %shift_left3A_1215 : i32 to vector<16xi32>
    %shift_left3A_1217 = arith.shli %shift_right_arithmetic3A_1214, %shift_left3A_1216 : vector<16xi32>
    %and3A_1218 = arith.constant 2047 : i32
    %and3A_1219 = vector.broadcast %and3A_1218 : i32 to vector<16xi32>
    %and3A_1220 = arith.andi %get3A_1211, %and3A_1219 : vector<16xi32>
    %shift_left3A_1221 = arith.constant 1 : i32
    %shift_left3A_1222 = vector.broadcast %shift_left3A_1221 : i32 to vector<16xi32>
    %shift_left3A_1223 = arith.shli %and3A_1220, %shift_left3A_1222 : vector<16xi32>
    %add3A_1224 = arith.addi %shift_left3A_1217, %shift_left3A_1223 : vector<16xi32>
    %shift_right_arithmetic3A_1225 = arith.constant 11 : i32
    %shift_right_arithmetic3A_1226 = vector.broadcast %shift_right_arithmetic3A_1225 : i32 to vector<16xi32>
    %shift_right_arithmetic3A_1227 = arith.shrsi %get3A_1211, %shift_right_arithmetic3A_1226 : vector<16xi32>
    %and3A_1228 = arith.constant 1 : i32
    %and3A_1229 = vector.broadcast %and3A_1228 : i32 to vector<16xi32>
    %and3A_1230 = arith.andi %shift_right_arithmetic3A_1227, %and3A_1229 : vector<16xi32>
    %add3A_1231 = arith.addi %add3A_1224, %and3A_1230 : vector<16xi32>
    %swap3A_1232 = arith.constant 0 : i32
    %swap3A_1233 = arith.index_cast %swap3A_1232 : i32 to index
    %swap3A_1234 = arith.constant 112 : index
    %swap3A_1235 = tpu.vector_load %arg9[%swap3A_1233, %swap3A_1234] {strides = array<i32>} : memref<4x128xi32, #tpu.memory_space<vmem>>, vector<1x16xi32>,
    %swap3A_1236 = vector.shape_cast %swap3A_1235 : vector<1x16xi32> to vector<16xi32>
    %swap3A_1237 = vector.shape_cast %add3A_1231 : vector<16xi32> to vector<1x16xi32>
    tpu.vector_store %arg9[%swap3A_1233, %swap3A_1234], %swap3A_1237 {strides = array<i32>} : memref<4x128xi32, #tpu.memory_space<vmem>>, vector<1x16xi32>,
    %get3A_1238 = arith.constant 1 : i32
    %get3A_1239 = arith.index_cast %get3A_1238 : i32 to index
    %get3A_1240 = arith.constant 0 : index
    %get3A_1241 = tpu.vector_load %arg9[%get3A_1239, %get3A_1240] {strides = array<i32>} : memref<4x128xi32, #tpu.memory_space<vmem>>, vector<1x16xi32>,
    %get3A_1242 = vector.shape_cast %get3A_1241 : vector<1x16xi32> to vector<16xi32>
    %shift_right_arithmetic3A_1243 = arith.constant 12 : i32
    %shift_right_arithmetic3A_1244 = vector.broadcast %shift_right_arithmetic3A_1243 : i32 to vector<16xi32>
    %shift_right_arithmetic3A_1245 = arith.shrsi %get3A_1242, %shift_right_arithmetic3A_1244 : vector<16xi32>
    %shift_left3A_1246 = arith.constant 12 : i32
    %shift_left3A_1247 = vector.broadcast %shift_left3A_1246 : i32 to vector<16xi32>
    %shift_left3A_1248 = arith.shli %shift_right_arithmetic3A_1245, %shift_left3A_1247 : vector<16xi32>
    %and3A_1249 = arith.constant 2047 : i32
    %and3A_1250 = vector.broadcast %and3A_1249 : i32 to vector<16xi32>
    %and3A_1251 = arith.andi %get3A_1242, %and3A_1250 : vector<16xi32>
    %shift_left3A_1252 = arith.constant 1 : i32
    %shift_left3A_1253 = vector.broadcast %shift_left3A_1252 : i32 to vector<16xi32>
    %shift_left3A_1254 = arith.shli %and3A_1251, %shift_left3A_1253 : vector<16xi32>
    %add3A_1255 = arith.addi %shift_left3A_1248, %shift_left3A_1254 : vector<16xi32>
    %shift_right_arithmetic3A_1256 = arith.constant 11 : i32
    %shift_right_arithmetic3A_1257 = vector.broadcast %shift_right_arithmetic3A_1256 : i32 to vector<16xi32>
    %shift_right_arithmetic3A_1258 = arith.shrsi %get3A_1242, %shift_right_arithmetic3A_1257 : vector<16xi32>
    %and3A_1259 = arith.constant 1 : i32
    %and3A_1260 = vector.broadcast %and3A_1259 : i32 to vector<16xi32>
    %and3A_1261 = arith.andi %shift_right_arithmetic3A_1258, %and3A_1260 : vector<16xi32>
    %add3A_1262 = arith.addi %add3A_1255, %and3A_1261 : vector<16xi32>
    %swap3A_1263 = arith.constant 1 : i32
    %swap3A_1264 = arith.index_cast %swap3A_1263 : i32 to index
    %swap3A_1265 = arith.constant 0 : index
    %swap3A_1266 = tpu.vector_load %arg9[%swap3A_1264, %swap3A_1265] {strides = array<i32>} : memref<4x128xi32, #tpu.memory_space<vmem>>, vector<1x16xi32>,
    %swap3A_1267 = vector.shape_cast %swap3A_1266 : vector<1x16xi32> to vector<16xi32>
    %swap3A_1268 = vector.shape_cast %add3A_1262 : vector<16xi32> to vector<1x16xi32>
    tpu.vector_store %arg9[%swap3A_1264, %swap3A_1265], %swap3A_1268 {strides = array<i32>} : memref<4x128xi32, #tpu.memory_space<vmem>>, vector<1x16xi32>,
    %get3A_1269 = arith.constant 1 : i32
    %get3A_1270 = arith.index_cast %get3A_1269 : i32 to index
    %get3A_1271 = arith.constant 16 : index
    %get3A_1272 = tpu.vector_load %arg9[%get3A_1270, %get3A_1271] {strides = array<i32>} : memref<4x128xi32, #tpu.memory_space<vmem>>, vector<1x16xi32>,
    %get3A_1273 = vector.shape_cast %get3A_1272 : vector<1x16xi32> to vector<16xi32>
    %shift_right_arithmetic3A_1274 = arith.constant 12 : i32
    %shift_right_arithmetic3A_1275 = vector.broadcast %shift_right_arithmetic3A_1274 : i32 to vector<16xi32>
    %shift_right_arithmetic3A_1276 = arith.shrsi %get3A_1273, %shift_right_arithmetic3A_1275 : vector<16xi32>
    %shift_left3A_1277 = arith.constant 12 : i32
    %shift_left3A_1278 = vector.broadcast %shift_left3A_1277 : i32 to vector<16xi32>
    %shift_left3A_1279 = arith.shli %shift_right_arithmetic3A_1276, %shift_left3A_1278 : vector<16xi32>
    %and3A_1280 = arith.constant 2047 : i32
    %and3A_1281 = vector.broadcast %and3A_1280 : i32 to vector<16xi32>
    %and3A_1282 = arith.andi %get3A_1273, %and3A_1281 : vector<16xi32>
    %shift_left3A_1283 = arith.constant 1 : i32
    %shift_left3A_1284 = vector.broadcast %shift_left3A_1283 : i32 to vector<16xi32>
    %shift_left3A_1285 = arith.shli %and3A_1282, %shift_left3A_1284 : vector<16xi32>
    %add3A_1286 = arith.addi %shift_left3A_1279, %shift_left3A_1285 : vector<16xi32>
    %shift_right_arithmetic3A_1287 = arith.constant 11 : i32
    %shift_right_arithmetic3A_1288 = vector.broadcast %shift_right_arithmetic3A_1287 : i32 to vector<16xi32>
    %shift_right_arithmetic3A_1289 = arith.shrsi %get3A_1273, %shift_right_arithmetic3A_1288 : vector<16xi32>
    %and3A_1290 = arith.constant 1 : i32
    %and3A_1291 = vector.broadcast %and3A_1290 : i32 to vector<16xi32>
    %and3A_1292 = arith.andi %shift_right_arithmetic3A_1289, %and3A_1291 : vector<16xi32>
    %add3A_1293 = arith.addi %add3A_1286, %and3A_1292 : vector<16xi32>
    %swap3A_1294 = arith.constant 1 : i32
    %swap3A_1295 = arith.index_cast %swap3A_1294 : i32 to index
    %swap3A_1296 = arith.constant 16 : index
    %swap3A_1297 = tpu.vector_load %arg9[%swap3A_1295, %swap3A_1296] {strides = array<i32>} : memref<4x128xi32, #tpu.memory_space<vmem>>, vector<1x16xi32>,
    %swap3A_1298 = vector.shape_cast %swap3A_1297 : vector<1x16xi32> to vector<16xi32>
    %swap3A_1299 = vector.shape_cast %add3A_1293 : vector<16xi32> to vector<1x16xi32>
    tpu.vector_store %arg9[%swap3A_1295, %swap3A_1296], %swap3A_1299 {strides = array<i32>} : memref<4x128xi32, #tpu.memory_space<vmem>>, vector<1x16xi32>,
    %get3A_1300 = arith.constant 1 : i32
    %get3A_1301 = arith.index_cast %get3A_1300 : i32 to index
    %get3A_1302 = arith.constant 32 : index
    %get3A_1303 = tpu.vector_load %arg9[%get3A_1301, %get3A_1302] {strides = array<i32>} : memref<4x128xi32, #tpu.memory_space<vmem>>, vector<1x16xi32>,
    %get3A_1304 = vector.shape_cast %get3A_1303 : vector<1x16xi32> to vector<16xi32>
    %shift_right_arithmetic3A_1305 = arith.constant 12 : i32
    %shift_right_arithmetic3A_1306 = vector.broadcast %shift_right_arithmetic3A_1305 : i32 to vector<16xi32>
    %shift_right_arithmetic3A_1307 = arith.shrsi %get3A_1304, %shift_right_arithmetic3A_1306 : vector<16xi32>
    %shift_left3A_1308 = arith.constant 12 : i32
    %shift_left3A_1309 = vector.broadcast %shift_left3A_1308 : i32 to vector<16xi32>
    %shift_left3A_1310 = arith.shli %shift_right_arithmetic3A_1307, %shift_left3A_1309 : vector<16xi32>
    %and3A_1311 = arith.constant 2047 : i32
    %and3A_1312 = vector.broadcast %and3A_1311 : i32 to vector<16xi32>
    %and3A_1313 = arith.andi %get3A_1304, %and3A_1312 : vector<16xi32>
    %shift_left3A_1314 = arith.constant 1 : i32
    %shift_left3A_1315 = vector.broadcast %shift_left3A_1314 : i32 to vector<16xi32>
    %shift_left3A_1316 = arith.shli %and3A_1313, %shift_left3A_1315 : vector<16xi32>
    %add3A_1317 = arith.addi %shift_left3A_1310, %shift_left3A_1316 : vector<16xi32>
    %shift_right_arithmetic3A_1318 = arith.constant 11 : i32
    %shift_right_arithmetic3A_1319 = vector.broadcast %shift_right_arithmetic3A_1318 : i32 to vector<16xi32>
    %shift_right_arithmetic3A_1320 = arith.shrsi %get3A_1304, %shift_right_arithmetic3A_1319 : vector<16xi32>
    %and3A_1321 = arith.constant 1 : i32
    %and3A_1322 = vector.broadcast %and3A_1321 : i32 to vector<16xi32>
    %and3A_1323 = arith.andi %shift_right_arithmetic3A_1320, %and3A_1322 : vector<16xi32>
    %add3A_1324 = arith.addi %add3A_1317, %and3A_1323 : vector<16xi32>
    %swap3A_1325 = arith.constant 1 : i32
    %swap3A_1326 = arith.index_cast %swap3A_1325 : i32 to index
    %swap3A_1327 = arith.constant 32 : index
    %swap3A_1328 = tpu.vector_load %arg9[%swap3A_1326, %swap3A_1327] {strides = array<i32>} : memref<4x128xi32, #tpu.memory_space<vmem>>, vector<1x16xi32>,
    %swap3A_1329 = vector.shape_cast %swap3A_1328 : vector<1x16xi32> to vector<16xi32>
    %swap3A_1330 = vector.shape_cast %add3A_1324 : vector<16xi32> to vector<1x16xi32>
    tpu.vector_store %arg9[%swap3A_1326, %swap3A_1327], %swap3A_1330 {strides = array<i32>} : memref<4x128xi32, #tpu.memory_space<vmem>>, vector<1x16xi32>,
    %get3A_1331 = arith.constant 1 : i32
    %get3A_1332 = arith.index_cast %get3A_1331 : i32 to index
    %get3A_1333 = arith.constant 48 : index
    %get3A_1334 = tpu.vector_load %arg9[%get3A_1332, %get3A_1333] {strides = array<i32>} : memref<4x128xi32, #tpu.memory_space<vmem>>, vector<1x16xi32>,
    %get3A_1335 = vector.shape_cast %get3A_1334 : vector<1x16xi32> to vector<16xi32>
    %shift_right_arithmetic3A_1336 = arith.constant 12 : i32
    %shift_right_arithmetic3A_1337 = vector.broadcast %shift_right_arithmetic3A_1336 : i32 to vector<16xi32>
    %shift_right_arithmetic3A_1338 = arith.shrsi %get3A_1335, %shift_right_arithmetic3A_1337 : vector<16xi32>
    %shift_left3A_1339 = arith.constant 12 : i32
    %shift_left3A_1340 = vector.broadcast %shift_left3A_1339 : i32 to vector<16xi32>
    %shift_left3A_1341 = arith.shli %shift_right_arithmetic3A_1338, %shift_left3A_1340 : vector<16xi32>
    %and3A_1342 = arith.constant 2047 : i32
    %and3A_1343 = vector.broadcast %and3A_1342 : i32 to vector<16xi32>
    %and3A_1344 = arith.andi %get3A_1335, %and3A_1343 : vector<16xi32>
    %shift_left3A_1345 = arith.constant 1 : i32
    %shift_left3A_1346 = vector.broadcast %shift_left3A_1345 : i32 to vector<16xi32>
    %shift_left3A_1347 = arith.shli %and3A_1344, %shift_left3A_1346 : vector<16xi32>
    %add3A_1348 = arith.addi %shift_left3A_1341, %shift_left3A_1347 : vector<16xi32>
    %shift_right_arithmetic3A_1349 = arith.constant 11 : i32
    %shift_right_arithmetic3A_1350 = vector.broadcast %shift_right_arithmetic3A_1349 : i32 to vector<16xi32>
    %shift_right_arithmetic3A_1351 = arith.shrsi %get3A_1335, %shift_right_arithmetic3A_1350 : vector<16xi32>
    %and3A_1352 = arith.constant 1 : i32
    %and3A_1353 = vector.broadcast %and3A_1352 : i32 to vector<16xi32>
    %and3A_1354 = arith.andi %shift_right_arithmetic3A_1351, %and3A_1353 : vector<16xi32>
    %add3A_1355 = arith.addi %add3A_1348, %and3A_1354 : vector<16xi32>
    %swap3A_1356 = arith.constant 1 : i32
    %swap3A_1357 = arith.index_cast %swap3A_1356 : i32 to index
    %swap3A_1358 = arith.constant 48 : index
    %swap3A_1359 = tpu.vector_load %arg9[%swap3A_1357, %swap3A_1358] {strides = array<i32>} : memref<4x128xi32, #tpu.memory_space<vmem>>, vector<1x16xi32>,
    %swap3A_1360 = vector.shape_cast %swap3A_1359 : vector<1x16xi32> to vector<16xi32>
    %swap3A_1361 = vector.shape_cast %add3A_1355 : vector<16xi32> to vector<1x16xi32>
    tpu.vector_store %arg9[%swap3A_1357, %swap3A_1358], %swap3A_1361 {strides = array<i32>} : memref<4x128xi32, #tpu.memory_space<vmem>>, vector<1x16xi32>,
    %get3A_1362 = arith.constant 1 : i32
    %get3A_1363 = arith.index_cast %get3A_1362 : i32 to index
    %get3A_1364 = arith.constant 64 : index
    %get3A_1365 = tpu.vector_load %arg9[%get3A_1363, %get3A_1364] {strides = array<i32>} : memref<4x128xi32, #tpu.memory_space<vmem>>, vector<1x16xi32>,
    %get3A_1366 = vector.shape_cast %get3A_1365 : vector<1x16xi32> to vector<16xi32>
    %shift_right_arithmetic3A_1367 = arith.constant 12 : i32
    %shift_right_arithmetic3A_1368 = vector.broadcast %shift_right_arithmetic3A_1367 : i32 to vector<16xi32>
    %shift_right_arithmetic3A_1369 = arith.shrsi %get3A_1366, %shift_right_arithmetic3A_1368 : vector<16xi32>
    %shift_left3A_1370 = arith.constant 12 : i32
    %shift_left3A_1371 = vector.broadcast %shift_left3A_1370 : i32 to vector<16xi32>
    %shift_left3A_1372 = arith.shli %shift_right_arithmetic3A_1369, %shift_left3A_1371 : vector<16xi32>
    %and3A_1373 = arith.constant 2047 : i32
    %and3A_1374 = vector.broadcast %and3A_1373 : i32 to vector<16xi32>
    %and3A_1375 = arith.andi %get3A_1366, %and3A_1374 : vector<16xi32>
    %shift_left3A_1376 = arith.constant 1 : i32
    %shift_left3A_1377 = vector.broadcast %shift_left3A_1376 : i32 to vector<16xi32>
    %shift_left3A_1378 = arith.shli %and3A_1375, %shift_left3A_1377 : vector<16xi32>
    %add3A_1379 = arith.addi %shift_left3A_1372, %shift_left3A_1378 : vector<16xi32>
    %shift_right_arithmetic3A_1380 = arith.constant 11 : i32
    %shift_right_arithmetic3A_1381 = vector.broadcast %shift_right_arithmetic3A_1380 : i32 to vector<16xi32>
    %shift_right_arithmetic3A_1382 = arith.shrsi %get3A_1366, %shift_right_arithmetic3A_1381 : vector<16xi32>
    %and3A_1383 = arith.constant 1 : i32
    %and3A_1384 = vector.broadcast %and3A_1383 : i32 to vector<16xi32>
    %and3A_1385 = arith.andi %shift_right_arithmetic3A_1382, %and3A_1384 : vector<16xi32>
    %add3A_1386 = arith.addi %add3A_1379, %and3A_1385 : vector<16xi32>
    %swap3A_1387 = arith.constant 1 : i32
    %swap3A_1388 = arith.index_cast %swap3A_1387 : i32 to index
    %swap3A_1389 = arith.constant 64 : index
    %swap3A_1390 = tpu.vector_load %arg9[%swap3A_1388, %swap3A_1389] {strides = array<i32>} : memref<4x128xi32, #tpu.memory_space<vmem>>, vector<1x16xi32>,
    %swap3A_1391 = vector.shape_cast %swap3A_1390 : vector<1x16xi32> to vector<16xi32>
    %swap3A_1392 = vector.shape_cast %add3A_1386 : vector<16xi32> to vector<1x16xi32>
    tpu.vector_store %arg9[%swap3A_1388, %swap3A_1389], %swap3A_1392 {strides = array<i32>} : memref<4x128xi32, #tpu.memory_space<vmem>>, vector<1x16xi32>,
    %get3A_1393 = arith.constant 1 : i32
    %get3A_1394 = arith.index_cast %get3A_1393 : i32 to index
    %get3A_1395 = arith.constant 80 : index
    %get3A_1396 = tpu.vector_load %arg9[%get3A_1394, %get3A_1395] {strides = array<i32>} : memref<4x128xi32, #tpu.memory_space<vmem>>, vector<1x16xi32>,
    %get3A_1397 = vector.shape_cast %get3A_1396 : vector<1x16xi32> to vector<16xi32>
    %shift_right_arithmetic3A_1398 = arith.constant 12 : i32
    %shift_right_arithmetic3A_1399 = vector.broadcast %shift_right_arithmetic3A_1398 : i32 to vector<16xi32>
    %shift_right_arithmetic3A_1400 = arith.shrsi %get3A_1397, %shift_right_arithmetic3A_1399 : vector<16xi32>
    %shift_left3A_1401 = arith.constant 12 : i32
    %shift_left3A_1402 = vector.broadcast %shift_left3A_1401 : i32 to vector<16xi32>
    %shift_left3A_1403 = arith.shli %shift_right_arithmetic3A_1400, %shift_left3A_1402 : vector<16xi32>
    %and3A_1404 = arith.constant 2047 : i32
    %and3A_1405 = vector.broadcast %and3A_1404 : i32 to vector<16xi32>
    %and3A_1406 = arith.andi %get3A_1397, %and3A_1405 : vector<16xi32>
    %shift_left3A_1407 = arith.constant 1 : i32
    %shift_left3A_1408 = vector.broadcast %shift_left3A_1407 : i32 to vector<16xi32>
    %shift_left3A_1409 = arith.shli %and3A_1406, %shift_left3A_1408 : vector<16xi32>
    %add3A_1410 = arith.addi %shift_left3A_1403, %shift_left3A_1409 : vector<16xi32>
    %shift_right_arithmetic3A_1411 = arith.constant 11 : i32
    %shift_right_arithmetic3A_1412 = vector.broadcast %shift_right_arithmetic3A_1411 : i32 to vector<16xi32>
    %shift_right_arithmetic3A_1413 = arith.shrsi %get3A_1397, %shift_right_arithmetic3A_1412 : vector<16xi32>
    %and3A_1414 = arith.constant 1 : i32
    %and3A_1415 = vector.broadcast %and3A_1414 : i32 to vector<16xi32>
    %and3A_1416 = arith.andi %shift_right_arithmetic3A_1413, %and3A_1415 : vector<16xi32>
    %add3A_1417 = arith.addi %add3A_1410, %and3A_1416 : vector<16xi32>
    %swap3A_1418 = arith.constant 1 : i32
    %swap3A_1419 = arith.index_cast %swap3A_1418 : i32 to index
    %swap3A_1420 = arith.constant 80 : index
    %swap3A_1421 = tpu.vector_load %arg9[%swap3A_1419, %swap3A_1420] {strides = array<i32>} : memref<4x128xi32, #tpu.memory_space<vmem>>, vector<1x16xi32>,
    %swap3A_1422 = vector.shape_cast %swap3A_1421 : vector<1x16xi32> to vector<16xi32>
    %swap3A_1423 = vector.shape_cast %add3A_1417 : vector<16xi32> to vector<1x16xi32>
    tpu.vector_store %arg9[%swap3A_1419, %swap3A_1420], %swap3A_1423 {strides = array<i32>} : memref<4x128xi32, #tpu.memory_space<vmem>>, vector<1x16xi32>,
    %get3A_1424 = arith.constant 1 : i32
    %get3A_1425 = arith.index_cast %get3A_1424 : i32 to index
    %get3A_1426 = arith.constant 96 : index
    %get3A_1427 = tpu.vector_load %arg9[%get3A_1425, %get3A_1426] {strides = array<i32>} : memref<4x128xi32, #tpu.memory_space<vmem>>, vector<1x16xi32>,
    %get3A_1428 = vector.shape_cast %get3A_1427 : vector<1x16xi32> to vector<16xi32>
    %shift_right_arithmetic3A_1429 = arith.constant 12 : i32
    %shift_right_arithmetic3A_1430 = vector.broadcast %shift_right_arithmetic3A_1429 : i32 to vector<16xi32>
    %shift_right_arithmetic3A_1431 = arith.shrsi %get3A_1428, %shift_right_arithmetic3A_1430 : vector<16xi32>
    %shift_left3A_1432 = arith.constant 12 : i32
    %shift_left3A_1433 = vector.broadcast %shift_left3A_1432 : i32 to vector<16xi32>
    %shift_left3A_1434 = arith.shli %shift_right_arithmetic3A_1431, %shift_left3A_1433 : vector<16xi32>
    %and3A_1435 = arith.constant 2047 : i32
    %and3A_1436 = vector.broadcast %and3A_1435 : i32 to vector<16xi32>
    %and3A_1437 = arith.andi %get3A_1428, %and3A_1436 : vector<16xi32>
    %shift_left3A_1438 = arith.constant 1 : i32
    %shift_left3A_1439 = vector.broadcast %shift_left3A_1438 : i32 to vector<16xi32>
    %shift_left3A_1440 = arith.shli %and3A_1437, %shift_left3A_1439 : vector<16xi32>
    %add3A_1441 = arith.addi %shift_left3A_1434, %shift_left3A_1440 : vector<16xi32>
    %shift_right_arithmetic3A_1442 = arith.constant 11 : i32
    %shift_right_arithmetic3A_1443 = vector.broadcast %shift_right_arithmetic3A_1442 : i32 to vector<16xi32>
    %shift_right_arithmetic3A_1444 = arith.shrsi %get3A_1428, %shift_right_arithmetic3A_1443 : vector<16xi32>
    %and3A_1445 = arith.constant 1 : i32
    %and3A_1446 = vector.broadcast %and3A_1445 : i32 to vector<16xi32>
    %and3A_1447 = arith.andi %shift_right_arithmetic3A_1444, %and3A_1446 : vector<16xi32>
    %add3A_1448 = arith.addi %add3A_1441, %and3A_1447 : vector<16xi32>
    %swap3A_1449 = arith.constant 1 : i32
    %swap3A_1450 = arith.index_cast %swap3A_1449 : i32 to index
    %swap3A_1451 = arith.constant 96 : index
    %swap3A_1452 = tpu.vector_load %arg9[%swap3A_1450, %swap3A_1451] {strides = array<i32>} : memref<4x128xi32, #tpu.memory_space<vmem>>, vector<1x16xi32>,
    %swap3A_1453 = vector.shape_cast %swap3A_1452 : vector<1x16xi32> to vector<16xi32>
    %swap3A_1454 = vector.shape_cast %add3A_1448 : vector<16xi32> to vector<1x16xi32>
    tpu.vector_store %arg9[%swap3A_1450, %swap3A_1451], %swap3A_1454 {strides = array<i32>} : memref<4x128xi32, #tpu.memory_space<vmem>>, vector<1x16xi32>,
    %get3A_1455 = arith.constant 1 : i32
    %get3A_1456 = arith.index_cast %get3A_1455 : i32 to index
    %get3A_1457 = arith.constant 112 : index
    %get3A_1458 = tpu.vector_load %arg9[%get3A_1456, %get3A_1457] {strides = array<i32>} : memref<4x128xi32, #tpu.memory_space<vmem>>, vector<1x16xi32>,
    %get3A_1459 = vector.shape_cast %get3A_1458 : vector<1x16xi32> to vector<16xi32>
    %shift_right_arithmetic3A_1460 = arith.constant 12 : i32
    %shift_right_arithmetic3A_1461 = vector.broadcast %shift_right_arithmetic3A_1460 : i32 to vector<16xi32>
    %shift_right_arithmetic3A_1462 = arith.shrsi %get3A_1459, %shift_right_arithmetic3A_1461 : vector<16xi32>
    %shift_left3A_1463 = arith.constant 12 : i32
    %shift_left3A_1464 = vector.broadcast %shift_left3A_1463 : i32 to vector<16xi32>
    %shift_left3A_1465 = arith.shli %shift_right_arithmetic3A_1462, %shift_left3A_1464 : vector<16xi32>
    %and3A_1466 = arith.constant 2047 : i32
    %and3A_1467 = vector.broadcast %and3A_1466 : i32 to vector<16xi32>
    %and3A_1468 = arith.andi %get3A_1459, %and3A_1467 : vector<16xi32>
    %shift_left3A_1469 = arith.constant 1 : i32
    %shift_left3A_1470 = vector.broadcast %shift_left3A_1469 : i32 to vector<16xi32>
    %shift_left3A_1471 = arith.shli %and3A_1468, %shift_left3A_1470 : vector<16xi32>
    %add3A_1472 = arith.addi %shift_left3A_1465, %shift_left3A_1471 : vector<16xi32>
    %shift_right_arithmetic3A_1473 = arith.constant 11 : i32
    %shift_right_arithmetic3A_1474 = vector.broadcast %shift_right_arithmetic3A_1473 : i32 to vector<16xi32>
    %shift_right_arithmetic3A_1475 = arith.shrsi %get3A_1459, %shift_right_arithmetic3A_1474 : vector<16xi32>
    %and3A_1476 = arith.constant 1 : i32
    %and3A_1477 = vector.broadcast %and3A_1476 : i32 to vector<16xi32>
    %and3A_1478 = arith.andi %shift_right_arithmetic3A_1475, %and3A_1477 : vector<16xi32>
    %add3A_1479 = arith.addi %add3A_1472, %and3A_1478 : vector<16xi32>
    %swap3A_1480 = arith.constant 1 : i32
    %swap3A_1481 = arith.index_cast %swap3A_1480 : i32 to index
    %swap3A_1482 = arith.constant 112 : index
    %swap3A_1483 = tpu.vector_load %arg9[%swap3A_1481, %swap3A_1482] {strides = array<i32>} : memref<4x128xi32, #tpu.memory_space<vmem>>, vector<1x16xi32>,
    %swap3A_1484 = vector.shape_cast %swap3A_1483 : vector<1x16xi32> to vector<16xi32>
    %swap3A_1485 = vector.shape_cast %add3A_1479 : vector<16xi32> to vector<1x16xi32>
    tpu.vector_store %arg9[%swap3A_1481, %swap3A_1482], %swap3A_1485 {strides = array<i32>} : memref<4x128xi32, #tpu.memory_space<vmem>>, vector<1x16xi32>,
    %get3A_1486 = arith.constant 2 : i32
    %get3A_1487 = arith.index_cast %get3A_1486 : i32 to index
    %get3A_1488 = arith.constant 0 : index
    %get3A_1489 = tpu.vector_load %arg9[%get3A_1487, %get3A_1488] {strides = array<i32>} : memref<4x128xi32, #tpu.memory_space<vmem>>, vector<1x16xi32>,
    %get3A_1490 = vector.shape_cast %get3A_1489 : vector<1x16xi32> to vector<16xi32>
    %shift_right_arithmetic3A_1491 = arith.constant 12 : i32
    %shift_right_arithmetic3A_1492 = vector.broadcast %shift_right_arithmetic3A_1491 : i32 to vector<16xi32>
    %shift_right_arithmetic3A_1493 = arith.shrsi %get3A_1490, %shift_right_arithmetic3A_1492 : vector<16xi32>
    %shift_left3A_1494 = arith.constant 12 : i32
    %shift_left3A_1495 = vector.broadcast %shift_left3A_1494 : i32 to vector<16xi32>
    %shift_left3A_1496 = arith.shli %shift_right_arithmetic3A_1493, %shift_left3A_1495 : vector<16xi32>
    %and3A_1497 = arith.constant 2047 : i32
    %and3A_1498 = vector.broadcast %and3A_1497 : i32 to vector<16xi32>
    %and3A_1499 = arith.andi %get3A_1490, %and3A_1498 : vector<16xi32>
    %shift_left3A_1500 = arith.constant 1 : i32
    %shift_left3A_1501 = vector.broadcast %shift_left3A_1500 : i32 to vector<16xi32>
    %shift_left3A_1502 = arith.shli %and3A_1499, %shift_left3A_1501 : vector<16xi32>
    %add3A_1503 = arith.addi %shift_left3A_1496, %shift_left3A_1502 : vector<16xi32>
    %shift_right_arithmetic3A_1504 = arith.constant 11 : i32
    %shift_right_arithmetic3A_1505 = vector.broadcast %shift_right_arithmetic3A_1504 : i32 to vector<16xi32>
    %shift_right_arithmetic3A_1506 = arith.shrsi %get3A_1490, %shift_right_arithmetic3A_1505 : vector<16xi32>
    %and3A_1507 = arith.constant 1 : i32
    %and3A_1508 = vector.broadcast %and3A_1507 : i32 to vector<16xi32>
    %and3A_1509 = arith.andi %shift_right_arithmetic3A_1506, %and3A_1508 : vector<16xi32>
    %add3A_1510 = arith.addi %add3A_1503, %and3A_1509 : vector<16xi32>
    %swap3A_1511 = arith.constant 2 : i32
    %swap3A_1512 = arith.index_cast %swap3A_1511 : i32 to index
    %swap3A_1513 = arith.constant 0 : index
    %swap3A_1514 = tpu.vector_load %arg9[%swap3A_1512, %swap3A_1513] {strides = array<i32>} : memref<4x128xi32, #tpu.memory_space<vmem>>, vector<1x16xi32>,
    %swap3A_1515 = vector.shape_cast %swap3A_1514 : vector<1x16xi32> to vector<16xi32>
    %swap3A_1516 = vector.shape_cast %add3A_1510 : vector<16xi32> to vector<1x16xi32>
    tpu.vector_store %arg9[%swap3A_1512, %swap3A_1513], %swap3A_1516 {strides = array<i32>} : memref<4x128xi32, #tpu.memory_space<vmem>>, vector<1x16xi32>,
    %get3A_1517 = arith.constant 2 : i32
    %get3A_1518 = arith.index_cast %get3A_1517 : i32 to index
    %get3A_1519 = arith.constant 16 : index
    %get3A_1520 = tpu.vector_load %arg9[%get3A_1518, %get3A_1519] {strides = array<i32>} : memref<4x128xi32, #tpu.memory_space<vmem>>, vector<1x16xi32>,
    %get3A_1521 = vector.shape_cast %get3A_1520 : vector<1x16xi32> to vector<16xi32>
    %shift_right_arithmetic3A_1522 = arith.constant 12 : i32
    %shift_right_arithmetic3A_1523 = vector.broadcast %shift_right_arithmetic3A_1522 : i32 to vector<16xi32>
    %shift_right_arithmetic3A_1524 = arith.shrsi %get3A_1521, %shift_right_arithmetic3A_1523 : vector<16xi32>
    %shift_left3A_1525 = arith.constant 12 : i32
    %shift_left3A_1526 = vector.broadcast %shift_left3A_1525 : i32 to vector<16xi32>
    %shift_left3A_1527 = arith.shli %shift_right_arithmetic3A_1524, %shift_left3A_1526 : vector<16xi32>
    %and3A_1528 = arith.constant 2047 : i32
    %and3A_1529 = vector.broadcast %and3A_1528 : i32 to vector<16xi32>
    %and3A_1530 = arith.andi %get3A_1521, %and3A_1529 : vector<16xi32>
    %shift_left3A_1531 = arith.constant 1 : i32
    %shift_left3A_1532 = vector.broadcast %shift_left3A_1531 : i32 to vector<16xi32>
    %shift_left3A_1533 = arith.shli %and3A_1530, %shift_left3A_1532 : vector<16xi32>
    %add3A_1534 = arith.addi %shift_left3A_1527, %shift_left3A_1533 : vector<16xi32>
    %shift_right_arithmetic3A_1535 = arith.constant 11 : i32
    %shift_right_arithmetic3A_1536 = vector.broadcast %shift_right_arithmetic3A_1535 : i32 to vector<16xi32>
    %shift_right_arithmetic3A_1537 = arith.shrsi %get3A_1521, %shift_right_arithmetic3A_1536 : vector<16xi32>
    %and3A_1538 = arith.constant 1 : i32
    %and3A_1539 = vector.broadcast %and3A_1538 : i32 to vector<16xi32>
    %and3A_1540 = arith.andi %shift_right_arithmetic3A_1537, %and3A_1539 : vector<16xi32>
    %add3A_1541 = arith.addi %add3A_1534, %and3A_1540 : vector<16xi32>
    %swap3A_1542 = arith.constant 2 : i32
    %swap3A_1543 = arith.index_cast %swap3A_1542 : i32 to index
    %swap3A_1544 = arith.constant 16 : index
    %swap3A_1545 = tpu.vector_load %arg9[%swap3A_1543, %swap3A_1544] {strides = array<i32>} : memref<4x128xi32, #tpu.memory_space<vmem>>, vector<1x16xi32>,
    %swap3A_1546 = vector.shape_cast %swap3A_1545 : vector<1x16xi32> to vector<16xi32>
    %swap3A_1547 = vector.shape_cast %add3A_1541 : vector<16xi32> to vector<1x16xi32>
    tpu.vector_store %arg9[%swap3A_1543, %swap3A_1544], %swap3A_1547 {strides = array<i32>} : memref<4x128xi32, #tpu.memory_space<vmem>>, vector<1x16xi32>,
    %get3A_1548 = arith.constant 2 : i32
    %get3A_1549 = arith.index_cast %get3A_1548 : i32 to index
    %get3A_1550 = arith.constant 32 : index
    %get3A_1551 = tpu.vector_load %arg9[%get3A_1549, %get3A_1550] {strides = array<i32>} : memref<4x128xi32, #tpu.memory_space<vmem>>, vector<1x16xi32>,
    %get3A_1552 = vector.shape_cast %get3A_1551 : vector<1x16xi32> to vector<16xi32>
    %shift_right_arithmetic3A_1553 = arith.constant 12 : i32
    %shift_right_arithmetic3A_1554 = vector.broadcast %shift_right_arithmetic3A_1553 : i32 to vector<16xi32>
    %shift_right_arithmetic3A_1555 = arith.shrsi %get3A_1552, %shift_right_arithmetic3A_1554 : vector<16xi32>
    %shift_left3A_1556 = arith.constant 12 : i32
    %shift_left3A_1557 = vector.broadcast %shift_left3A_1556 : i32 to vector<16xi32>
    %shift_left3A_1558 = arith.shli %shift_right_arithmetic3A_1555, %shift_left3A_1557 : vector<16xi32>
    %and3A_1559 = arith.constant 2047 : i32
    %and3A_1560 = vector.broadcast %and3A_1559 : i32 to vector<16xi32>
    %and3A_1561 = arith.andi %get3A_1552, %and3A_1560 : vector<16xi32>
    %shift_left3A_1562 = arith.constant 1 : i32
    %shift_left3A_1563 = vector.broadcast %shift_left3A_1562 : i32 to vector<16xi32>
    %shift_left3A_1564 = arith.shli %and3A_1561, %shift_left3A_1563 : vector<16xi32>
    %add3A_1565 = arith.addi %shift_left3A_1558, %shift_left3A_1564 : vector<16xi32>
    %shift_right_arithmetic3A_1566 = arith.constant 11 : i32
    %shift_right_arithmetic3A_1567 = vector.broadcast %shift_right_arithmetic3A_1566 : i32 to vector<16xi32>
    %shift_right_arithmetic3A_1568 = arith.shrsi %get3A_1552, %shift_right_arithmetic3A_1567 : vector<16xi32>
    %and3A_1569 = arith.constant 1 : i32
    %and3A_1570 = vector.broadcast %and3A_1569 : i32 to vector<16xi32>
    %and3A_1571 = arith.andi %shift_right_arithmetic3A_1568, %and3A_1570 : vector<16xi32>
    %add3A_1572 = arith.addi %add3A_1565, %and3A_1571 : vector<16xi32>
    %swap3A_1573 = arith.constant 2 : i32
    %swap3A_1574 = arith.index_cast %swap3A_1573 : i32 to index
    %swap3A_1575 = arith.constant 32 : index
    %swap3A_1576 = tpu.vector_load %arg9[%swap3A_1574, %swap3A_1575] {strides = array<i32>} : memref<4x128xi32, #tpu.memory_space<vmem>>, vector<1x16xi32>,
    %swap3A_1577 = vector.shape_cast %swap3A_1576 : vector<1x16xi32> to vector<16xi32>
    %swap3A_1578 = vector.shape_cast %add3A_1572 : vector<16xi32> to vector<1x16xi32>
    tpu.vector_store %arg9[%swap3A_1574, %swap3A_1575], %swap3A_1578 {strides = array<i32>} : memref<4x128xi32, #tpu.memory_space<vmem>>, vector<1x16xi32>,
    %get3A_1579 = arith.constant 2 : i32
    %get3A_1580 = arith.index_cast %get3A_1579 : i32 to index
    %get3A_1581 = arith.constant 48 : index
    %get3A_1582 = tpu.vector_load %arg9[%get3A_1580, %get3A_1581] {strides = array<i32>} : memref<4x128xi32, #tpu.memory_space<vmem>>, vector<1x16xi32>,
    %get3A_1583 = vector.shape_cast %get3A_1582 : vector<1x16xi32> to vector<16xi32>
    %shift_right_arithmetic3A_1584 = arith.constant 12 : i32
    %shift_right_arithmetic3A_1585 = vector.broadcast %shift_right_arithmetic3A_1584 : i32 to vector<16xi32>
    %shift_right_arithmetic3A_1586 = arith.shrsi %get3A_1583, %shift_right_arithmetic3A_1585 : vector<16xi32>
    %shift_left3A_1587 = arith.constant 12 : i32
    %shift_left3A_1588 = vector.broadcast %shift_left3A_1587 : i32 to vector<16xi32>
    %shift_left3A_1589 = arith.shli %shift_right_arithmetic3A_1586, %shift_left3A_1588 : vector<16xi32>
    %and3A_1590 = arith.constant 2047 : i32
    %and3A_1591 = vector.broadcast %and3A_1590 : i32 to vector<16xi32>
    %and3A_1592 = arith.andi %get3A_1583, %and3A_1591 : vector<16xi32>
    %shift_left3A_1593 = arith.constant 1 : i32
    %shift_left3A_1594 = vector.broadcast %shift_left3A_1593 : i32 to vector<16xi32>
    %shift_left3A_1595 = arith.shli %and3A_1592, %shift_left3A_1594 : vector<16xi32>
    %add3A_1596 = arith.addi %shift_left3A_1589, %shift_left3A_1595 : vector<16xi32>
    %shift_right_arithmetic3A_1597 = arith.constant 11 : i32
    %shift_right_arithmetic3A_1598 = vector.broadcast %shift_right_arithmetic3A_1597 : i32 to vector<16xi32>
    %shift_right_arithmetic3A_1599 = arith.shrsi %get3A_1583, %shift_right_arithmetic3A_1598 : vector<16xi32>
    %and3A_1600 = arith.constant 1 : i32
    %and3A_1601 = vector.broadcast %and3A_1600 : i32 to vector<16xi32>
    %and3A_1602 = arith.andi %shift_right_arithmetic3A_1599, %and3A_1601 : vector<16xi32>
    %add3A_1603 = arith.addi %add3A_1596, %and3A_1602 : vector<16xi32>
    %swap3A_1604 = arith.constant 2 : i32
    %swap3A_1605 = arith.index_cast %swap3A_1604 : i32 to index
    %swap3A_1606 = arith.constant 48 : index
    %swap3A_1607 = tpu.vector_load %arg9[%swap3A_1605, %swap3A_1606] {strides = array<i32>} : memref<4x128xi32, #tpu.memory_space<vmem>>, vector<1x16xi32>,
    %swap3A_1608 = vector.shape_cast %swap3A_1607 : vector<1x16xi32> to vector<16xi32>
    %swap3A_1609 = vector.shape_cast %add3A_1603 : vector<16xi32> to vector<1x16xi32>
    tpu.vector_store %arg9[%swap3A_1605, %swap3A_1606], %swap3A_1609 {strides = array<i32>} : memref<4x128xi32, #tpu.memory_space<vmem>>, vector<1x16xi32>,
    %get3A_1610 = arith.constant 2 : i32
    %get3A_1611 = arith.index_cast %get3A_1610 : i32 to index
    %get3A_1612 = arith.constant 64 : index
    %get3A_1613 = tpu.vector_load %arg9[%get3A_1611, %get3A_1612] {strides = array<i32>} : memref<4x128xi32, #tpu.memory_space<vmem>>, vector<1x16xi32>,
    %get3A_1614 = vector.shape_cast %get3A_1613 : vector<1x16xi32> to vector<16xi32>
    %shift_right_arithmetic3A_1615 = arith.constant 12 : i32
    %shift_right_arithmetic3A_1616 = vector.broadcast %shift_right_arithmetic3A_1615 : i32 to vector<16xi32>
    %shift_right_arithmetic3A_1617 = arith.shrsi %get3A_1614, %shift_right_arithmetic3A_1616 : vector<16xi32>
    %shift_left3A_1618 = arith.constant 12 : i32
    %shift_left3A_1619 = vector.broadcast %shift_left3A_1618 : i32 to vector<16xi32>
    %shift_left3A_1620 = arith.shli %shift_right_arithmetic3A_1617, %shift_left3A_1619 : vector<16xi32>
    %and3A_1621 = arith.constant 2047 : i32
    %and3A_1622 = vector.broadcast %and3A_1621 : i32 to vector<16xi32>
    %and3A_1623 = arith.andi %get3A_1614, %and3A_1622 : vector<16xi32>
    %shift_left3A_1624 = arith.constant 1 : i32
    %shift_left3A_1625 = vector.broadcast %shift_left3A_1624 : i32 to vector<16xi32>
    %shift_left3A_1626 = arith.shli %and3A_1623, %shift_left3A_1625 : vector<16xi32>
    %add3A_1627 = arith.addi %shift_left3A_1620, %shift_left3A_1626 : vector<16xi32>
    %shift_right_arithmetic3A_1628 = arith.constant 11 : i32
    %shift_right_arithmetic3A_1629 = vector.broadcast %shift_right_arithmetic3A_1628 : i32 to vector<16xi32>
    %shift_right_arithmetic3A_1630 = arith.shrsi %get3A_1614, %shift_right_arithmetic3A_1629 : vector<16xi32>
    %and3A_1631 = arith.constant 1 : i32
    %and3A_1632 = vector.broadcast %and3A_1631 : i32 to vector<16xi32>
    %and3A_1633 = arith.andi %shift_right_arithmetic3A_1630, %and3A_1632 : vector<16xi32>
    %add3A_1634 = arith.addi %add3A_1627, %and3A_1633 : vector<16xi32>
    %swap3A_1635 = arith.constant 2 : i32
    %swap3A_1636 = arith.index_cast %swap3A_1635 : i32 to index
    %swap3A_1637 = arith.constant 64 : index
    %swap3A_1638 = tpu.vector_load %arg9[%swap3A_1636, %swap3A_1637] {strides = array<i32>} : memref<4x128xi32, #tpu.memory_space<vmem>>, vector<1x16xi32>,
    %swap3A_1639 = vector.shape_cast %swap3A_1638 : vector<1x16xi32> to vector<16xi32>
    %swap3A_1640 = vector.shape_cast %add3A_1634 : vector<16xi32> to vector<1x16xi32>
    tpu.vector_store %arg9[%swap3A_1636, %swap3A_1637], %swap3A_1640 {strides = array<i32>} : memref<4x128xi32, #tpu.memory_space<vmem>>, vector<1x16xi32>,
    %get3A_1641 = arith.constant 2 : i32
    %get3A_1642 = arith.index_cast %get3A_1641 : i32 to index
    %get3A_1643 = arith.constant 80 : index
    %get3A_1644 = tpu.vector_load %arg9[%get3A_1642, %get3A_1643] {strides = array<i32>} : memref<4x128xi32, #tpu.memory_space<vmem>>, vector<1x16xi32>,
    %get3A_1645 = vector.shape_cast %get3A_1644 : vector<1x16xi32> to vector<16xi32>
    %shift_right_arithmetic3A_1646 = arith.constant 12 : i32
    %shift_right_arithmetic3A_1647 = vector.broadcast %shift_right_arithmetic3A_1646 : i32 to vector<16xi32>
    %shift_right_arithmetic3A_1648 = arith.shrsi %get3A_1645, %shift_right_arithmetic3A_1647 : vector<16xi32>
    %shift_left3A_1649 = arith.constant 12 : i32
    %shift_left3A_1650 = vector.broadcast %shift_left3A_1649 : i32 to vector<16xi32>
    %shift_left3A_1651 = arith.shli %shift_right_arithmetic3A_1648, %shift_left3A_1650 : vector<16xi32>
    %and3A_1652 = arith.constant 2047 : i32
    %and3A_1653 = vector.broadcast %and3A_1652 : i32 to vector<16xi32>
    %and3A_1654 = arith.andi %get3A_1645, %and3A_1653 : vector<16xi32>
    %shift_left3A_1655 = arith.constant 1 : i32
    %shift_left3A_1656 = vector.broadcast %shift_left3A_1655 : i32 to vector<16xi32>
    %shift_left3A_1657 = arith.shli %and3A_1654, %shift_left3A_1656 : vector<16xi32>
    %add3A_1658 = arith.addi %shift_left3A_1651, %shift_left3A_1657 : vector<16xi32>
    %shift_right_arithmetic3A_1659 = arith.constant 11 : i32
    %shift_right_arithmetic3A_1660 = vector.broadcast %shift_right_arithmetic3A_1659 : i32 to vector<16xi32>
    %shift_right_arithmetic3A_1661 = arith.shrsi %get3A_1645, %shift_right_arithmetic3A_1660 : vector<16xi32>
    %and3A_1662 = arith.constant 1 : i32
    %and3A_1663 = vector.broadcast %and3A_1662 : i32 to vector<16xi32>
    %and3A_1664 = arith.andi %shift_right_arithmetic3A_1661, %and3A_1663 : vector<16xi32>
    %add3A_1665 = arith.addi %add3A_1658, %and3A_1664 : vector<16xi32>
    %swap3A_1666 = arith.constant 2 : i32
    %swap3A_1667 = arith.index_cast %swap3A_1666 : i32 to index
    %swap3A_1668 = arith.constant 80 : index
    %swap3A_1669 = tpu.vector_load %arg9[%swap3A_1667, %swap3A_1668] {strides = array<i32>} : memref<4x128xi32, #tpu.memory_space<vmem>>, vector<1x16xi32>,
    %swap3A_1670 = vector.shape_cast %swap3A_1669 : vector<1x16xi32> to vector<16xi32>
    %swap3A_1671 = vector.shape_cast %add3A_1665 : vector<16xi32> to vector<1x16xi32>
    tpu.vector_store %arg9[%swap3A_1667, %swap3A_1668], %swap3A_1671 {strides = array<i32>} : memref<4x128xi32, #tpu.memory_space<vmem>>, vector<1x16xi32>,
    %get3A_1672 = arith.constant 2 : i32
    %get3A_1673 = arith.index_cast %get3A_1672 : i32 to index
    %get3A_1674 = arith.constant 96 : index
    %get3A_1675 = tpu.vector_load %arg9[%get3A_1673, %get3A_1674] {strides = array<i32>} : memref<4x128xi32, #tpu.memory_space<vmem>>, vector<1x16xi32>,
    %get3A_1676 = vector.shape_cast %get3A_1675 : vector<1x16xi32> to vector<16xi32>
    %shift_right_arithmetic3A_1677 = arith.constant 12 : i32
    %shift_right_arithmetic3A_1678 = vector.broadcast %shift_right_arithmetic3A_1677 : i32 to vector<16xi32>
    %shift_right_arithmetic3A_1679 = arith.shrsi %get3A_1676, %shift_right_arithmetic3A_1678 : vector<16xi32>
    %shift_left3A_1680 = arith.constant 12 : i32
    %shift_left3A_1681 = vector.broadcast %shift_left3A_1680 : i32 to vector<16xi32>
    %shift_left3A_1682 = arith.shli %shift_right_arithmetic3A_1679, %shift_left3A_1681 : vector<16xi32>
    %and3A_1683 = arith.constant 2047 : i32
    %and3A_1684 = vector.broadcast %and3A_1683 : i32 to vector<16xi32>
    %and3A_1685 = arith.andi %get3A_1676, %and3A_1684 : vector<16xi32>
    %shift_left3A_1686 = arith.constant 1 : i32
    %shift_left3A_1687 = vector.broadcast %shift_left3A_1686 : i32 to vector<16xi32>
    %shift_left3A_1688 = arith.shli %and3A_1685, %shift_left3A_1687 : vector<16xi32>
    %add3A_1689 = arith.addi %shift_left3A_1682, %shift_left3A_1688 : vector<16xi32>
    %shift_right_arithmetic3A_1690 = arith.constant 11 : i32
    %shift_right_arithmetic3A_1691 = vector.broadcast %shift_right_arithmetic3A_1690 : i32 to vector<16xi32>
    %shift_right_arithmetic3A_1692 = arith.shrsi %get3A_1676, %shift_right_arithmetic3A_1691 : vector<16xi32>
    %and3A_1693 = arith.constant 1 : i32
    %and3A_1694 = vector.broadcast %and3A_1693 : i32 to vector<16xi32>
    %and3A_1695 = arith.andi %shift_right_arithmetic3A_1692, %and3A_1694 : vector<16xi32>
    %add3A_1696 = arith.addi %add3A_1689, %and3A_1695 : vector<16xi32>
    %swap3A_1697 = arith.constant 2 : i32
    %swap3A_1698 = arith.index_cast %swap3A_1697 : i32 to index
    %swap3A_1699 = arith.constant 96 : index
    %swap3A_1700 = tpu.vector_load %arg9[%swap3A_1698, %swap3A_1699] {strides = array<i32>} : memref<4x128xi32, #tpu.memory_space<vmem>>, vector<1x16xi32>,
    %swap3A_1701 = vector.shape_cast %swap3A_1700 : vector<1x16xi32> to vector<16xi32>
    %swap3A_1702 = vector.shape_cast %add3A_1696 : vector<16xi32> to vector<1x16xi32>
    tpu.vector_store %arg9[%swap3A_1698, %swap3A_1699], %swap3A_1702 {strides = array<i32>} : memref<4x128xi32, #tpu.memory_space<vmem>>, vector<1x16xi32>,
    %get3A_1703 = arith.constant 2 : i32
    %get3A_1704 = arith.index_cast %get3A_1703 : i32 to index
    %get3A_1705 = arith.constant 112 : index
    %get3A_1706 = tpu.vector_load %arg9[%get3A_1704, %get3A_1705] {strides = array<i32>} : memref<4x128xi32, #tpu.memory_space<vmem>>, vector<1x16xi32>,
    %get3A_1707 = vector.shape_cast %get3A_1706 : vector<1x16xi32> to vector<16xi32>
    %shift_right_arithmetic3A_1708 = arith.constant 12 : i32
    %shift_right_arithmetic3A_1709 = vector.broadcast %shift_right_arithmetic3A_1708 : i32 to vector<16xi32>
    %shift_right_arithmetic3A_1710 = arith.shrsi %get3A_1707, %shift_right_arithmetic3A_1709 : vector<16xi32>
    %shift_left3A_1711 = arith.constant 12 : i32
    %shift_left3A_1712 = vector.broadcast %shift_left3A_1711 : i32 to vector<16xi32>
    %shift_left3A_1713 = arith.shli %shift_right_arithmetic3A_1710, %shift_left3A_1712 : vector<16xi32>
    %and3A_1714 = arith.constant 2047 : i32
    %and3A_1715 = vector.broadcast %and3A_1714 : i32 to vector<16xi32>
    %and3A_1716 = arith.andi %get3A_1707, %and3A_1715 : vector<16xi32>
    %shift_left3A_1717 = arith.constant 1 : i32
    %shift_left3A_1718 = vector.broadcast %shift_left3A_1717 : i32 to vector<16xi32>
    %shift_left3A_1719 = arith.shli %and3A_1716, %shift_left3A_1718 : vector<16xi32>
    %add3A_1720 = arith.addi %shift_left3A_1713, %shift_left3A_1719 : vector<16xi32>
    %shift_right_arithmetic3A_1721 = arith.constant 11 : i32
    %shift_right_arithmetic3A_1722 = vector.broadcast %shift_right_arithmetic3A_1721 : i32 to vector<16xi32>
    %shift_right_arithmetic3A_1723 = arith.shrsi %get3A_1707, %shift_right_arithmetic3A_1722 : vector<16xi32>
    %and3A_1724 = arith.constant 1 : i32
    %and3A_1725 = vector.broadcast %and3A_1724 : i32 to vector<16xi32>
    %and3A_1726 = arith.andi %shift_right_arithmetic3A_1723, %and3A_1725 : vector<16xi32>
    %add3A_1727 = arith.addi %add3A_1720, %and3A_1726 : vector<16xi32>
    %swap3A_1728 = arith.constant 2 : i32
    %swap3A_1729 = arith.index_cast %swap3A_1728 : i32 to index
    %swap3A_1730 = arith.constant 112 : index
    %swap3A_1731 = tpu.vector_load %arg9[%swap3A_1729, %swap3A_1730] {strides = array<i32>} : memref<4x128xi32, #tpu.memory_space<vmem>>, vector<1x16xi32>,
    %swap3A_1732 = vector.shape_cast %swap3A_1731 : vector<1x16xi32> to vector<16xi32>
    %swap3A_1733 = vector.shape_cast %add3A_1727 : vector<16xi32> to vector<1x16xi32>
    tpu.vector_store %arg9[%swap3A_1729, %swap3A_1730], %swap3A_1733 {strides = array<i32>} : memref<4x128xi32, #tpu.memory_space<vmem>>, vector<1x16xi32>,
    %get3A_1734 = arith.constant 3 : i32
    %get3A_1735 = arith.index_cast %get3A_1734 : i32 to index
    %get3A_1736 = arith.constant 0 : index
    %get3A_1737 = tpu.vector_load %arg9[%get3A_1735, %get3A_1736] {strides = array<i32>} : memref<4x128xi32, #tpu.memory_space<vmem>>, vector<1x16xi32>,
    %get3A_1738 = vector.shape_cast %get3A_1737 : vector<1x16xi32> to vector<16xi32>
    %shift_right_arithmetic3A_1739 = arith.constant 12 : i32
    %shift_right_arithmetic3A_1740 = vector.broadcast %shift_right_arithmetic3A_1739 : i32 to vector<16xi32>
    %shift_right_arithmetic3A_1741 = arith.shrsi %get3A_1738, %shift_right_arithmetic3A_1740 : vector<16xi32>
    %shift_left3A_1742 = arith.constant 12 : i32
    %shift_left3A_1743 = vector.broadcast %shift_left3A_1742 : i32 to vector<16xi32>
    %shift_left3A_1744 = arith.shli %shift_right_arithmetic3A_1741, %shift_left3A_1743 : vector<16xi32>
    %and3A_1745 = arith.constant 2047 : i32
    %and3A_1746 = vector.broadcast %and3A_1745 : i32 to vector<16xi32>
    %and3A_1747 = arith.andi %get3A_1738, %and3A_1746 : vector<16xi32>
    %shift_left3A_1748 = arith.constant 1 : i32
    %shift_left3A_1749 = vector.broadcast %shift_left3A_1748 : i32 to vector<16xi32>
    %shift_left3A_1750 = arith.shli %and3A_1747, %shift_left3A_1749 : vector<16xi32>
    %add3A_1751 = arith.addi %shift_left3A_1744, %shift_left3A_1750 : vector<16xi32>
    %shift_right_arithmetic3A_1752 = arith.constant 11 : i32
    %shift_right_arithmetic3A_1753 = vector.broadcast %shift_right_arithmetic3A_1752 : i32 to vector<16xi32>
    %shift_right_arithmetic3A_1754 = arith.shrsi %get3A_1738, %shift_right_arithmetic3A_1753 : vector<16xi32>
    %and3A_1755 = arith.constant 1 : i32
    %and3A_1756 = vector.broadcast %and3A_1755 : i32 to vector<16xi32>
    %and3A_1757 = arith.andi %shift_right_arithmetic3A_1754, %and3A_1756 : vector<16xi32>
    %add3A_1758 = arith.addi %add3A_1751, %and3A_1757 : vector<16xi32>
    %swap3A_1759 = arith.constant 3 : i32
    %swap3A_1760 = arith.index_cast %swap3A_1759 : i32 to index
    %swap3A_1761 = arith.constant 0 : index
    %swap3A_1762 = tpu.vector_load %arg9[%swap3A_1760, %swap3A_1761] {strides = array<i32>} : memref<4x128xi32, #tpu.memory_space<vmem>>, vector<1x16xi32>,
    %swap3A_1763 = vector.shape_cast %swap3A_1762 : vector<1x16xi32> to vector<16xi32>
    %swap3A_1764 = vector.shape_cast %add3A_1758 : vector<16xi32> to vector<1x16xi32>
    tpu.vector_store %arg9[%swap3A_1760, %swap3A_1761], %swap3A_1764 {strides = array<i32>} : memref<4x128xi32, #tpu.memory_space<vmem>>, vector<1x16xi32>,
    %get3A_1765 = arith.constant 3 : i32
    %get3A_1766 = arith.index_cast %get3A_1765 : i32 to index
    %get3A_1767 = arith.constant 16 : index
    %get3A_1768 = tpu.vector_load %arg9[%get3A_1766, %get3A_1767] {strides = array<i32>} : memref<4x128xi32, #tpu.memory_space<vmem>>, vector<1x16xi32>,
    %get3A_1769 = vector.shape_cast %get3A_1768 : vector<1x16xi32> to vector<16xi32>
    %shift_right_arithmetic3A_1770 = arith.constant 12 : i32
    %shift_right_arithmetic3A_1771 = vector.broadcast %shift_right_arithmetic3A_1770 : i32 to vector<16xi32>
    %shift_right_arithmetic3A_1772 = arith.shrsi %get3A_1769, %shift_right_arithmetic3A_1771 : vector<16xi32>
    %shift_left3A_1773 = arith.constant 12 : i32
    %shift_left3A_1774 = vector.broadcast %shift_left3A_1773 : i32 to vector<16xi32>
    %shift_left3A_1775 = arith.shli %shift_right_arithmetic3A_1772, %shift_left3A_1774 : vector<16xi32>
    %and3A_1776 = arith.constant 2047 : i32
    %and3A_1777 = vector.broadcast %and3A_1776 : i32 to vector<16xi32>
    %and3A_1778 = arith.andi %get3A_1769, %and3A_1777 : vector<16xi32>
    %shift_left3A_1779 = arith.constant 1 : i32
    %shift_left3A_1780 = vector.broadcast %shift_left3A_1779 : i32 to vector<16xi32>
    %shift_left3A_1781 = arith.shli %and3A_1778, %shift_left3A_1780 : vector<16xi32>
    %add3A_1782 = arith.addi %shift_left3A_1775, %shift_left3A_1781 : vector<16xi32>
    %shift_right_arithmetic3A_1783 = arith.constant 11 : i32
    %shift_right_arithmetic3A_1784 = vector.broadcast %shift_right_arithmetic3A_1783 : i32 to vector<16xi32>
    %shift_right_arithmetic3A_1785 = arith.shrsi %get3A_1769, %shift_right_arithmetic3A_1784 : vector<16xi32>
    %and3A_1786 = arith.constant 1 : i32
    %and3A_1787 = vector.broadcast %and3A_1786 : i32 to vector<16xi32>
    %and3A_1788 = arith.andi %shift_right_arithmetic3A_1785, %and3A_1787 : vector<16xi32>
    %add3A_1789 = arith.addi %add3A_1782, %and3A_1788 : vector<16xi32>
    %swap3A_1790 = arith.constant 3 : i32
    %swap3A_1791 = arith.index_cast %swap3A_1790 : i32 to index
    %swap3A_1792 = arith.constant 16 : index
    %swap3A_1793 = tpu.vector_load %arg9[%swap3A_1791, %swap3A_1792] {strides = array<i32>} : memref<4x128xi32, #tpu.memory_space<vmem>>, vector<1x16xi32>,
    %swap3A_1794 = vector.shape_cast %swap3A_1793 : vector<1x16xi32> to vector<16xi32>
    %swap3A_1795 = vector.shape_cast %add3A_1789 : vector<16xi32> to vector<1x16xi32>
    tpu.vector_store %arg9[%swap3A_1791, %swap3A_1792], %swap3A_1795 {strides = array<i32>} : memref<4x128xi32, #tpu.memory_space<vmem>>, vector<1x16xi32>,
    %get3A_1796 = arith.constant 3 : i32
    %get3A_1797 = arith.index_cast %get3A_1796 : i32 to index
    %get3A_1798 = arith.constant 32 : index
    %get3A_1799 = tpu.vector_load %arg9[%get3A_1797, %get3A_1798] {strides = array<i32>} : memref<4x128xi32, #tpu.memory_space<vmem>>, vector<1x16xi32>,
    %get3A_1800 = vector.shape_cast %get3A_1799 : vector<1x16xi32> to vector<16xi32>
    %shift_right_arithmetic3A_1801 = arith.constant 12 : i32
    %shift_right_arithmetic3A_1802 = vector.broadcast %shift_right_arithmetic3A_1801 : i32 to vector<16xi32>
    %shift_right_arithmetic3A_1803 = arith.shrsi %get3A_1800, %shift_right_arithmetic3A_1802 : vector<16xi32>
    %shift_left3A_1804 = arith.constant 12 : i32
    %shift_left3A_1805 = vector.broadcast %shift_left3A_1804 : i32 to vector<16xi32>
    %shift_left3A_1806 = arith.shli %shift_right_arithmetic3A_1803, %shift_left3A_1805 : vector<16xi32>
    %and3A_1807 = arith.constant 2047 : i32
    %and3A_1808 = vector.broadcast %and3A_1807 : i32 to vector<16xi32>
    %and3A_1809 = arith.andi %get3A_1800, %and3A_1808 : vector<16xi32>
    %shift_left3A_1810 = arith.constant 1 : i32
    %shift_left3A_1811 = vector.broadcast %shift_left3A_1810 : i32 to vector<16xi32>
    %shift_left3A_1812 = arith.shli %and3A_1809, %shift_left3A_1811 : vector<16xi32>
    %add3A_1813 = arith.addi %shift_left3A_1806, %shift_left3A_1812 : vector<16xi32>
    %shift_right_arithmetic3A_1814 = arith.constant 11 : i32
    %shift_right_arithmetic3A_1815 = vector.broadcast %shift_right_arithmetic3A_1814 : i32 to vector<16xi32>
    %shift_right_arithmetic3A_1816 = arith.shrsi %get3A_1800, %shift_right_arithmetic3A_1815 : vector<16xi32>
    %and3A_1817 = arith.constant 1 : i32
    %and3A_1818 = vector.broadcast %and3A_1817 : i32 to vector<16xi32>
    %and3A_1819 = arith.andi %shift_right_arithmetic3A_1816, %and3A_1818 : vector<16xi32>
    %add3A_1820 = arith.addi %add3A_1813, %and3A_1819 : vector<16xi32>
    %swap3A_1821 = arith.constant 3 : i32
    %swap3A_1822 = arith.index_cast %swap3A_1821 : i32 to index
    %swap3A_1823 = arith.constant 32 : index
    %swap3A_1824 = tpu.vector_load %arg9[%swap3A_1822, %swap3A_1823] {strides = array<i32>} : memref<4x128xi32, #tpu.memory_space<vmem>>, vector<1x16xi32>,
    %swap3A_1825 = vector.shape_cast %swap3A_1824 : vector<1x16xi32> to vector<16xi32>
    %swap3A_1826 = vector.shape_cast %add3A_1820 : vector<16xi32> to vector<1x16xi32>
    tpu.vector_store %arg9[%swap3A_1822, %swap3A_1823], %swap3A_1826 {strides = array<i32>} : memref<4x128xi32, #tpu.memory_space<vmem>>, vector<1x16xi32>,
    %get3A_1827 = arith.constant 3 : i32
    %get3A_1828 = arith.index_cast %get3A_1827 : i32 to index
    %get3A_1829 = arith.constant 48 : index
    %get3A_1830 = tpu.vector_load %arg9[%get3A_1828, %get3A_1829] {strides = array<i32>} : memref<4x128xi32, #tpu.memory_space<vmem>>, vector<1x16xi32>,
    %get3A_1831 = vector.shape_cast %get3A_1830 : vector<1x16xi32> to vector<16xi32>
    %shift_right_arithmetic3A_1832 = arith.constant 12 : i32
    %shift_right_arithmetic3A_1833 = vector.broadcast %shift_right_arithmetic3A_1832 : i32 to vector<16xi32>
    %shift_right_arithmetic3A_1834 = arith.shrsi %get3A_1831, %shift_right_arithmetic3A_1833 : vector<16xi32>
    %shift_left3A_1835 = arith.constant 12 : i32
    %shift_left3A_1836 = vector.broadcast %shift_left3A_1835 : i32 to vector<16xi32>
    %shift_left3A_1837 = arith.shli %shift_right_arithmetic3A_1834, %shift_left3A_1836 : vector<16xi32>
    %and3A_1838 = arith.constant 2047 : i32
    %and3A_1839 = vector.broadcast %and3A_1838 : i32 to vector<16xi32>
    %and3A_1840 = arith.andi %get3A_1831, %and3A_1839 : vector<16xi32>
    %shift_left3A_1841 = arith.constant 1 : i32
    %shift_left3A_1842 = vector.broadcast %shift_left3A_1841 : i32 to vector<16xi32>
    %shift_left3A_1843 = arith.shli %and3A_1840, %shift_left3A_1842 : vector<16xi32>
    %add3A_1844 = arith.addi %shift_left3A_1837, %shift_left3A_1843 : vector<16xi32>
    %shift_right_arithmetic3A_1845 = arith.constant 11 : i32
    %shift_right_arithmetic3A_1846 = vector.broadcast %shift_right_arithmetic3A_1845 : i32 to vector<16xi32>
    %shift_right_arithmetic3A_1847 = arith.shrsi %get3A_1831, %shift_right_arithmetic3A_1846 : vector<16xi32>
    %and3A_1848 = arith.constant 1 : i32
    %and3A_1849 = vector.broadcast %and3A_1848 : i32 to vector<16xi32>
    %and3A_1850 = arith.andi %shift_right_arithmetic3A_1847, %and3A_1849 : vector<16xi32>
    %add3A_1851 = arith.addi %add3A_1844, %and3A_1850 : vector<16xi32>
    %swap3A_1852 = arith.constant 3 : i32
    %swap3A_1853 = arith.index_cast %swap3A_1852 : i32 to index
    %swap3A_1854 = arith.constant 48 : index
    %swap3A_1855 = tpu.vector_load %arg9[%swap3A_1853, %swap3A_1854] {strides = array<i32>} : memref<4x128xi32, #tpu.memory_space<vmem>>, vector<1x16xi32>,
    %swap3A_1856 = vector.shape_cast %swap3A_1855 : vector<1x16xi32> to vector<16xi32>
    %swap3A_1857 = vector.shape_cast %add3A_1851 : vector<16xi32> to vector<1x16xi32>
    tpu.vector_store %arg9[%swap3A_1853, %swap3A_1854], %swap3A_1857 {strides = array<i32>} : memref<4x128xi32, #tpu.memory_space<vmem>>, vector<1x16xi32>,
    %get3A_1858 = arith.constant 3 : i32
    %get3A_1859 = arith.index_cast %get3A_1858 : i32 to index
    %get3A_1860 = arith.constant 64 : index
    %get3A_1861 = tpu.vector_load %arg9[%get3A_1859, %get3A_1860] {strides = array<i32>} : memref<4x128xi32, #tpu.memory_space<vmem>>, vector<1x16xi32>,
    %get3A_1862 = vector.shape_cast %get3A_1861 : vector<1x16xi32> to vector<16xi32>
    %shift_right_arithmetic3A_1863 = arith.constant 12 : i32
    %shift_right_arithmetic3A_1864 = vector.broadcast %shift_right_arithmetic3A_1863 : i32 to vector<16xi32>
    %shift_right_arithmetic3A_1865 = arith.shrsi %get3A_1862, %shift_right_arithmetic3A_1864 : vector<16xi32>
    %shift_left3A_1866 = arith.constant 12 : i32
    %shift_left3A_1867 = vector.broadcast %shift_left3A_1866 : i32 to vector<16xi32>
    %shift_left3A_1868 = arith.shli %shift_right_arithmetic3A_1865, %shift_left3A_1867 : vector<16xi32>
    %and3A_1869 = arith.constant 2047 : i32
    %and3A_1870 = vector.broadcast %and3A_1869 : i32 to vector<16xi32>
    %and3A_1871 = arith.andi %get3A_1862, %and3A_1870 : vector<16xi32>
    %shift_left3A_1872 = arith.constant 1 : i32
    %shift_left3A_1873 = vector.broadcast %shift_left3A_1872 : i32 to vector<16xi32>
    %shift_left3A_1874 = arith.shli %and3A_1871, %shift_left3A_1873 : vector<16xi32>
    %add3A_1875 = arith.addi %shift_left3A_1868, %shift_left3A_1874 : vector<16xi32>
    %shift_right_arithmetic3A_1876 = arith.constant 11 : i32
    %shift_right_arithmetic3A_1877 = vector.broadcast %shift_right_arithmetic3A_1876 : i32 to vector<16xi32>
    %shift_right_arithmetic3A_1878 = arith.shrsi %get3A_1862, %shift_right_arithmetic3A_1877 : vector<16xi32>
    %and3A_1879 = arith.constant 1 : i32
    %and3A_1880 = vector.broadcast %and3A_1879 : i32 to vector<16xi32>
    %and3A_1881 = arith.andi %shift_right_arithmetic3A_1878, %and3A_1880 : vector<16xi32>
    %add3A_1882 = arith.addi %add3A_1875, %and3A_1881 : vector<16xi32>
    %swap3A_1883 = arith.constant 3 : i32
    %swap3A_1884 = arith.index_cast %swap3A_1883 : i32 to index
    %swap3A_1885 = arith.constant 64 : index
    %swap3A_1886 = tpu.vector_load %arg9[%swap3A_1884, %swap3A_1885] {strides = array<i32>} : memref<4x128xi32, #tpu.memory_space<vmem>>, vector<1x16xi32>,
    %swap3A_1887 = vector.shape_cast %swap3A_1886 : vector<1x16xi32> to vector<16xi32>
    %swap3A_1888 = vector.shape_cast %add3A_1882 : vector<16xi32> to vector<1x16xi32>
    tpu.vector_store %arg9[%swap3A_1884, %swap3A_1885], %swap3A_1888 {strides = array<i32>} : memref<4x128xi32, #tpu.memory_space<vmem>>, vector<1x16xi32>,
    %get3A_1889 = arith.constant 3 : i32
    %get3A_1890 = arith.index_cast %get3A_1889 : i32 to index
    %get3A_1891 = arith.constant 80 : index
    %get3A_1892 = tpu.vector_load %arg9[%get3A_1890, %get3A_1891] {strides = array<i32>} : memref<4x128xi32, #tpu.memory_space<vmem>>, vector<1x16xi32>,
    %get3A_1893 = vector.shape_cast %get3A_1892 : vector<1x16xi32> to vector<16xi32>
    %shift_right_arithmetic3A_1894 = arith.constant 12 : i32
    %shift_right_arithmetic3A_1895 = vector.broadcast %shift_right_arithmetic3A_1894 : i32 to vector<16xi32>
    %shift_right_arithmetic3A_1896 = arith.shrsi %get3A_1893, %shift_right_arithmetic3A_1895 : vector<16xi32>
    %shift_left3A_1897 = arith.constant 12 : i32
    %shift_left3A_1898 = vector.broadcast %shift_left3A_1897 : i32 to vector<16xi32>
    %shift_left3A_1899 = arith.shli %shift_right_arithmetic3A_1896, %shift_left3A_1898 : vector<16xi32>
    %and3A_1900 = arith.constant 2047 : i32
    %and3A_1901 = vector.broadcast %and3A_1900 : i32 to vector<16xi32>
    %and3A_1902 = arith.andi %get3A_1893, %and3A_1901 : vector<16xi32>
    %shift_left3A_1903 = arith.constant 1 : i32
    %shift_left3A_1904 = vector.broadcast %shift_left3A_1903 : i32 to vector<16xi32>
    %shift_left3A_1905 = arith.shli %and3A_1902, %shift_left3A_1904 : vector<16xi32>
    %add3A_1906 = arith.addi %shift_left3A_1899, %shift_left3A_1905 : vector<16xi32>
    %shift_right_arithmetic3A_1907 = arith.constant 11 : i32
    %shift_right_arithmetic3A_1908 = vector.broadcast %shift_right_arithmetic3A_1907 : i32 to vector<16xi32>
    %shift_right_arithmetic3A_1909 = arith.shrsi %get3A_1893, %shift_right_arithmetic3A_1908 : vector<16xi32>
    %and3A_1910 = arith.constant 1 : i32
    %and3A_1911 = vector.broadcast %and3A_1910 : i32 to vector<16xi32>
    %and3A_1912 = arith.andi %shift_right_arithmetic3A_1909, %and3A_1911 : vector<16xi32>
    %add3A_1913 = arith.addi %add3A_1906, %and3A_1912 : vector<16xi32>
    %swap3A_1914 = arith.constant 3 : i32
    %swap3A_1915 = arith.index_cast %swap3A_1914 : i32 to index
    %swap3A_1916 = arith.constant 80 : index
    %swap3A_1917 = tpu.vector_load %arg9[%swap3A_1915, %swap3A_1916] {strides = array<i32>} : memref<4x128xi32, #tpu.memory_space<vmem>>, vector<1x16xi32>,
    %swap3A_1918 = vector.shape_cast %swap3A_1917 : vector<1x16xi32> to vector<16xi32>
    %swap3A_1919 = vector.shape_cast %add3A_1913 : vector<16xi32> to vector<1x16xi32>
    tpu.vector_store %arg9[%swap3A_1915, %swap3A_1916], %swap3A_1919 {strides = array<i32>} : memref<4x128xi32, #tpu.memory_space<vmem>>, vector<1x16xi32>,
    %get3A_1920 = arith.constant 3 : i32
    %get3A_1921 = arith.index_cast %get3A_1920 : i32 to index
    %get3A_1922 = arith.constant 96 : index
    %get3A_1923 = tpu.vector_load %arg9[%get3A_1921, %get3A_1922] {strides = array<i32>} : memref<4x128xi32, #tpu.memory_space<vmem>>, vector<1x16xi32>,
    %get3A_1924 = vector.shape_cast %get3A_1923 : vector<1x16xi32> to vector<16xi32>
    %shift_right_arithmetic3A_1925 = arith.constant 12 : i32
    %shift_right_arithmetic3A_1926 = vector.broadcast %shift_right_arithmetic3A_1925 : i32 to vector<16xi32>
    %shift_right_arithmetic3A_1927 = arith.shrsi %get3A_1924, %shift_right_arithmetic3A_1926 : vector<16xi32>
    %shift_left3A_1928 = arith.constant 12 : i32
    %shift_left3A_1929 = vector.broadcast %shift_left3A_1928 : i32 to vector<16xi32>
    %shift_left3A_1930 = arith.shli %shift_right_arithmetic3A_1927, %shift_left3A_1929 : vector<16xi32>
    %and3A_1931 = arith.constant 2047 : i32
    %and3A_1932 = vector.broadcast %and3A_1931 : i32 to vector<16xi32>
    %and3A_1933 = arith.andi %get3A_1924, %and3A_1932 : vector<16xi32>
    %shift_left3A_1934 = arith.constant 1 : i32
    %shift_left3A_1935 = vector.broadcast %shift_left3A_1934 : i32 to vector<16xi32>
    %shift_left3A_1936 = arith.shli %and3A_1933, %shift_left3A_1935 : vector<16xi32>
    %add3A_1937 = arith.addi %shift_left3A_1930, %shift_left3A_1936 : vector<16xi32>
    %shift_right_arithmetic3A_1938 = arith.constant 11 : i32
    %shift_right_arithmetic3A_1939 = vector.broadcast %shift_right_arithmetic3A_1938 : i32 to vector<16xi32>
    %shift_right_arithmetic3A_1940 = arith.shrsi %get3A_1924, %shift_right_arithmetic3A_1939 : vector<16xi32>
    %and3A_1941 = arith.constant 1 : i32
    %and3A_1942 = vector.broadcast %and3A_1941 : i32 to vector<16xi32>
    %and3A_1943 = arith.andi %shift_right_arithmetic3A_1940, %and3A_1942 : vector<16xi32>
    %add3A_1944 = arith.addi %add3A_1937, %and3A_1943 : vector<16xi32>
    %swap3A_1945 = arith.constant 3 : i32
    %swap3A_1946 = arith.index_cast %swap3A_1945 : i32 to index
    %swap3A_1947 = arith.constant 96 : index
    %swap3A_1948 = tpu.vector_load %arg9[%swap3A_1946, %swap3A_1947] {strides = array<i32>} : memref<4x128xi32, #tpu.memory_space<vmem>>, vector<1x16xi32>,
    %swap3A_1949 = vector.shape_cast %swap3A_1948 : vector<1x16xi32> to vector<16xi32>
    %swap3A_1950 = vector.shape_cast %add3A_1944 : vector<16xi32> to vector<1x16xi32>
    tpu.vector_store %arg9[%swap3A_1946, %swap3A_1947], %swap3A_1950 {strides = array<i32>} : memref<4x128xi32, #tpu.memory_space<vmem>>, vector<1x16xi32>,
    %get3A_1951 = arith.constant 3 : i32
    %get3A_1952 = arith.index_cast %get3A_1951 : i32 to index
    %get3A_1953 = arith.constant 112 : index
    %get3A_1954 = tpu.vector_load %arg9[%get3A_1952, %get3A_1953] {strides = array<i32>} : memref<4x128xi32, #tpu.memory_space<vmem>>, vector<1x16xi32>,
    %get3A_1955 = vector.shape_cast %get3A_1954 : vector<1x16xi32> to vector<16xi32>
    %shift_right_arithmetic3A_1956 = arith.constant 12 : i32
    %shift_right_arithmetic3A_1957 = vector.broadcast %shift_right_arithmetic3A_1956 : i32 to vector<16xi32>
    %shift_right_arithmetic3A_1958 = arith.shrsi %get3A_1955, %shift_right_arithmetic3A_1957 : vector<16xi32>
    %shift_left3A_1959 = arith.constant 12 : i32
    %shift_left3A_1960 = vector.broadcast %shift_left3A_1959 : i32 to vector<16xi32>
    %shift_left3A_1961 = arith.shli %shift_right_arithmetic3A_1958, %shift_left3A_1960 : vector<16xi32>
    %and3A_1962 = arith.constant 2047 : i32
    %and3A_1963 = vector.broadcast %and3A_1962 : i32 to vector<16xi32>
    %and3A_1964 = arith.andi %get3A_1955, %and3A_1963 : vector<16xi32>
    %shift_left3A_1965 = arith.constant 1 : i32
    %shift_left3A_1966 = vector.broadcast %shift_left3A_1965 : i32 to vector<16xi32>
    %shift_left3A_1967 = arith.shli %and3A_1964, %shift_left3A_1966 : vector<16xi32>
    %add3A_1968 = arith.addi %shift_left3A_1961, %shift_left3A_1967 : vector<16xi32>
    %shift_right_arithmetic3A_1969 = arith.constant 11 : i32
    %shift_right_arithmetic3A_1970 = vector.broadcast %shift_right_arithmetic3A_1969 : i32 to vector<16xi32>
    %shift_right_arithmetic3A_1971 = arith.shrsi %get3A_1955, %shift_right_arithmetic3A_1970 : vector<16xi32>
    %and3A_1972 = arith.constant 1 : i32
    %and3A_1973 = vector.broadcast %and3A_1972 : i32 to vector<16xi32>
    %and3A_1974 = arith.andi %shift_right_arithmetic3A_1971, %and3A_1973 : vector<16xi32>
    %add3A_1975 = arith.addi %add3A_1968, %and3A_1974 : vector<16xi32>
    %swap3A_1976 = arith.constant 3 : i32
    %swap3A_1977 = arith.index_cast %swap3A_1976 : i32 to index
    %swap3A_1978 = arith.constant 112 : index
    %swap3A_1979 = tpu.vector_load %arg9[%swap3A_1977, %swap3A_1978] {strides = array<i32>} : memref<4x128xi32, #tpu.memory_space<vmem>>, vector<1x16xi32>,
    %swap3A_1980 = vector.shape_cast %swap3A_1979 : vector<1x16xi32> to vector<16xi32>
    %swap3A_1981 = vector.shape_cast %add3A_1975 : vector<16xi32> to vector<1x16xi32>
    tpu.vector_store %arg9[%swap3A_1977, %swap3A_1978], %swap3A_1981 {strides = array<i32>} : memref<4x128xi32, #tpu.memory_space<vmem>>, vector<1x16xi32>,
    %dma_start3A = arith.constant 0 : i32
    %dma_start3A_1982 = arith.constant 0 : i32
    %dma_start3A_1983 = arith.constant 0 : i32
    %dma_start3A_1984 = tpu.memref_slice %arg10[%dma_start3A_1982, %dma_start3A_1983] : memref<512x64xf32, #tpu.memory_space<vmem>> -> memref<128x64xf32, #tpu.memory_space<vmem>>
    %dma_start3A_1985 = arith.constant 0 : i32
    %dma_start3A_1986 = tpu.memref_slice %arg8[%dma_start3A, %dma_start3A_1985] : memref<4x128xi32, #tpu.memory_space<vmem>> -> memref<1x128xi32, #tpu.memory_space<vmem>>
    %dma_start3A_1987 = tpu.memref_squeeze %dma_start3A_1986 : memref<1x128xi32, #tpu.memory_space<vmem>> -> memref<128xi32, #tpu.memory_space<vmem>>
    %dma_start3A_1988 = arith.constant 0 : i32
    %dma_start3A_1989 = arith.constant 0 : i32
    %dma_start3A_1990 = tpu.memref_slice %arg2[%dma_start3A_1988, %dma_start3A_1989] : memref<102400x64xf32, #tpu.memory_space<hbm>> -> memref<102400x64xf32, #tpu.memory_space<hbm>>
    tpu.enqueue_indirect_dma source(%dma_start3A_1990 : memref<102400x64xf32, #tpu.memory_space<hbm>>) target(%dma_start3A_1984 : memref<128x64xf32, #tpu.memory_space<vmem>>) offsets(%dma_start3A_1987 : memref<128xi32, #tpu.memory_space<vmem>>) semaphore(%arg12 : memref<!tpu.dma_semaphore, #tpu.memory_space<semaphore_mem>>)
    %dma_start3A_1991 = arith.constant 0 : i32
    %dma_start3A_1992 = arith.constant 0 : i32
    %dma_start3A_1993 = arith.constant 0 : i32
    %dma_start3A_1994 = tpu.memref_slice %arg11[%dma_start3A_1992, %dma_start3A_1993] : memref<512x64xf32, #tpu.memory_space<vmem>> -> memref<128x64xf32, #tpu.memory_space<vmem>>
    %dma_start3A_1995 = arith.constant 0 : i32
    %dma_start3A_1996 = tpu.memref_slice %arg9[%dma_start3A_1991, %dma_start3A_1995] : memref<4x128xi32, #tpu.memory_space<vmem>> -> memref<1x128xi32, #tpu.memory_space<vmem>>
    %dma_start3A_1997 = tpu.memref_squeeze %dma_start3A_1996 : memref<1x128xi32, #tpu.memory_space<vmem>> -> memref<128xi32, #tpu.memory_space<vmem>>
    %dma_start3A_1998 = arith.constant 0 : i32
    %dma_start3A_1999 = arith.constant 0 : i32
    %dma_start3A_2000 = tpu.memref_slice %arg3[%dma_start3A_1998, %dma_start3A_1999] : memref<102400x64xf32, #tpu.memory_space<hbm>> -> memref<102400x64xf32, #tpu.memory_space<hbm>>
    tpu.enqueue_indirect_dma source(%dma_start3A_2000 : memref<102400x64xf32, #tpu.memory_space<hbm>>) target(%dma_start3A_1994 : memref<128x64xf32, #tpu.memory_space<vmem>>) offsets(%dma_start3A_1997 : memref<128xi32, #tpu.memory_space<vmem>>) semaphore(%arg12 : memref<!tpu.dma_semaphore, #tpu.memory_space<semaphore_mem>>)
    %dma_start3A_2001 = arith.constant 1 : i32
    %dma_start3A_2002 = arith.constant 128 : i32
    %dma_start3A_2003 = arith.constant 0 : i32
    %dma_start3A_2004 = tpu.memref_slice %arg10[%dma_start3A_2002, %dma_start3A_2003] : memref<512x64xf32, #tpu.memory_space<vmem>> -> memref<128x64xf32, #tpu.memory_space<vmem>>
    %dma_start3A_2005 = arith.constant 0 : i32
    %dma_start3A_2006 = tpu.memref_slice %arg8[%dma_start3A_2001, %dma_start3A_2005] : memref<4x128xi32, #tpu.memory_space<vmem>> -> memref<1x128xi32, #tpu.memory_space<vmem>>
    %dma_start3A_2007 = tpu.memref_squeeze %dma_start3A_2006 : memref<1x128xi32, #tpu.memory_space<vmem>> -> memref<128xi32, #tpu.memory_space<vmem>>
    %dma_start3A_2008 = arith.constant 0 : i32
    %dma_start3A_2009 = arith.constant 0 : i32
    %dma_start3A_2010 = tpu.memref_slice %arg2[%dma_start3A_2008, %dma_start3A_2009] : memref<102400x64xf32, #tpu.memory_space<hbm>> -> memref<102400x64xf32, #tpu.memory_space<hbm>>
    tpu.enqueue_indirect_dma source(%dma_start3A_2010 : memref<102400x64xf32, #tpu.memory_space<hbm>>) target(%dma_start3A_2004 : memref<128x64xf32, #tpu.memory_space<vmem>>) offsets(%dma_start3A_2007 : memref<128xi32, #tpu.memory_space<vmem>>) semaphore(%arg12 : memref<!tpu.dma_semaphore, #tpu.memory_space<semaphore_mem>>)
    %dma_start3A_2011 = arith.constant 1 : i32
    %dma_start3A_2012 = arith.constant 128 : i32
    %dma_start3A_2013 = arith.constant 0 : i32
    %dma_start3A_2014 = tpu.memref_slice %arg11[%dma_start3A_2012, %dma_start3A_2013] : memref<512x64xf32, #tpu.memory_space<vmem>> -> memref<128x64xf32, #tpu.memory_space<vmem>>
    %dma_start3A_2015 = arith.constant 0 : i32
    %dma_start3A_2016 = tpu.memref_slice %arg9[%dma_start3A_2011, %dma_start3A_2015] : memref<4x128xi32, #tpu.memory_space<vmem>> -> memref<1x128xi32, #tpu.memory_space<vmem>>
    %dma_start3A_2017 = tpu.memref_squeeze %dma_start3A_2016 : memref<1x128xi32, #tpu.memory_space<vmem>> -> memref<128xi32, #tpu.memory_space<vmem>>
    %dma_start3A_2018 = arith.constant 0 : i32
    %dma_start3A_2019 = arith.constant 0 : i32
    %dma_start3A_2020 = tpu.memref_slice %arg3[%dma_start3A_2018, %dma_start3A_2019] : memref<102400x64xf32, #tpu.memory_space<hbm>> -> memref<102400x64xf32, #tpu.memory_space<hbm>>
    tpu.enqueue_indirect_dma source(%dma_start3A_2020 : memref<102400x64xf32, #tpu.memory_space<hbm>>) target(%dma_start3A_2014 : memref<128x64xf32, #tpu.memory_space<vmem>>) offsets(%dma_start3A_2017 : memref<128xi32, #tpu.memory_space<vmem>>) semaphore(%arg12 : memref<!tpu.dma_semaphore, #tpu.memory_space<semaphore_mem>>)
    %dma_start3A_2021 = arith.constant 2 : i32
    %dma_start3A_2022 = arith.constant 256 : i32
    %dma_start3A_2023 = arith.constant 0 : i32
    %dma_start3A_2024 = tpu.memref_slice %arg10[%dma_start3A_2022, %dma_start3A_2023] : memref<512x64xf32, #tpu.memory_space<vmem>> -> memref<128x64xf32, #tpu.memory_space<vmem>>
    %dma_start3A_2025 = arith.constant 0 : i32
    %dma_start3A_2026 = tpu.memref_slice %arg8[%dma_start3A_2021, %dma_start3A_2025] : memref<4x128xi32, #tpu.memory_space<vmem>> -> memref<1x128xi32, #tpu.memory_space<vmem>>
    %dma_start3A_2027 = tpu.memref_squeeze %dma_start3A_2026 : memref<1x128xi32, #tpu.memory_space<vmem>> -> memref<128xi32, #tpu.memory_space<vmem>>
    %dma_start3A_2028 = arith.constant 0 : i32
    %dma_start3A_2029 = arith.constant 0 : i32
    %dma_start3A_2030 = tpu.memref_slice %arg2[%dma_start3A_2028, %dma_start3A_2029] : memref<102400x64xf32, #tpu.memory_space<hbm>> -> memref<102400x64xf32, #tpu.memory_space<hbm>>
    tpu.enqueue_indirect_dma source(%dma_start3A_2030 : memref<102400x64xf32, #tpu.memory_space<hbm>>) target(%dma_start3A_2024 : memref<128x64xf32, #tpu.memory_space<vmem>>) offsets(%dma_start3A_2027 : memref<128xi32, #tpu.memory_space<vmem>>) semaphore(%arg12 : memref<!tpu.dma_semaphore, #tpu.memory_space<semaphore_mem>>)
    %dma_start3A_2031 = arith.constant 2 : i32
    %dma_start3A_2032 = arith.constant 256 : i32
    %dma_start3A_2033 = arith.constant 0 : i32
    %dma_start3A_2034 = tpu.memref_slice %arg11[%dma_start3A_2032, %dma_start3A_2033] : memref<512x64xf32, #tpu.memory_space<vmem>> -> memref<128x64xf32, #tpu.memory_space<vmem>>
    %dma_start3A_2035 = arith.constant 0 : i32
    %dma_start3A_2036 = tpu.memref_slice %arg9[%dma_start3A_2031, %dma_start3A_2035] : memref<4x128xi32, #tpu.memory_space<vmem>> -> memref<1x128xi32, #tpu.memory_space<vmem>>
    %dma_start3A_2037 = tpu.memref_squeeze %dma_start3A_2036 : memref<1x128xi32, #tpu.memory_space<vmem>> -> memref<128xi32, #tpu.memory_space<vmem>>
    %dma_start3A_2038 = arith.constant 0 : i32
    %dma_start3A_2039 = arith.constant 0 : i32
    %dma_start3A_2040 = tpu.memref_slice %arg3[%dma_start3A_2038, %dma_start3A_2039] : memref<102400x64xf32, #tpu.memory_space<hbm>> -> memref<102400x64xf32, #tpu.memory_space<hbm>>
    tpu.enqueue_indirect_dma source(%dma_start3A_2040 : memref<102400x64xf32, #tpu.memory_space<hbm>>) target(%dma_start3A_2034 : memref<128x64xf32, #tpu.memory_space<vmem>>) offsets(%dma_start3A_2037 : memref<128xi32, #tpu.memory_space<vmem>>) semaphore(%arg12 : memref<!tpu.dma_semaphore, #tpu.memory_space<semaphore_mem>>)
    %dma_start3A_2041 = arith.constant 3 : i32
    %dma_start3A_2042 = arith.constant 384 : i32
    %dma_start3A_2043 = arith.constant 0 : i32
    %dma_start3A_2044 = tpu.memref_slice %arg10[%dma_start3A_2042, %dma_start3A_2043] : memref<512x64xf32, #tpu.memory_space<vmem>> -> memref<128x64xf32, #tpu.memory_space<vmem>>
    %dma_start3A_2045 = arith.constant 0 : i32
    %dma_start3A_2046 = tpu.memref_slice %arg8[%dma_start3A_2041, %dma_start3A_2045] : memref<4x128xi32, #tpu.memory_space<vmem>> -> memref<1x128xi32, #tpu.memory_space<vmem>>
    %dma_start3A_2047 = tpu.memref_squeeze %dma_start3A_2046 : memref<1x128xi32, #tpu.memory_space<vmem>> -> memref<128xi32, #tpu.memory_space<vmem>>
    %dma_start3A_2048 = arith.constant 0 : i32
    %dma_start3A_2049 = arith.constant 0 : i32
    %dma_start3A_2050 = tpu.memref_slice %arg2[%dma_start3A_2048, %dma_start3A_2049] : memref<102400x64xf32, #tpu.memory_space<hbm>> -> memref<102400x64xf32, #tpu.memory_space<hbm>>
    tpu.enqueue_indirect_dma source(%dma_start3A_2050 : memref<102400x64xf32, #tpu.memory_space<hbm>>) target(%dma_start3A_2044 : memref<128x64xf32, #tpu.memory_space<vmem>>) offsets(%dma_start3A_2047 : memref<128xi32, #tpu.memory_space<vmem>>) semaphore(%arg12 : memref<!tpu.dma_semaphore, #tpu.memory_space<semaphore_mem>>)
    %dma_start3A_2051 = arith.constant 3 : i32
    %dma_start3A_2052 = arith.constant 384 : i32
    %dma_start3A_2053 = arith.constant 0 : i32
    %dma_start3A_2054 = tpu.memref_slice %arg11[%dma_start3A_2052, %dma_start3A_2053] : memref<512x64xf32, #tpu.memory_space<vmem>> -> memref<128x64xf32, #tpu.memory_space<vmem>>
    %dma_start3A_2055 = arith.constant 0 : i32
    %dma_start3A_2056 = tpu.memref_slice %arg9[%dma_start3A_2051, %dma_start3A_2055] : memref<4x128xi32, #tpu.memory_space<vmem>> -> memref<1x128xi32, #tpu.memory_space<vmem>>
    %dma_start3A_2057 = tpu.memref_squeeze %dma_start3A_2056 : memref<1x128xi32, #tpu.memory_space<vmem>> -> memref<128xi32, #tpu.memory_space<vmem>>
    %dma_start3A_2058 = arith.constant 0 : i32
    %dma_start3A_2059 = arith.constant 0 : i32
    %dma_start3A_2060 = tpu.memref_slice %arg3[%dma_start3A_2058, %dma_start3A_2059] : memref<102400x64xf32, #tpu.memory_space<hbm>> -> memref<102400x64xf32, #tpu.memory_space<hbm>>
    tpu.enqueue_indirect_dma source(%dma_start3A_2060 : memref<102400x64xf32, #tpu.memory_space<hbm>>) target(%dma_start3A_2054 : memref<128x64xf32, #tpu.memory_space<vmem>>) offsets(%dma_start3A_2057 : memref<128xi32, #tpu.memory_space<vmem>>) semaphore(%arg12 : memref<!tpu.dma_semaphore, #tpu.memory_space<semaphore_mem>>)
    %dma_wait3A = arith.constant 0 : i32
    %dma_wait3A_2061 = arith.constant 0 : i32
    %dma_wait3A_2062 = arith.constant 0 : i32
    %dma_wait3A_2063 = tpu.memref_slice %arg10[%dma_wait3A_2061, %dma_wait3A_2062] : memref<512x64xf32, #tpu.memory_space<vmem>> -> memref<128x64xf32, #tpu.memory_space<vmem>>
    %dma_wait3A_2064 = arith.constant 0 : i32
    %dma_wait3A_2065 = tpu.memref_slice %arg8[%dma_wait3A, %dma_wait3A_2064] : memref<4x128xi32, #tpu.memory_space<vmem>> -> memref<1x128xi32, #tpu.memory_space<vmem>>
    %dma_wait3A_2066 = tpu.memref_squeeze %dma_wait3A_2065 : memref<1x128xi32, #tpu.memory_space<vmem>> -> memref<128xi32, #tpu.memory_space<vmem>>
    %dma_wait3A_2067 = arith.constant 0 : i32
    %dma_wait3A_2068 = arith.constant 0 : i32
    %dma_wait3A_2069 = tpu.memref_slice %arg2[%dma_wait3A_2067, %dma_wait3A_2068] : memref<102400x64xf32, #tpu.memory_space<hbm>> -> memref<102400x64xf32, #tpu.memory_space<hbm>>
    tpu.wait_indirect_dma semaphore(%arg12 : memref<!tpu.dma_semaphore, #tpu.memory_space<semaphore_mem>>) src(%dma_wait3A_2069 : memref<102400x64xf32, #tpu.memory_space<hbm>>) dst(%dma_wait3A_2063 : memref<128x64xf32, #tpu.memory_space<vmem>>)
    %dma_wait3A_2070 = arith.constant 0 : i32
    %dma_wait3A_2071 = arith.constant 0 : i32
    %dma_wait3A_2072 = arith.constant 0 : i32
    %dma_wait3A_2073 = tpu.memref_slice %arg11[%dma_wait3A_2071, %dma_wait3A_2072] : memref<512x64xf32, #tpu.memory_space<vmem>> -> memref<128x64xf32, #tpu.memory_space<vmem>>
    %dma_wait3A_2074 = arith.constant 0 : i32
    %dma_wait3A_2075 = tpu.memref_slice %arg9[%dma_wait3A_2070, %dma_wait3A_2074] : memref<4x128xi32, #tpu.memory_space<vmem>> -> memref<1x128xi32, #tpu.memory_space<vmem>>
    %dma_wait3A_2076 = tpu.memref_squeeze %dma_wait3A_2075 : memref<1x128xi32, #tpu.memory_space<vmem>> -> memref<128xi32, #tpu.memory_space<vmem>>
    %dma_wait3A_2077 = arith.constant 0 : i32
    %dma_wait3A_2078 = arith.constant 0 : i32
    %dma_wait3A_2079 = tpu.memref_slice %arg3[%dma_wait3A_2077, %dma_wait3A_2078] : memref<102400x64xf32, #tpu.memory_space<hbm>> -> memref<102400x64xf32, #tpu.memory_space<hbm>>
    tpu.wait_indirect_dma semaphore(%arg12 : memref<!tpu.dma_semaphore, #tpu.memory_space<semaphore_mem>>) src(%dma_wait3A_2079 : memref<102400x64xf32, #tpu.memory_space<hbm>>) dst(%dma_wait3A_2073 : memref<128x64xf32, #tpu.memory_space<vmem>>)
    %dma_wait3A_2080 = arith.constant 1 : i32
    %dma_wait3A_2081 = arith.constant 128 : i32
    %dma_wait3A_2082 = arith.constant 0 : i32
    %dma_wait3A_2083 = tpu.memref_slice %arg10[%dma_wait3A_2081, %dma_wait3A_2082] : memref<512x64xf32, #tpu.memory_space<vmem>> -> memref<128x64xf32, #tpu.memory_space<vmem>>
    %dma_wait3A_2084 = arith.constant 0 : i32
    %dma_wait3A_2085 = tpu.memref_slice %arg8[%dma_wait3A_2080, %dma_wait3A_2084] : memref<4x128xi32, #tpu.memory_space<vmem>> -> memref<1x128xi32, #tpu.memory_space<vmem>>
    %dma_wait3A_2086 = tpu.memref_squeeze %dma_wait3A_2085 : memref<1x128xi32, #tpu.memory_space<vmem>> -> memref<128xi32, #tpu.memory_space<vmem>>
    %dma_wait3A_2087 = arith.constant 0 : i32
    %dma_wait3A_2088 = arith.constant 0 : i32
    %dma_wait3A_2089 = tpu.memref_slice %arg2[%dma_wait3A_2087, %dma_wait3A_2088] : memref<102400x64xf32, #tpu.memory_space<hbm>> -> memref<102400x64xf32, #tpu.memory_space<hbm>>
    tpu.wait_indirect_dma semaphore(%arg12 : memref<!tpu.dma_semaphore, #tpu.memory_space<semaphore_mem>>) src(%dma_wait3A_2089 : memref<102400x64xf32, #tpu.memory_space<hbm>>) dst(%dma_wait3A_2083 : memref<128x64xf32, #tpu.memory_space<vmem>>)
    %dma_wait3A_2090 = arith.constant 1 : i32
    %dma_wait3A_2091 = arith.constant 128 : i32
    %dma_wait3A_2092 = arith.constant 0 : i32
    %dma_wait3A_2093 = tpu.memref_slice %arg11[%dma_wait3A_2091, %dma_wait3A_2092] : memref<512x64xf32, #tpu.memory_space<vmem>> -> memref<128x64xf32, #tpu.memory_space<vmem>>
    %dma_wait3A_2094 = arith.constant 0 : i32
    %dma_wait3A_2095 = tpu.memref_slice %arg9[%dma_wait3A_2090, %dma_wait3A_2094] : memref<4x128xi32, #tpu.memory_space<vmem>> -> memref<1x128xi32, #tpu.memory_space<vmem>>
    %dma_wait3A_2096 = tpu.memref_squeeze %dma_wait3A_2095 : memref<1x128xi32, #tpu.memory_space<vmem>> -> memref<128xi32, #tpu.memory_space<vmem>>
    %dma_wait3A_2097 = arith.constant 0 : i32
    %dma_wait3A_2098 = arith.constant 0 : i32
    %dma_wait3A_2099 = tpu.memref_slice %arg3[%dma_wait3A_2097, %dma_wait3A_2098] : memref<102400x64xf32, #tpu.memory_space<hbm>> -> memref<102400x64xf32, #tpu.memory_space<hbm>>
    tpu.wait_indirect_dma semaphore(%arg12 : memref<!tpu.dma_semaphore, #tpu.memory_space<semaphore_mem>>) src(%dma_wait3A_2099 : memref<102400x64xf32, #tpu.memory_space<hbm>>) dst(%dma_wait3A_2093 : memref<128x64xf32, #tpu.memory_space<vmem>>)
    %dma_wait3A_2100 = arith.constant 2 : i32
    %dma_wait3A_2101 = arith.constant 256 : i32
    %dma_wait3A_2102 = arith.constant 0 : i32
    %dma_wait3A_2103 = tpu.memref_slice %arg10[%dma_wait3A_2101, %dma_wait3A_2102] : memref<512x64xf32, #tpu.memory_space<vmem>> -> memref<128x64xf32, #tpu.memory_space<vmem>>
    %dma_wait3A_2104 = arith.constant 0 : i32
    %dma_wait3A_2105 = tpu.memref_slice %arg8[%dma_wait3A_2100, %dma_wait3A_2104] : memref<4x128xi32, #tpu.memory_space<vmem>> -> memref<1x128xi32, #tpu.memory_space<vmem>>
    %dma_wait3A_2106 = tpu.memref_squeeze %dma_wait3A_2105 : memref<1x128xi32, #tpu.memory_space<vmem>> -> memref<128xi32, #tpu.memory_space<vmem>>
    %dma_wait3A_2107 = arith.constant 0 : i32
    %dma_wait3A_2108 = arith.constant 0 : i32
    %dma_wait3A_2109 = tpu.memref_slice %arg2[%dma_wait3A_2107, %dma_wait3A_2108] : memref<102400x64xf32, #tpu.memory_space<hbm>> -> memref<102400x64xf32, #tpu.memory_space<hbm>>
    tpu.wait_indirect_dma semaphore(%arg12 : memref<!tpu.dma_semaphore, #tpu.memory_space<semaphore_mem>>) src(%dma_wait3A_2109 : memref<102400x64xf32, #tpu.memory_space<hbm>>) dst(%dma_wait3A_2103 : memref<128x64xf32, #tpu.memory_space<vmem>>)
    %dma_wait3A_2110 = arith.constant 2 : i32
    %dma_wait3A_2111 = arith.constant 256 : i32
    %dma_wait3A_2112 = arith.constant 0 : i32
    %dma_wait3A_2113 = tpu.memref_slice %arg11[%dma_wait3A_2111, %dma_wait3A_2112] : memref<512x64xf32, #tpu.memory_space<vmem>> -> memref<128x64xf32, #tpu.memory_space<vmem>>
    %dma_wait3A_2114 = arith.constant 0 : i32
    %dma_wait3A_2115 = tpu.memref_slice %arg9[%dma_wait3A_2110, %dma_wait3A_2114] : memref<4x128xi32, #tpu.memory_space<vmem>> -> memref<1x128xi32, #tpu.memory_space<vmem>>
    %dma_wait3A_2116 = tpu.memref_squeeze %dma_wait3A_2115 : memref<1x128xi32, #tpu.memory_space<vmem>> -> memref<128xi32, #tpu.memory_space<vmem>>
    %dma_wait3A_2117 = arith.constant 0 : i32
    %dma_wait3A_2118 = arith.constant 0 : i32
    %dma_wait3A_2119 = tpu.memref_slice %arg3[%dma_wait3A_2117, %dma_wait3A_2118] : memref<102400x64xf32, #tpu.memory_space<hbm>> -> memref<102400x64xf32, #tpu.memory_space<hbm>>
    tpu.wait_indirect_dma semaphore(%arg12 : memref<!tpu.dma_semaphore, #tpu.memory_space<semaphore_mem>>) src(%dma_wait3A_2119 : memref<102400x64xf32, #tpu.memory_space<hbm>>) dst(%dma_wait3A_2113 : memref<128x64xf32, #tpu.memory_space<vmem>>)
    %dma_wait3A_2120 = arith.constant 3 : i32
    %dma_wait3A_2121 = arith.constant 384 : i32
    %dma_wait3A_2122 = arith.constant 0 : i32
    %dma_wait3A_2123 = tpu.memref_slice %arg10[%dma_wait3A_2121, %dma_wait3A_2122] : memref<512x64xf32, #tpu.memory_space<vmem>> -> memref<128x64xf32, #tpu.memory_space<vmem>>
    %dma_wait3A_2124 = arith.constant 0 : i32
    %dma_wait3A_2125 = tpu.memref_slice %arg8[%dma_wait3A_2120, %dma_wait3A_2124] : memref<4x128xi32, #tpu.memory_space<vmem>> -> memref<1x128xi32, #tpu.memory_space<vmem>>
    %dma_wait3A_2126 = tpu.memref_squeeze %dma_wait3A_2125 : memref<1x128xi32, #tpu.memory_space<vmem>> -> memref<128xi32, #tpu.memory_space<vmem>>
    %dma_wait3A_2127 = arith.constant 0 : i32
    %dma_wait3A_2128 = arith.constant 0 : i32
    %dma_wait3A_2129 = tpu.memref_slice %arg2[%dma_wait3A_2127, %dma_wait3A_2128] : memref<102400x64xf32, #tpu.memory_space<hbm>> -> memref<102400x64xf32, #tpu.memory_space<hbm>>
    tpu.wait_indirect_dma semaphore(%arg12 : memref<!tpu.dma_semaphore, #tpu.memory_space<semaphore_mem>>) src(%dma_wait3A_2129 : memref<102400x64xf32, #tpu.memory_space<hbm>>) dst(%dma_wait3A_2123 : memref<128x64xf32, #tpu.memory_space<vmem>>)
    %dma_wait3A_2130 = arith.constant 3 : i32
    %dma_wait3A_2131 = arith.constant 384 : i32
    %dma_wait3A_2132 = arith.constant 0 : i32
    %dma_wait3A_2133 = tpu.memref_slice %arg11[%dma_wait3A_2131, %dma_wait3A_2132] : memref<512x64xf32, #tpu.memory_space<vmem>> -> memref<128x64xf32, #tpu.memory_space<vmem>>
    %dma_wait3A_2134 = arith.constant 0 : i32
    %dma_wait3A_2135 = tpu.memref_slice %arg9[%dma_wait3A_2130, %dma_wait3A_2134] : memref<4x128xi32, #tpu.memory_space<vmem>> -> memref<1x128xi32, #tpu.memory_space<vmem>>
    %dma_wait3A_2136 = tpu.memref_squeeze %dma_wait3A_2135 : memref<1x128xi32, #tpu.memory_space<vmem>> -> memref<128xi32, #tpu.memory_space<vmem>>
    %dma_wait3A_2137 = arith.constant 0 : i32
    %dma_wait3A_2138 = arith.constant 0 : i32
    %dma_wait3A_2139 = tpu.memref_slice %arg3[%dma_wait3A_2137, %dma_wait3A_2138] : memref<102400x64xf32, #tpu.memory_space<hbm>> -> memref<102400x64xf32, #tpu.memory_space<hbm>>
    tpu.wait_indirect_dma semaphore(%arg12 : memref<!tpu.dma_semaphore, #tpu.memory_space<semaphore_mem>>) src(%dma_wait3A_2139 : memref<102400x64xf32, #tpu.memory_space<hbm>>) dst(%dma_wait3A_2133 : memref<128x64xf32, #tpu.memory_space<vmem>>)
    %jit3A = arith.constant 16 : i32
    %div3A = arith.divsi %add3A, %jit3A : i32
    %sign3A = arith.constant 0 : i32
    %sign3A_2140 = arith.cmpi sgt, %add3A, %sign3A : i32
    %sign3A_2141 = arith.extui %sign3A_2140 : i1 to i32
    %sign3A_2142 = arith.constant 0 : i32
    %sign3A_2143 = arith.cmpi slt, %add3A, %sign3A_2142 : i32
    %sign3A_2144 = arith.extui %sign3A_2143 : i1 to i32
    %sign3A_2145 = arith.subi %sign3A_2141, %sign3A_2144 : i32
    %sign3A_2146 = arith.constant 0 : i32
    %sign3A_2147 = arith.cmpi sgt, %jit3A, %sign3A_2146 : i32
    %sign3A_2148 = arith.extui %sign3A_2147 : i1 to i32
    %sign3A_2149 = arith.constant 0 : i32
    %sign3A_2150 = arith.cmpi slt, %jit3A, %sign3A_2149 : i32
    %sign3A_2151 = arith.extui %sign3A_2150 : i1 to i32
    %sign3A_2152 = arith.subi %sign3A_2148, %sign3A_2151 : i32
    %ne3A = arith.cmpi ne, %sign3A_2145, %sign3A_2152 : i32
    %rem3A = arith.remsi %add3A, %jit3A : i32
    %ne3A_2153 = arith.constant 0 : i32
    %ne3A_2154 = arith.cmpi ne, %rem3A, %ne3A_2153 : i32
    %and3A_2155 = arith.andi %ne3A, %ne3A_2154 : i1
    %sub3A = arith.constant 1 : i32
    %sub3A_2156 = arith.subi %div3A, %sub3A : i32
    %select_n3A = arith.select %and3A_2155, %sub3A_2156, %div3A : i32
    %jit3A_2157 = arith.constant 16 : i32
    %eq3A = arith.constant 0 : i32
    %eq3A_2158 = arith.cmpi eq, %jit3A_2157, %eq3A : i32
    %jit3A_2159 = arith.constant 1 : i32
    %select_n3A_2160 = arith.select %eq3A_2158, %jit3A_2159, %jit3A_2157 : i32
    %rem3A_2161 = arith.remsi %add3A, %select_n3A_2160 : i32
    %ne3A_2162 = arith.constant 0 : i32
    %ne3A_2163 = arith.cmpi ne, %rem3A_2161, %ne3A_2162 : i32
    %lt3A = arith.constant 0 : i32
    %lt3A_2164 = arith.cmpi slt, %rem3A_2161, %lt3A : i32
    %lt3A_2165 = arith.constant 0 : i32
    %lt3A_2166 = arith.cmpi slt, %select_n3A_2160, %lt3A_2165 : i32
    %ne3A_2167 = arith.xori %lt3A_2164, %lt3A_2166 : i1
    %and3A_2168 = arith.andi %ne3A_2167, %ne3A_2163 : i1
    %add3A_2169 = arith.addi %rem3A_2161, %select_n3A_2160 : i32
    %select_n3A_2170 = arith.select %and3A_2168, %add3A_2169, %rem3A_2161 : i32
    %mul3A_2171 = arith.constant 512 : i32
    %mul3A_2172 = arith.muli %select_n3A_2170, %mul3A_2171 : i32
    %mul3A_2173 = arith.constant 64 : i32
    %mul3A_2174 = arith.muli %select_n3A, %mul3A_2173 : i32
    "tpu.region"() ({
      %run_scoped3A = tpu.sem_alloc : memref<!tpu.dma_semaphore, #tpu.memory_space<semaphore_mem>>
      %dma_start3A_2177 = tpu.memref_slice %arg6[%mul3A_2172, %mul3A_2174] : memref<8192x128xf32, #tpu.memory_space<hbm>> -> memref<512x64xf32, #tpu.memory_space<hbm>>
      %dma_start3A_2178 = tpu.memref_slice %arg6[%mul3A_2172, %mul3A_2174] : memref<8192x128xf32, #tpu.memory_space<hbm>> -> memref<512x64xf32, #tpu.memory_space<hbm>>
      tpu.enqueue_dma source(%arg10 : memref<512x64xf32, #tpu.memory_space<vmem>>) target(%dma_start3A_2178 : memref<512x64xf32, #tpu.memory_space<hbm>>) target_semaphore(%run_scoped3A : memref<!tpu.dma_semaphore, #tpu.memory_space<semaphore_mem>>)
      %dma_wait3A_2179 = tpu.memref_slice %arg6[%mul3A_2172, %mul3A_2174] : memref<8192x128xf32, #tpu.memory_space<hbm>> -> memref<512x64xf32, #tpu.memory_space<hbm>>
      %dma_wait3A_2180 = tpu.memref_slice %arg6[%mul3A_2172, %mul3A_2174] : memref<8192x128xf32, #tpu.memory_space<hbm>> -> memref<512x64xf32, #tpu.memory_space<hbm>>
      tpu.wait_dma2 semaphore(%run_scoped3A : memref<!tpu.dma_semaphore, #tpu.memory_space<semaphore_mem>>) src(%arg10 : memref<512x64xf32, #tpu.memory_space<vmem>>) dst(%dma_wait3A_2180 : memref<512x64xf32, #tpu.memory_space<hbm>>)
      tpu.yield
    }) : () -> ()
    %mul3A_2175 = arith.constant 64 : i32
    %mul3A_2176 = arith.muli %select_n3A, %mul3A_2175 : i32
    "tpu.region"() ({
      %run_scoped3A = tpu.sem_alloc : memref<!tpu.dma_semaphore, #tpu.memory_space<semaphore_mem>>
      %dma_start3A_2177 = tpu.memref_slice %arg7[%mul3A_2172, %mul3A_2176] : memref<8192x128xf32, #tpu.memory_space<hbm>> -> memref<512x64xf32, #tpu.memory_space<hbm>>
      %dma_start3A_2178 = tpu.memref_slice %arg7[%mul3A_2172, %mul3A_2176] : memref<8192x128xf32, #tpu.memory_space<hbm>> -> memref<512x64xf32, #tpu.memory_space<hbm>>
      tpu.enqueue_dma source(%arg11 : memref<512x64xf32, #tpu.memory_space<vmem>>) target(%dma_start3A_2178 : memref<512x64xf32, #tpu.memory_space<hbm>>) target_semaphore(%run_scoped3A : memref<!tpu.dma_semaphore, #tpu.memory_space<semaphore_mem>>)
      %dma_wait3A_2179 = tpu.memref_slice %arg7[%mul3A_2172, %mul3A_2176] : memref<8192x128xf32, #tpu.memory_space<hbm>> -> memref<512x64xf32, #tpu.memory_space<hbm>>
      %dma_wait3A_2180 = tpu.memref_slice %arg7[%mul3A_2172, %mul3A_2176] : memref<8192x128xf32, #tpu.memory_space<hbm>> -> memref<512x64xf32, #tpu.memory_space<hbm>>
      tpu.wait_dma2 semaphore(%run_scoped3A : memref<!tpu.dma_semaphore, #tpu.memory_space<semaphore_mem>>) src(%arg11 : memref<512x64xf32, #tpu.memory_space<vmem>>) dst(%dma_wait3A_2180 : memref<512x64xf32, #tpu.memory_space<hbm>>)
      tpu.yield
    }) : () -> ()
    return
  }
}

module attributes {stable_mosaic.version = 14 : i64} {
  func.func @_pack_body(%arg0: i32, %arg1: memref<64x4096xf32, #tpu.memory_space<vmem>>, %arg2: memref<64x4096xf32, #tpu.memory_space<vmem>>, %arg3: memref<64x64xf32, #tpu.memory_space<vmem>>, %arg4: memref<2048x128xf32, #tpu.memory_space<vmem>>, %arg5: memref<2048x128xf32, #tpu.memory_space<vmem>>) attributes {dimension_semantics = [#tpu.dimension_semantics<arbitrary>], iteration_bounds = array<i64: 25>, scalar_prefetch = 0 : i64, scratch_operands = 0 : i64, tpu.core_type = #tpu.core_type<tc>, window_params = [{transform_indices = @transform_0, window_bounds = array<i64: 64, 4096>}, {transform_indices = @transform_1, window_bounds = array<i64: 64, 4096>}, {pipeline_mode = #tpu.pipeline_mode<synchronous>, transform_indices = @transform_2, window_bounds = array<i64: 64, 64>}, {transform_indices = @transform_3, window_bounds = array<i64: 2048, 128>}, {transform_indices = @transform_4, window_bounds = array<i64: 2048, 128>}]} {
    %get3A = arith.constant 0 : index
    %get3A_0 = arith.constant 0 : index
    %get3A_1 = vector.load %arg3[%get3A, %get3A_0] : memref<64x64xf32, #tpu.memory_space<vmem>>, vector<64x64xf32>
    %get3A_2 = arith.constant 0 : index
    %get3A_3 = arith.constant 0 : index
    %get3A_4 = vector.load %arg1[%get3A_2, %get3A_3] : memref<64x4096xf32, #tpu.memory_space<vmem>>, vector<64x4096xf32>
    %slice3A = vector.extract_strided_slice %get3A_4 {offsets = [0, 0], sizes = [64, 2048], strides = [1, 1]} : vector<64x4096xf32> to vector<64x2048xf32>
    %dot_general3A = arith.constant dense<0.000000e+00> : vector<2048x64xf32>
    %dot_general3A_5 = tpu.matmul %slice3A, %get3A_1, %dot_general3A {dimension_numbers = #tpu.dot_dimension_numbers<[0], [0], [1], [1], [0, 1, 1, 1], [], []>, transpose_lhs_hint = false} : vector<64x2048xf32>, vector<64x64xf32>, vector<2048x64xf32> -> vector<2048x64xf32>
    %swap3A = arith.constant 0 : index
    %swap3A_6 = arith.constant 0 : index
    %swap3A_7 = vector.load %arg4[%swap3A, %swap3A_6] : memref<2048x128xf32, #tpu.memory_space<vmem>>, vector<2048x64xf32>
    tpu.vector_store %arg4[%swap3A, %swap3A_6], %dot_general3A_5 {strides = array<i32>} : memref<2048x128xf32, #tpu.memory_space<vmem>>, vector<2048x64xf32>,
    %slice3A_8 = vector.extract_strided_slice %get3A_4 {offsets = [0, 2048], sizes = [64, 2048], strides = [1, 1]} : vector<64x4096xf32> to vector<64x2048xf32>
    %dot_general3A_9 = arith.constant dense<0.000000e+00> : vector<2048x64xf32>
    %dot_general3A_10 = tpu.matmul %slice3A_8, %get3A_1, %dot_general3A_9 {dimension_numbers = #tpu.dot_dimension_numbers<[0], [0], [1], [1], [0, 1, 1, 1], [], []>, transpose_lhs_hint = false} : vector<64x2048xf32>, vector<64x64xf32>, vector<2048x64xf32> -> vector<2048x64xf32>
    %swap3A_11 = arith.constant 0 : index
    %swap3A_12 = arith.constant 64 : index
    %swap3A_13 = vector.load %arg4[%swap3A_11, %swap3A_12] : memref<2048x128xf32, #tpu.memory_space<vmem>>, vector<2048x64xf32>
    tpu.vector_store %arg4[%swap3A_11, %swap3A_12], %dot_general3A_10 {strides = array<i32>} : memref<2048x128xf32, #tpu.memory_space<vmem>>, vector<2048x64xf32>,
    %get3A_14 = arith.constant 0 : index
    %get3A_15 = arith.constant 0 : index
    %get3A_16 = vector.load %arg2[%get3A_14, %get3A_15] : memref<64x4096xf32, #tpu.memory_space<vmem>>, vector<64x4096xf32>
    %slice3A_17 = vector.extract_strided_slice %get3A_16 {offsets = [0, 0], sizes = [64, 2048], strides = [1, 1]} : vector<64x4096xf32> to vector<64x2048xf32>
    %dot_general3A_18 = arith.constant dense<0.000000e+00> : vector<2048x64xf32>
    %dot_general3A_19 = tpu.matmul %slice3A_17, %get3A_1, %dot_general3A_18 {dimension_numbers = #tpu.dot_dimension_numbers<[0], [0], [1], [1], [0, 1, 1, 1], [], []>, transpose_lhs_hint = false} : vector<64x2048xf32>, vector<64x64xf32>, vector<2048x64xf32> -> vector<2048x64xf32>
    %swap3A_20 = arith.constant 0 : index
    %swap3A_21 = arith.constant 0 : index
    %swap3A_22 = vector.load %arg5[%swap3A_20, %swap3A_21] : memref<2048x128xf32, #tpu.memory_space<vmem>>, vector<2048x64xf32>
    tpu.vector_store %arg5[%swap3A_20, %swap3A_21], %dot_general3A_19 {strides = array<i32>} : memref<2048x128xf32, #tpu.memory_space<vmem>>, vector<2048x64xf32>,
    %slice3A_23 = vector.extract_strided_slice %get3A_16 {offsets = [0, 2048], sizes = [64, 2048], strides = [1, 1]} : vector<64x4096xf32> to vector<64x2048xf32>
    %dot_general3A_24 = arith.constant dense<0.000000e+00> : vector<2048x64xf32>
    %dot_general3A_25 = tpu.matmul %slice3A_23, %get3A_1, %dot_general3A_24 {dimension_numbers = #tpu.dot_dimension_numbers<[0], [0], [1], [1], [0, 1, 1, 1], [], []>, transpose_lhs_hint = false} : vector<64x2048xf32>, vector<64x64xf32>, vector<2048x64xf32> -> vector<2048x64xf32>
    %swap3A_26 = arith.constant 0 : index
    %swap3A_27 = arith.constant 64 : index
    %swap3A_28 = vector.load %arg5[%swap3A_26, %swap3A_27] : memref<2048x128xf32, #tpu.memory_space<vmem>>, vector<2048x64xf32>
    tpu.vector_store %arg5[%swap3A_26, %swap3A_27], %dot_general3A_25 {strides = array<i32>} : memref<2048x128xf32, #tpu.memory_space<vmem>>, vector<2048x64xf32>,
    return
  }
  func.func @transform_0(%arg0: i32) -> (i32, i32) {
    %c0_i32 = arith.constant 0 : i32
    %c0_i32_0 = arith.constant 0 : i32
    return %c0_i32, %arg0 : i32, i32
  }
  func.func @transform_1(%arg0: i32) -> (i32, i32) {
    %c0_i32 = arith.constant 0 : i32
    %c0_i32_0 = arith.constant 0 : i32
    return %c0_i32, %arg0 : i32, i32
  }
  func.func @transform_2(%arg0: i32) -> (i32, i32) {
    %c0_i32 = arith.constant 0 : i32
    %c0_i32_0 = arith.constant 0 : i32
    %c0_i32_1 = arith.constant 0 : i32
    return %c0_i32, %c0_i32_0 : i32, i32
  }
  func.func @transform_3(%arg0: i32) -> (i32, i32) {
    %c0_i32 = arith.constant 0 : i32
    %c0_i32_0 = arith.constant 0 : i32
    return %arg0, %c0_i32 : i32, i32
  }
  func.func @transform_4(%arg0: i32) -> (i32, i32) {
    %c0_i32 = arith.constant 0 : i32
    %c0_i32_0 = arith.constant 0 : i32
    return %arg0, %c0_i32 : i32, i32
  }
}

module attributes {stable_mosaic.version = 14 : i64} {
  func.func @_mlp_body(%arg0: i32, %arg1: memref<4096x128xf32, #tpu.memory_space<vmem>>, %arg2: memref<4096x128xf32, #tpu.memory_space<vmem>>, %arg3: memref<128x64xf32, #tpu.memory_space<vmem>>, %arg4: memref<128x64xf32, #tpu.memory_space<vmem>>, %arg5: memref<1x64xf32, #tpu.memory_space<vmem>>, %arg6: memref<64x8xf32, #tpu.memory_space<vmem>>, %arg7: memref<1x8xf32, #tpu.memory_space<vmem>>, %arg8: memref<4096x4xf32, #tpu.memory_space<vmem>>, %arg9: memref<4096x4xf32, #tpu.memory_space<vmem>>) attributes {dimension_semantics = [#tpu.dimension_semantics<arbitrary>], iteration_bounds = array<i64: 2>, scalar_prefetch = 0 : i64, scratch_operands = 0 : i64, tpu.core_type = #tpu.core_type<tc>, window_params = [{transform_indices = @transform_0, window_bounds = array<i64: 4096, 128>}, {transform_indices = @transform_1, window_bounds = array<i64: 4096, 128>}, {pipeline_mode = #tpu.pipeline_mode<synchronous>, transform_indices = @transform_2, window_bounds = array<i64: 128, 64>}, {pipeline_mode = #tpu.pipeline_mode<synchronous>, transform_indices = @transform_3, window_bounds = array<i64: 128, 64>}, {pipeline_mode = #tpu.pipeline_mode<synchronous>, transform_indices = @transform_4, window_bounds = array<i64: 1, 64>}, {pipeline_mode = #tpu.pipeline_mode<synchronous>, transform_indices = @transform_5, window_bounds = array<i64: 64, 8>}, {pipeline_mode = #tpu.pipeline_mode<synchronous>, transform_indices = @transform_6, window_bounds = array<i64: 1, 8>}, {transform_indices = @transform_7, window_bounds = array<i64: 4096, 4>}, {transform_indices = @transform_8, window_bounds = array<i64: 4096, 4>}]} {
    %get3A = arith.constant 0 : index
    %get3A_0 = arith.constant 0 : index
    %get3A_1 = vector.load %arg1[%get3A, %get3A_0] : memref<4096x128xf32, #tpu.memory_space<vmem>>, vector<4096x128xf32>
    %get3A_2 = arith.constant 0 : index
    %get3A_3 = arith.constant 0 : index
    %get3A_4 = vector.load %arg3[%get3A_2, %get3A_3] : memref<128x64xf32, #tpu.memory_space<vmem>>, vector<128x64xf32>
    %dot_general3A = arith.constant dense<0.000000e+00> : vector<4096x64xf32>
    %dot_general3A_5 = tpu.matmul %get3A_1, %get3A_4, %dot_general3A {dimension_numbers = #tpu.dot_dimension_numbers<[1], [0], [0], [1], [0, 0, 1, 1], [], []>, transpose_lhs_hint = false} : vector<4096x128xf32>, vector<128x64xf32>, vector<4096x64xf32> -> vector<4096x64xf32>
    %get3A_6 = arith.constant 0 : index
    %get3A_7 = arith.constant 0 : index
    %get3A_8 = vector.load %arg2[%get3A_6, %get3A_7] : memref<4096x128xf32, #tpu.memory_space<vmem>>, vector<4096x128xf32>
    %get3A_9 = arith.constant 0 : index
    %get3A_10 = arith.constant 0 : index
    %get3A_11 = vector.load %arg4[%get3A_9, %get3A_10] : memref<128x64xf32, #tpu.memory_space<vmem>>, vector<128x64xf32>
    %dot_general3A_12 = arith.constant dense<0.000000e+00> : vector<4096x64xf32>
    %dot_general3A_13 = tpu.matmul %get3A_8, %get3A_11, %dot_general3A_12 {dimension_numbers = #tpu.dot_dimension_numbers<[1], [0], [0], [1], [0, 0, 1, 1], [], []>, transpose_lhs_hint = false} : vector<4096x128xf32>, vector<128x64xf32>, vector<4096x64xf32> -> vector<4096x64xf32>
    %add3A = arith.addf %dot_general3A_5, %dot_general3A_13 : vector<4096x64xf32>
    %get3A_14 = arith.constant 0 : index
    %get3A_15 = arith.constant 0 : index
    %get3A_16 = vector.load %arg5[%get3A_14, %get3A_15] : memref<1x64xf32, #tpu.memory_space<vmem>>, vector<1x64xf32>
    %add3A_17 = vector.broadcast %get3A_16 : vector<1x64xf32> to vector<4096x64xf32>
    %add3A_18 = arith.addf %add3A, %add3A_17 : vector<4096x64xf32>
    %max3A = arith.constant 0.000000e+00 : f32
    %max3A_19 = vector.broadcast %max3A : f32 to vector<4096x64xf32>
    %max3A_20 = arith.maximumf %add3A_18, %max3A_19 : vector<4096x64xf32>
    %get3A_21 = arith.constant 0 : index
    %get3A_22 = arith.constant 0 : index
    %get3A_23 = vector.load %arg6[%get3A_21, %get3A_22] : memref<64x8xf32, #tpu.memory_space<vmem>>, vector<64x8xf32>
    %dot_general3A_24 = arith.constant dense<0.000000e+00> : vector<4096x8xf32>
    %dot_general3A_25 = tpu.matmul %max3A_20, %get3A_23, %dot_general3A_24 {dimension_numbers = #tpu.dot_dimension_numbers<[1], [0], [0], [1], [0, 0, 1, 1], [], []>, transpose_lhs_hint = false} : vector<4096x64xf32>, vector<64x8xf32>, vector<4096x8xf32> -> vector<4096x8xf32>
    %get3A_26 = arith.constant 0 : index
    %get3A_27 = arith.constant 0 : index
    %get3A_28 = vector.load %arg7[%get3A_26, %get3A_27] : memref<1x8xf32, #tpu.memory_space<vmem>>, vector<1x8xf32>
    %add3A_29 = vector.broadcast %get3A_28 : vector<1x8xf32> to vector<4096x8xf32>
    %add3A_30 = arith.addf %dot_general3A_25, %add3A_29 : vector<4096x8xf32>
    %neg3A = arith.constant 0.000000e+00 : f32
    %neg3A_31 = vector.broadcast %neg3A : f32 to vector<4096x8xf32>
    %neg3A_32 = arith.subf %neg3A_31, %add3A_30 : vector<4096x8xf32>
    %exp3A = math.exp %neg3A_32 : vector<4096x8xf32>
    %add3A_33 = arith.constant 1.000000e+00 : f32
    %add3A_34 = vector.broadcast %add3A_33 : f32 to vector<4096x8xf32>
    %add3A_35 = arith.addf %add3A_34, %exp3A : vector<4096x8xf32>
    %div3A = arith.constant 1.000000e+00 : f32
    %div3A_36 = vector.broadcast %div3A : f32 to vector<4096x8xf32>
    %div3A_37 = arith.divf %div3A_36, %add3A_35 : vector<4096x8xf32>
    %slice3A = vector.extract_strided_slice %div3A_37 {offsets = [0, 0], sizes = [4096, 4], strides = [1, 1]} : vector<4096x8xf32> to vector<4096x4xf32>
    %swap3A = arith.constant 0 : index
    %swap3A_38 = arith.constant 0 : index
    %swap3A_39 = vector.load %arg8[%swap3A, %swap3A_38] : memref<4096x4xf32, #tpu.memory_space<vmem>>, vector<4096x4xf32>
    tpu.vector_store %arg8[%swap3A, %swap3A_38], %slice3A {strides = array<i32>} : memref<4096x4xf32, #tpu.memory_space<vmem>>, vector<4096x4xf32>,
    %slice3A_40 = vector.extract_strided_slice %div3A_37 {offsets = [0, 4], sizes = [4096, 4], strides = [1, 1]} : vector<4096x8xf32> to vector<4096x4xf32>
    %swap3A_41 = arith.constant 0 : index
    %swap3A_42 = arith.constant 0 : index
    %swap3A_43 = vector.load %arg9[%swap3A_41, %swap3A_42] : memref<4096x4xf32, #tpu.memory_space<vmem>>, vector<4096x4xf32>
    tpu.vector_store %arg9[%swap3A_41, %swap3A_42], %slice3A_40 {strides = array<i32>} : memref<4096x4xf32, #tpu.memory_space<vmem>>, vector<4096x4xf32>,
    return
  }
  func.func @transform_0(%arg0: i32) -> (i32, i32) {
    %c0_i32 = arith.constant 0 : i32
    %c0_i32_0 = arith.constant 0 : i32
    return %arg0, %c0_i32 : i32, i32
  }
  func.func @transform_1(%arg0: i32) -> (i32, i32) {
    %c0_i32 = arith.constant 0 : i32
    %c0_i32_0 = arith.constant 0 : i32
    return %arg0, %c0_i32 : i32, i32
  }
  func.func @transform_2(%arg0: i32) -> (i32, i32) {
    %c0_i32 = arith.constant 0 : i32
    %c0_i32_0 = arith.constant 0 : i32
    %c0_i32_1 = arith.constant 0 : i32
    return %c0_i32, %c0_i32_0 : i32, i32
  }
  func.func @transform_3(%arg0: i32) -> (i32, i32) {
    %c0_i32 = arith.constant 0 : i32
    %c0_i32_0 = arith.constant 0 : i32
    %c0_i32_1 = arith.constant 0 : i32
    return %c0_i32, %c0_i32_0 : i32, i32
  }
  func.func @transform_4(%arg0: i32) -> (i32, i32) {
    %c0_i32 = arith.constant 0 : i32
    %c0_i32_0 = arith.constant 0 : i32
    %c0_i32_1 = arith.constant 0 : i32
    return %c0_i32, %c0_i32_0 : i32, i32
  }
  func.func @transform_5(%arg0: i32) -> (i32, i32) {
    %c0_i32 = arith.constant 0 : i32
    %c0_i32_0 = arith.constant 0 : i32
    %c0_i32_1 = arith.constant 0 : i32
    return %c0_i32, %c0_i32_0 : i32, i32
  }
  func.func @transform_6(%arg0: i32) -> (i32, i32) {
    %c0_i32 = arith.constant 0 : i32
    %c0_i32_0 = arith.constant 0 : i32
    %c0_i32_1 = arith.constant 0 : i32
    return %c0_i32, %c0_i32_0 : i32, i32
  }
  func.func @transform_7(%arg0: i32) -> (i32, i32) {
    %c0_i32 = arith.constant 0 : i32
    %c0_i32_0 = arith.constant 0 : i32
    return %arg0, %c0_i32 : i32, i32
  }
  func.func @transform_8(%arg0: i32) -> (i32, i32) {
    %c0_i32 = arith.constant 0 : i32
    %c0_i32_0 = arith.constant 0 : i32
    return %arg0, %c0_i32 : i32, i32
  }
}

</mosaic_0001>

<sc_bundles>
// kernel: kernel.5.cloned.1.call-start
scs
__scs_entry_jumppad:
0x0: {  	(pc) =	sbr.rel $0x88, $3  }
0x1: {  	(tag) =	ssettag $0x0;
	lr =	simm.s32 $0x1  }
0x2: {  	[smem:$0x3F99] =	sst lr;
	_ =	strace $0xD0000000  }
0x3: {  	_ = 	snop  }
0x4: {  	_ = 	snop  }
0x5: {  	_ = 	snop  }
0x6: {  	_ = 	snop  }
0x7: {  	_ = 	snop  }
__scs_overlays_trampoline_lowered:
0x8: {  	[smem:$0x3FA8] =	sst s0  }
0x9: {  	[smem:$0x3FA9] =	sst s1  }
0xa: {  	[smem:$0x3FAA] =	sst s2  }
0xb: {  	[smem:$0x3FAB] =	sst s3  }
0xc: {  	[smem:$0x3FAC] =	sst s4  }
0xd: {  	[smem:$0x3FAD] =	sst s5  }
0xe: {  	[smem:$0x3FAE] =	sst s6  }
0xf: {  	[smem:$0x3FAF] =	sst s7  }
0x10: {  	[smem:$0x3FB0] =	sst s8  }
0x11: {  	[smem:$0x3FB1] =	sst s9;
	s0 =	simm.s32 @!p0 $0x0  }
0x12: {  	s1 =	sld [smem:$0x3F97];
	s0 =	simm.s32 @p0 $0x1  }
0x13: {  	[smem:$0x3FB2] =	sst s0;
	s0 =	simm.s32 @!p1 $0x0  }
0x14: {  	s2 =	sld [smem:$0x3F96];
	s0 =	simm.s32 @p1 $0x1  }
0x15: {  	[smem:$0x3FB3] =	sst s0;
	s0 =	simm.s32 @!p2 $0x0  }
0x16: {  	s3 =	sld [smem:$0x3FDB];
	s0 =	simm.s32 @p2 $0x1  }
0x17: {  	s4 =	simm.s32 $0x1BF5;
	[smem:$0x3FB5] =	sst s0  }
0x18: {  	s0 =	sld [smem:$0x3F98];
	_ =	swait.ge [sflag:s4], $0x0  }
0x19: {  	s7 =	sld [smem:$0x3F99]  }
0x1a: {  	s8 =	sadd.s32 $0xFFFFE003, lr  }
0x1b: {  	s9 =	sadd.s32 $0xFFFFFEF7, lr;
	s5 =	simm.s32 $0xFFFFFFFF;
	p2 =	slt.u32 s8, $0xFFFFF086  }
0x1c: {  	p1 =	slt.u32 s9, $0xF7A;
	s5 =	simm.s32 @!p2 $0x0  }
0x1d: {  	s5 =	simm.s32 @p1 $0x1;
	p0 =	seq.s32 s7, s2  }
0x1e: {  	s7 =	smul.u32 @!p0 $0xF7A, s2;
	p2 =	seq.s32 @!p0 s5, $0x0  }
0x1f: {  	s9 =	smul.u32 $0xF7A, s1;
	s8 =	simm.s32 @!p0 $0x1BF5;
	p2 =	por !p2, p0  }
0x20: {  	[sflag:s8] =	ssyncset.s32 @!p0 $0xFFFFF086;
	s6 =	sadd.s32 @!p0 s3, s7;
	s7 =	simm.s32 @!p0 $0x108  }
0x21: {  	s3 =	sadd.s32 s3, s9;
	s6 =	sadd.s32 @!p0 $0x88, s6;
	s7 =	simm.s32 @p2 $0x1082  }
0x22: {  	[simem:s7], [sflag:s8] =	dma.local @!p0 [hbm:s6], $0xF7A  }
0x23: {  	s9 =	sor.u32 $0xD0000000, s2;
	s6 =	simm.s32 $0x108;
	_ =	swait.ge @!p0 [sflag:s8], $0x0  }
0x24: {  	s3 =	sadd.s32 $0x88, s3;
	s6 =	simm.s32 @!p1 $0x1082;
	[sflag:s4] =	ssyncset.s32 $0xFFFFF086  }
0x25: {  	[simem:s6], [sflag:s4] =	dma.local [hbm:s3], $0xF7A  }
0x26: {  	[smem:$0x3F99] =	sst s1;
	(tag) =	ssettag s2;
	_ =	strace s9  }
0x27: {  	s1 =	sld [smem:$0x3FA9]  }
0x28: {  	s2 =	sld [smem:$0x3FAA]  }
0x29: {  	s4 =	sld [smem:$0x3FAC]  }
0x2a: {  	p0 =	seq.s32 s5, $0x0;
	s5 =	sld [smem:$0x3FAD]  }
0x2b: {  	s6 =	sld [smem:$0x3FAE]  }
0x2c: {  	s7 =	sld [smem:$0x3FAF]  }
0x2d: {  	s3 =	simm.s32 $0x108;
	s8 =	sld [smem:$0x3FB0]  }
0x2e: {  	s3 =	simm.s32 @!p0 $0x1082;
	s9 =	sld [smem:$0x3FB1]  }
0x2f: {  	lr =	sadd.s32 s0, s3;
	s0 =	sld [smem:$0x3FA8]  }
0x30: {  	s3 =	sld [smem:$0x3FAB]  }
0x31: {  	[smem:$0x3FB4] =	sst s10  }
0x32: {  	s10 =	sld [smem:$0x3FB2];
	_ =	sdelay $0x3  }
0x33: {  	p0 =	seq.s32 s10, $0x1;
	s10 =	sld [smem:$0x3FB4];
	_ =	sdelay $0x3  }
0x34: {  	[smem:$0x3FB4] =	sst s10  }
0x35: {  	s10 =	sld [smem:$0x3FB3];
	_ =	sdelay $0x3  }
0x36: {  	p1 =	seq.s32 s10, $0x1;
	s10 =	sld [smem:$0x3FB4];
	_ =	sdelay $0x3  }
0x37: {  	[smem:$0x3FB4] =	sst s10  }
0x38: {  	s10 =	sld [smem:$0x3FB5]  }
0x39: {  	_ = 	snop;
	(pc) =	sbr.ind lr, $3  }
0x3a: {  	_ = 	snop  }
0x3b: {  	_ = 	snop  }
0x3c: {  	p2 =	seq.s32 s10, $0x1;
	s10 =	sld [smem:$0x3FB4]  }
0x3d: {  	_ =	shalt  }
0x3e: {  	_ =	shalt  }
0x3f: {  	_ =	shalt  }
0x40: {  	_ =	shalt  }
0x41: {  	_ =	shalt  }
0x42: {  	_ =	shalt  }
0x43: {  	_ =	shalt  }
0x44: {  	_ =	shalt  }
0x45: {  	_ =	shalt  }
0x46: {  	_ =	shalt  }
0x47: {  	_ =	shalt  }
0x48: {  	_ =	shalt  }
0x49: {  	_ =	shalt  }
0x4a: {  	_ =	shalt  }
0x4b: {  	_ =	shalt  }
0x4c: {  	_ =	shalt  }
0x4d: {  	_ =	shalt  }
0x4e: {  	_ =	shalt  }
0x4f: {  	_ =	shalt  }
0x50: {  	_ =	shalt  }
0x51: {  	_ =	shalt  }
0x52: {  	_ =	shalt  }
0x53: {  	_ =	shalt  }
0x54: {  	_ =	shalt  }
0x55: {  	_ =	shalt  }
0x56: {  	_ =	shalt  }
0x57: {  	_ =	shalt  }
0x58: {  	_ =	shalt  }
0x59: {  	_ =	shalt  }
0x5a: {  	_ =	shalt  }
0x5b: {  	_ =	shalt  }
0x5c: {  	_ =	shalt  }
0x5d: {  	_ =	shalt  }
0x5e: {  	_ =	shalt  }
0x5f: {  	_ =	shalt  }
0x60: {  	_ =	shalt  }
0x61: {  	_ =	shalt  }
0x62: {  	_ =	shalt  }
0x63: {  	_ =	shalt  }
0x64: {  	_ =	shalt  }
0x65: {  	_ =	shalt  }
0x66: {  	_ =	shalt  }
0x67: {  	_ =	shalt  }
0x68: {  	_ =	shalt  }
0x69: {  	_ =	shalt  }
0x6a: {  	_ =	shalt  }
0x6b: {  	_ =	shalt  }
0x6c: {  	_ =	shalt  }
0x6d: {  	_ =	shalt  }
0x6e: {  	_ =	shalt  }
0x6f: {  	_ =	shalt  }
0x70: {  	_ =	shalt  }
0x71: {  	_ =	shalt  }
0x72: {  	_ =	shalt  }
0x73: {  	_ =	shalt  }
0x74: {  	_ =	shalt  }
0x75: {  	_ =	shalt  }
0x76: {  	_ =	shalt  }
0x77: {  	_ =	shalt  }
0x78: {  	_ =	shalt  }
0x79: {  	_ =	shalt  }
0x7a: {  	_ =	shalt  }
0x7b: {  	_ =	shalt  }
0x7c: {  	_ =	shalt  }
0x7d: {  	_ =	shalt  }
0x7e: {  	_ =	shalt  }
0x7f: {  	_ =	shalt  }
0x80: {  	_ =	shalt  }
0x81: {  	_ =	shalt  }
0x82: {  	_ =	shalt  }
0x83: {  	_ =	shalt  }
0x84: {  	_ =	shalt  }
0x85: {  	_ =	shalt  }
0x86: {  	_ =	shalt  }
0x87: {  	_ =	shalt  }
.Lfunc_end0:
.L_simem_size_0:
called_computation_lowered:
.L_overlay_start_0:
0x88: {  	s2 =	sld [smem:$0x3FD9]  }
0x89: {  	s3 =	sld [smem:$0x3FFE];
	_ =	sdelay $0x1  }
0x8a: {  	s1 =	srdreg.scid  }
0x8b: {  	s0 =	sand.u32 $0x1, s1  }
0x8c: {  	s17 =	sshll.u32 s0, $0xA;
	s2 =	sadd.s32 s3, s2  }
0x8d: {  	s2 =	sadd.s32 s2, s17  }
0x8e: {  	[smem:$0x3FC0] =	sst s2  }
0x8f: {  	_ = 	snop  }
0x90: {  	s2 =	sld [smem:$0x3FC9]  }
0x91: {  	s18 =	sld [smem:$0x3FC8];
	(tm) =	ssettm $0x1  }
0x92: {  	s4 =	sld [smem:$0x3FFB];
	_ =	sdelay $0x3  }
0x93: {  	_ =	strace s4  }
0x94: {  	s4 =	sld [smem:$0x3FFC];
	_ =	sdelay $0x3  }
0x95: {  	_ =	strace s4  }
0x96: {  	s4 =	sld [smem:$0x3FFD];
	_ =	sdelay $0x3  }
0x97: {  	_ =	strace s4  }
0x98: {  	_ =	strace $0x8FFFFFFF  }
0x99: {  	s19 =	sld [smem:$0x3FDB];
	_ =	sdelay $0x1  }
0x9a: {  	s5 =	simm.s32 $_scs_section_size  }
0x9b: {  	s6 =	simm.s32 $_size__tile_overlayer_lowered;
	s7 =	simm.s32 $_tile_overlayer_lowered  }
0x9c: {  	s22 =	simm.s32 $0x1BFF;
	s21 =	sshll.u32 s7, $0x1;
	s4 =	sadd.s32 s5, s19  }
0x9d: {  	s8 =	simm.s32 $0x0;
	s20 =	sshll.u32 s6, $0x1;
	s6 =	sadd.s32 s21, s4  }
0x9e: {  	[timem:s8], [sflag:s22] =	dma.local [hbm:s6], s20  }
0x9f: {  	_ =	swait.ge [sflag:s22], s20  }
0xa0: {  	s5 =	ssub.s32 $0x0, s20;
	[sflag:s22] =	ssyncset.done $0x0  }
0xa1: {  	[sflag:s22] =	ssyncadd.s32 s5;
	_ =	sdelay $0x1  }
0xa2: {  	s23 =	simm.s32 $0x1B8B  }
0xa3: {  	_ =	swait.ge [sflag:s23], $0x1  }
0xa4: {  	[sflag:s23] =	ssyncset.done $0x0  }
0xa5: {  	s25 =	simm.s32 $0x1B8E;
	s24 =	sld [smem:$0x3FFE];
	[sflag:s23] =	ssyncadd.s32 $0xFFFFFFFF  }
0xa6: {  	s26 =	simm.s32 $execute0_lowered;
	[smem:$0x3FD2] =	sst s25  }
0xa7: {  	s6 =	sshll.u32 s26, $0x1;
	_ =	strace $0x80000046;
	[dreg:$0x1] =	wrdreg $0xFFFFFFFF  }
0xa8: {  	s28 =	simm.s32 $_size_execute0_lowered;
	s4 =	sadd.s32 s4, s6;
	[dreg:$0x0] =	wrdreg $0x0  }
0xa9: {  	s6 =	sshll.u32 s28, $0x1;
	[dreg:$0x2] =	wrdreg s4  }
0xaa: {  	[dreg:$0x3] =	wrdreg s6  }
0xab: {  	[dreg:$0x4] =	wrdreg $0xC0  }
0xac: {  	_ =	task [dreg:s8], $0x5FFFF  }
0xad: {  	[dreg:$0x1] =	wrdreg $0xFFFFFFFF  }
0xae: {  	[dreg:$0x0] =	wrdreg $0x60  }
0xaf: {  	[dreg:$0x2] =	wrdreg s24  }
0xb0: {  	[dreg:$0x3] =	wrdreg s2  }
0xb1: {  	[dreg:$0x4] =	wrdreg s18  }
0xb2: {  	[dreg:$0x5] =	wrdreg $0x9  }
0xb3: {  	_ =	task.clear_ibuf [dreg:s8], $0x6FFFF;
	_ =	strace $0x90000046  }
0xb4: {  	s29 =	simm.s32 $0x9;
	_ =	strace $0x80000048  }
0xb5: {  	_ =	swait.ge [sflag:s29], $0x1  }
0xb6: {  	[sflag:s29] =	ssyncadd.s32 $0xFFFFFFFF  }
0xb7: {  	_ =	strace $0x90000048  }
0xb8: {  	_ =	sfence  }
0xb9: {  	s30 =	sld [smem:$0x0];
	_ =	sdelay $0x2  }
0xba: {  	s31 =	sshll.u32 s1, $0xD;
	s1 =	sshrl.u32 s1, $0x2  }
0xbb: {  	s3 =	sand.u32 $0x4000, s31;
	s1 =	sadd.s32 s1, s30  }
0xbc: {  	s0 =	sor.u32 s3, s0;
	s1 =	sshll.u32 s1, $0x11  }
0xbd: {  	s0 =	sor.u32 s1, s0  }
0xbe: {  	s0 =	sadd.s32 $0x8F2B, s0  }
0xbf: {  	[sflag:s0] =	ssyncadd.remote.s32 $0x1  }
0xc0: {  	_ =	sfence.sel $0xFFFF  }
0xc1: {  	[dreg:$0x0] =	wrdreg $0xFFFFFFFF;
	(pc) =	sbr.abs _section_cstart, $3  }
0xc2: {  	[dreg:$0x1] =	wrdreg $0xFFFFFFFF  }
0xc3: {  	_ =	task.clear_ibuf [dreg:s8], $0x2FFFF;
	_ =	strace $0x9FFFFFFF  }
0xc4: {  	(tm) =	ssettm $0x7FFFFFFF  }
0xc5: {  	_ =	shalt  }
tec
execute0_lowered:
.L_overlay_start_1:
0x0: {  	(tag) =	ssettag $0x1  }
0x1: {  	s5 =	rddreg [dreg:$0x0]  }
0x2: {  	s6 =	rddreg [dreg:$0x1];
	s1 =	srdreg.scid  }
0x3: {  	s0 =	stileid.u32;
	s7 =	rddreg [dreg:$0x2];
	s2 =	simm.s32 $0x0  }
0x4: {  	s12 =	simm.s32 $0x80;
	s13 =	simm.s32 $0x400;
	s14 =	simm.s32 $0x8400  }
0x5: {  	s15 =	simm.s32 $0x2400;
	s16 =	simm.s32 $0x280;
	s17 =	simm.s32 $0xA400  }
0x6: {  	s18 =	simm.s32 $0x100;
	s19 =	simm.s32 $0x4400;
	s20 =	simm.s32 $0x300  }
0x7: {  	s21 =	simm.s32 $0xC400;
	s22 =	simm.s32 $0x180;
	s23 =	simm.s32 $0x6400  }
0x8: {  	s24 =	simm.s32 $0x380;
	s25 =	simm.s32 $0xE400;
	s26 =	simm.s32 $0x1  }
0x9: {  	s8 =	sand.u32 $0x1, s1;
	s3 =	sshll.u32 s0, $0x1;
	s1 =	rddreg [dreg:$0x3]  }
0xa: {  	s28 =	simm.s32 $0x40;
	[smem:$0x7FF] =	sst s2;
	s9 =	sor.u32 s8, s3  }
0xb: {  	_ =	strace $0x80000047;
	s8 =	ssub.s32 $0x2, s8;
	s4 =	sshll.u32 s9, $0xD  }
0xc: {  	s3 =	sadd.s32 $0x1C00, s5;
	s31 =	sshrl.u32 s8, $0x1;
	s10 =	sor.u32 s0, s4  }
0xd: {  	s9 =	sshll.u32 s9, $0x6;
	s4 =	sadd.s32 $0xC9C00, s5;
	s10 =	sand.u32 $0x1E008, s10  }
0xe: {  	s11 =	ssub.s32 s8, s31;
	s10 =	sadd.s32 s10, s5;
	s5 =	sadd.s32 s6, s9  }
0xf: {  	s6 =	sadd.s32 s7, s9;
	s9 =	smax.u32 s11, $0x1;
	s11 =	simm.s32 $0x200  }
0x10: {  	s7 =	sadd.s32 $0x191C00, s10;
	s8 =	sadd.s32 $0x1B1C00, s10;
	s10 =	simm.s32 $0x2  }
.LBB2_1:
0x11: {  	[tilespmem:s2], [sflag:$0x2] =	stream.linear.gather [hbm4b:s5+s2], $0x200, $0x38;
	[tilespmem:$0x10400] =	vst v63  }
0x12: {  	_ =	swait.ge [sflag:s10], $0x200  }
0x13: {  	[sflag:s10] =	ssyncset.done $0x0  }
0x14: {  	[sflag:s10] =	ssyncadd.s32 $0xFFFFFE00  }
0x15: {  	[tilespmem:s11], [sflag:$0x2] =	stream.linear.gather [hbm4b:s6+s2], $0x200, $0x38;
	[tilespmem:$0x10400] =	vst v63  }
0x16: {  	_ =	swait.ge [sflag:s10], $0x200  }
0x17: {  	[sflag:s10] =	ssyncset.done $0x0  }
0x18: {  	[sflag:s10] =	ssyncadd.s32 $0xFFFFFE00  }
0x19: {  	v0 =	vld [tilespmem:$0x0]  }
0x1a: {  	v1 =	vld [tilespmem:$0x10]  }
0x1b: {  	v3 =	vld [tilespmem:$0x20]  }
0x1c: {  	v5 =	vld [tilespmem:$0x30]  }
0x1d: {  	v7 =	vld [tilespmem:$0x40]  }
0x1e: {  	v52 =	vld [tilespmem:$0x50]  }
0x1f: {  	v8 =	vld [tilespmem:$0x60]  }
0x20: {  	v56 =	vld [tilespmem:$0x70]  }
0x21: {  	v10 =	vld [tilespmem:$0x80];
	v2 =	vshll.u32 v0, $0x1;
	v4 =	vand.u32 $0xFFFFF000, v0;
	v0 =	vshrl.u32 v0, $0xB  }
0x22: {  	v11 =	vld [tilespmem:$0x90];
	v47 =	vshll.u32 v1, $0x1;
	v6 =	vand.u32 $0xFFFFF000, v1;
	v1 =	vshrl.u32 v1, $0xB  }
0x23: {  	v63 =	vld [tilespmem:$0xA0];
	v49 =	vshll.u32 v3, $0x1;
	v50 =	vand.u32 $0xFFFFF000, v3;
	v3 =	vshrl.u32 v3, $0xB  }
0x24: {  	v13 =	vld [tilespmem:$0xB0];
	v51 =	vshll.u32 v5, $0x1;
	v53 =	vand.u32 $0xFFFFF000, v5;
	v54 =	vshrl.u32 v5, $0xB  }
0x25: {  	v14 =	vld [tilespmem:$0xC0];
	v55 =	vshll.u32 v7, $0x1;
	v9 =	vand.u32 $0xFFFFF000, v7;
	v7 =	vshrl.u32 v7, $0xB  }
0x26: {  	v23 =	vld [tilespmem:$0xD0];
	v57 =	vshll.u32 v52, $0x1;
	v58 =	vand.u32 $0xFFFFF000, v52;
	v59 =	vshll.u32 v8, $0x1  }
0x27: {  	v31 =	vld [tilespmem:$0x100];
	v60 =	vand.u32 $0xFFFFF000, v8;
	v61 =	vshrl.u32 v8, $0xB;
	v62 =	vshll.u32 v56, $0x1  }
0x28: {  	v39 =	vld [tilespmem:$0x130];
	v12 =	vand.u32 $0xFFFFF000, v56;
	v16 =	vshll.u32 v10, $0x1;
	v17 =	vand.u32 $0xFFFFF000, v10  }
0x29: {  	v10 =	vshrl.u32 v10, $0xB;
	v19 =	vshll.u32 v11, $0x1;
	v20 =	vand.u32 $0xFFFFF000, v11  }
0x2a: {  	v21 =	vshrl.u32 v11, $0xB;
	v22 =	vshll.u32 v63, $0x1;
	v15 =	vand.u32 $0xFFFFF000, v63  }
0x2b: {  	v24 =	vshll.u32 v13, $0x1;
	v25 =	vand.u32 $0xFFFFF000, v13;
	v13 =	vshrl.u32 v13, $0xB  }
0x2c: {  	v27 =	vshll.u32 v14, $0x1;
	v28 =	vand.u32 $0xFFFFF000, v14;
	v29 =	vshrl.u32 v14, $0xB  }
0x2d: {  	v30 =	vshll.u32 v23, $0x1;
	v38 =	vshll.u32 v31, $0x1;
	v46 =	vshll.u32 v39, $0x1  }
0x2e: {  	v2 =	vand.u32 $0xFFE, v2;
	v0 =	vand.u32 $0x1, v0;
	v48 =	vand.u32 $0x1, v1  }
0x2f: {  	v3 =	vand.u32 $0x1, v3;
	v5 =	vand.u32 $0xFFE, v55;
	v7 =	vand.u32 $0x1, v7  }
0x30: {  	v8 =	vand.u32 $0xFFE, v62;
	v18 =	vand.u32 $0x1, v10;
	v10 =	vand.u32 $0xFFE, v19  }
0x31: {  	v11 =	vand.u32 $0xFFE, v22;
	v26 =	vand.u32 $0x1, v13;
	v13 =	vand.u32 $0xFFE, v27  }
0x32: {  	v14 =	vand.u32 $0xFFE, v30;
	v2 =	vor.u32 v4, v2;
	v4 =	vand.u32 $0xFFE, v47  }
0x33: {  	v5 =	vor.u32 v9, v5;
	v9 =	vshrl.u32 v56, $0xB;
	v8 =	vor.u32 v12, v8  }
0x34: {  	v12 =	vshrl.u32 v63, $0xB;
	v11 =	vor.u32 v15, v11;
	v15 =	vshrl.u32 v23, $0xB  }
0x35: {  	v4 =	vor.u32 v6, v4;
	v1 =	vor.u32 v0, v2;
	v2 =	vand.u32 $0xFFE, v49  }
0x36: {  	v19 =	vld [tilespmem:$0x110];
	v6 =	vshrl.u32 v52, $0xB;
	v9 =	vand.u32 $0x1, v9;
	v12 =	vand.u32 $0x1, v12  }
0x37: {  	v22 =	vld [tilespmem:$0x140];
	v0 =	vor.u32 v48, v4;
	v2 =	vor.u32 v50, v2;
	v4 =	vand.u32 $0xFFE, v51  }
0x38: {  	v55 =	vld [tilespmem:$0x190];
	v2 =	vor.u32 v3, v2;
	v3 =	vor.u32 v53, v4;
	v4 =	vand.u32 $0x1, v54  }
0x39: {  	v47 =	vld [tilespmem:$0x160];
	v15 =	vand.u32 $0x1, v15;
	v6 =	vand.u32 $0x1, v6;
	v4 =	vor.u32 v4, v3  }
0x3a: {  	v3 =	vor.u32 v7, v5;
	v5 =	vand.u32 $0xFFE, v57;
	v7 =	vand.u32 $0xFFE, v59  }
0x3b: {  	v40 =	vshll.u32 v19, $0x1;
	v41 =	vand.u32 $0xFFFFF000, v19;
	v19 =	vshrl.u32 v19, $0xB  }
0x3c: {  	v48 =	vshll.u32 v22, $0x1;
	v49 =	vand.u32 $0xFFFFF000, v22;
	v22 =	vshrl.u32 v22, $0xB  }
0x3d: {  	v62 =	vshll.u32 v55, $0x1;
	v30 =	vand.u32 $0xFFFFF000, v55;
	v5 =	vor.u32 v58, v5  }
0x3e: {  	v42 =	vand.u32 $0x1, v19;
	v50 =	vand.u32 $0x1, v22;
	v54 =	vshll.u32 v47, $0x1  }
0x3f: {  	v5 =	vor.u32 v6, v5;
	v6 =	vor.u32 v60, v7;
	v7 =	vand.u32 $0x1, v61  }
0x40: {  	v27 =	vand.u32 $0xFFFFF000, v47;
	v7 =	vor.u32 v7, v6;
	v6 =	vor.u32 v9, v8  }
0x41: {  	v8 =	vand.u32 $0xFFE, v16;
	v9 =	vor.u32 v20, v10;
	v10 =	vand.u32 $0x1, v21  }
0x42: {  	v16 =	vld [tilespmem:$0xE0];
	v21 =	vand.u32 $0xFFFFF000, v31;
	v8 =	vor.u32 v17, v8;
	v10 =	vor.u32 v10, v9  }
0x43: {  	v20 =	vld [tilespmem:$0x120];
	v9 =	vor.u32 v12, v11;
	v11 =	vand.u32 $0xFFE, v24;
	v12 =	vor.u32 v28, v13  }
0x44: {  	v13 =	vand.u32 $0x1, v29;
	v24 =	vand.u32 $0xFFFFF000, v39;
	v8 =	vor.u32 v18, v8  }
0x45: {  	v17 =	vld [tilespmem:$0xF0];
	v11 =	vor.u32 v25, v11;
	v18 =	vand.u32 $0xFFFFF000, v23;
	v13 =	vor.u32 v13, v12  }
0x46: {  	v11 =	vor.u32 v26, v11;
	v14 =	vor.u32 v18, v14;
	v18 =	vshrl.u32 v31, $0xB  }
0x47: {  	v12 =	vor.u32 v15, v14;
	v18 =	vand.u32 $0x1, v18;
	v32 =	vshll.u32 v16, $0x1  }
0x48: {  	v33 =	vand.u32 $0xFFFFF000, v16;
	v16 =	vshrl.u32 v16, $0xB;
	v43 =	vshll.u32 v20, $0x1  }
0x49: {  	v23 =	vld [tilespmem:$0x150];
	v44 =	vand.u32 $0xFFFFF000, v20;
	v45 =	vshrl.u32 v20, $0xB;
	v20 =	vand.u32 $0xFFE, v46  }
0x4a: {  	v63 =	vld [tilespmem:$0x1C0];
	v14 =	vand.u32 $0xFFE, v32;
	v34 =	vand.u32 $0x1, v16;
	v35 =	vshll.u32 v17, $0x1  }
0x4b: {  	v25 =	vld [tilespmem:$0x170];
	v36 =	vand.u32 $0xFFFFF000, v17;
	v37 =	vshrl.u32 v17, $0xB;
	v17 =	vand.u32 $0xFFE, v38  }
0x4c: {  	v29 =	vld [tilespmem:$0x1B0];
	v19 =	vand.u32 $0xFFE, v43;
	v20 =	vor.u32 v24, v20;
	v24 =	vshrl.u32 v47, $0xB  }
0x4d: {  	v14 =	vor.u32 v33, v14;
	v16 =	vand.u32 $0xFFE, v35;
	v17 =	vor.u32 v21, v17  }
0x4e: {  	v21 =	vshrl.u32 v39, $0xB;
	v51 =	vshll.u32 v23, $0x1;
	v52 =	vand.u32 $0xFFFFF000, v23  }
0x4f: {  	v26 =	vld [tilespmem:$0x180];
	v53 =	vshrl.u32 v23, $0xB;
	v23 =	vand.u32 $0xFFE, v54;
	v24 =	vand.u32 $0x1, v24  }
0x50: {  	v28 =	vld [tilespmem:$0x1A0];
	v56 =	vshll.u32 v25, $0x1;
	v57 =	vand.u32 $0xFFFFF000, v25;
	v25 =	vshrl.u32 v25, $0xB  }
0x51: {  	v39 =	vshll.u32 v29, $0x1;
	v33 =	vand.u32 $0xFFFFF000, v63;
	v14 =	vor.u32 v34, v14  }
0x52: {  	v15 =	vor.u32 v36, v16;
	v16 =	vand.u32 $0x1, v37;
	v21 =	vand.u32 $0x1, v21  }
0x53: {  	v22 =	vand.u32 $0xFFE, v51;
	v23 =	vor.u32 v27, v23;
	v58 =	vand.u32 $0x1, v25  }
0x54: {  	v59 =	vshll.u32 v26, $0x1;
	v60 =	vand.u32 $0xFFFFF000, v26;
	v61 =	vshrl.u32 v26, $0xB  }
0x55: {  	v31 =	vld [tilespmem:$0x1D0];
	v26 =	vand.u32 $0xFFE, v62;
	v27 =	vshrl.u32 v55, $0xB;
	v36 =	vshll.u32 v28, $0x1  }
0x56: {  	v37 =	vand.u32 $0xFFFFF000, v28;
	v28 =	vshrl.u32 v28, $0xB;
	v16 =	vor.u32 v16, v15  }
0x57: {  	v15 =	vor.u32 v18, v17;
	v17 =	vand.u32 $0xFFE, v40;
	v18 =	vor.u32 v44, v19  }
0x58: {  	v19 =	vand.u32 $0x1, v45;
	v25 =	vand.u32 $0xFFE, v59;
	v26 =	vor.u32 v30, v26  }
0x59: {  	v27 =	vand.u32 $0x1, v27;
	v38 =	vand.u32 $0x1, v28;
	v40 =	vand.u32 $0xFFFFF000, v29  }
0x5a: {  	v28 =	vand.u32 $0xFFE, v39;
	v30 =	vshrl.u32 v63, $0xB;
	v44 =	vshll.u32 v31, $0x1  }
0x5b: {  	v45 =	vand.u32 $0xFFFFF000, v31;
	v31 =	vshrl.u32 v31, $0xB;
	v17 =	vor.u32 v41, v17  }
0x5c: {  	v32 =	vld [tilespmem:$0x1E0];
	v19 =	vor.u32 v19, v18;
	v18 =	vor.u32 v21, v20;
	v20 =	vand.u32 $0xFFE, v48  }
0x5d: {  	v21 =	vor.u32 v52, v22;
	v22 =	vand.u32 $0x1, v53;
	v41 =	vshrl.u32 v29, $0xB  }
0x5e: {  	v30 =	vand.u32 $0x1, v30;
	v46 =	vand.u32 $0x1, v31;
	v17 =	vor.u32 v42, v17  }
0x5f: {  	v20 =	vor.u32 v49, v20;
	v22 =	vor.u32 v22, v21;
	v21 =	vor.u32 v24, v23  }
0x60: {  	v43 =	vld [tilespmem:$0x1F0];
	v23 =	vand.u32 $0xFFE, v56;
	v24 =	vor.u32 v60, v25;
	v25 =	vand.u32 $0x1, v61  }
0x61: {  	v35 =	vld [tilespmem:$0x210];
	v42 =	vshll.u32 v63, $0x1;
	v47 =	vshll.u32 v32, $0x1;
	v48 =	vand.u32 $0xFFFFF000, v32  }
0x62: {  	v49 =	vshrl.u32 v32, $0xB;
	v20 =	vor.u32 v50, v20;
	v23 =	vor.u32 v57, v23  }
0x63: {  	v25 =	vor.u32 v25, v24;
	v24 =	vor.u32 v27, v26;
	v26 =	vand.u32 $0xFFE, v36  }
0x64: {  	v34 =	vld [tilespmem:$0x200];
	v27 =	vor.u32 v40, v28;
	v29 =	vand.u32 $0xFFE, v42;
	v28 =	vand.u32 $0x1, v41  }
0x65: {  	v51 =	vld [tilespmem:$0x220];
	v31 =	vand.u32 $0xFFE, v47;
	v50 =	vshll.u32 v43, $0x1;
	v36 =	vand.u32 $0xFFFFF000, v43  }
0x66: {  	v55 =	vshll.u32 v35, $0x1;
	v56 =	vand.u32 $0xFFFFF000, v35;
	v57 =	vshrl.u32 v35, $0xB  }
0x67: {  	v23 =	vor.u32 v58, v23;
	v26 =	vor.u32 v37, v26;
	v29 =	vor.u32 v33, v29  }
0x68: {  	v28 =	vor.u32 v28, v27;
	v32 =	vand.u32 $0xFFE, v50;
	v33 =	vshrl.u32 v43, $0xB  }
0x69: {  	v59 =	vld [tilespmem:$0x250];
	v52 =	vshll.u32 v34, $0x1;
	v53 =	vand.u32 $0xFFFFF000, v34;
	v34 =	vshrl.u32 v34, $0xB  }
0x6a: {  	v58 =	vshll.u32 v51, $0x1;
	v39 =	vand.u32 $0xFFFFF000, v51;
	v26 =	vor.u32 v38, v26  }
0x6b: {  	v27 =	vor.u32 v30, v29;
	v29 =	vand.u32 $0xFFE, v44;
	v30 =	vor.u32 v48, v31  }
0x6c: {  	v31 =	vand.u32 $0x1, v49;
	v32 =	vor.u32 v36, v32;
	v33 =	vand.u32 $0x1, v33  }
0x6d: {  	v54 =	vand.u32 $0x1, v34;
	v34 =	vand.u32 $0xFFE, v55;
	v35 =	vand.u32 $0xFFE, v58  }
0x6e: {  	v36 =	vshrl.u32 v51, $0xB;
	v42 =	vand.u32 $0xFFFFF000, v59;
	v29 =	vor.u32 v45, v29  }
0x6f: {  	v40 =	vld [tilespmem:$0x260];
	v31 =	vor.u32 v31, v30;
	v30 =	vor.u32 v33, v32;
	v32 =	vand.u32 $0xFFE, v52  }
0x70: {  	v41 =	vld [tilespmem:$0x270];
	v33 =	vor.u32 v56, v34;
	v34 =	vand.u32 $0x1, v57;
	v35 =	vor.u32 v39, v35  }
0x71: {  	v37 =	vld [tilespmem:$0x230];
	v36 =	vand.u32 $0x1, v36;
	v39 =	vshrl.u32 v59, $0xB;
	v29 =	vor.u32 v46, v29  }
0x72: {  	v32 =	vor.u32 v53, v32;
	v34 =	vor.u32 v34, v33;
	v33 =	vor.u32 v36, v35  }
0x73: {  	v38 =	vld [tilespmem:$0x240];
	v46 =	vshll.u32 v59, $0x1;
	v49 =	vand.u32 $0x1, v39;
	v32 =	vor.u32 v54, v32  }
0x74: {  	v50 =	vld [tilespmem:$0x280];
	v51 =	vshll.u32 v40, $0x1;
	v52 =	vand.u32 $0xFFFFF000, v40;
	v53 =	vshrl.u32 v40, $0xB  }
0x75: {  	[tilespmem:$0x170] =	vst v23;
	v23 =	vld [tilespmem:$0x320];
	v55 =	vshll.u32 v41, $0x1;
	v57 =	vand.u32 $0xFFFFF000, v41;
	v59 =	vshrl.u32 v41, $0xB  }
0x76: {  	v60 =	vshll.u32 v37, $0x1;
	v61 =	vand.u32 $0xFFFFF000, v37;
	v37 =	vshrl.u32 v37, $0xB  }
0x77: {  	[tilespmem:$0x30] =	vst v4;
	v54 =	vand.u32 $0x1, v53;
	v58 =	vand.u32 $0xFFE, v55;
	v4 =	vand.u32 $0x1, v59  }
0x78: {  	v56 =	vld [tilespmem:$0x290];
	v35 =	vand.u32 $0xFFE, v60;
	v62 =	vand.u32 $0x1, v37;
	v63 =	vshll.u32 v38, $0x1  }
0x79: {  	[tilespmem:$0x40] =	vst v3;
	v44 =	vand.u32 $0xFFFFF000, v38;
	v45 =	vshrl.u32 v38, $0xB;
	v38 =	vand.u32 $0xFFE, v46  }
0x7a: {  	[tilespmem:$0xF0] =	vst v16;
	v3 =	vor.u32 v57, v58;
	v60 =	vshll.u32 v50, $0x1;
	v16 =	vshrl.u32 v23, $0xB  }
0x7b: {  	v35 =	vor.u32 v61, v35;
	v37 =	vand.u32 $0xFFE, v63;
	v47 =	vand.u32 $0x1, v45  }
0x7c: {  	[tilespmem:$0x50] =	vst v5;
	v41 =	vld [tilespmem:$0x2B0];
	v48 =	vor.u32 v42, v38;
	v5 =	vand.u32 $0xFFE, v60;
	v63 =	vshrl.u32 v50, $0xB  }
0x7d: {  	[tilespmem:$0x0] =	vst v1;
	v4 =	vor.u32 v4, v3;
	v42 =	vshll.u32 v56, $0x1;
	v43 =	vand.u32 $0xFFFFF000, v56  }
0x7e: {  	[tilespmem:$0x10] =	vst v0;
	v35 =	vor.u32 v62, v35;
	v36 =	vor.u32 v44, v37;
	v0 =	vor.u32 v49, v48  }
0x7f: {  	[tilespmem:$0x20] =	vst v2;
	v53 =	vld [tilespmem:$0x2E0];
	v62 =	vand.u32 $0xFFFFF000, v50;
	v40 =	vand.u32 $0x1, v63;
	v44 =	vshrl.u32 v56, $0xB  }
0x80: {  	[tilespmem:$0x60] =	vst v7;
	v1 =	vor.u32 v47, v36;
	v36 =	vand.u32 $0xFFE, v51;
	v5 =	vor.u32 v62, v5  }
0x81: {  	[tilespmem:$0x70] =	vst v6;
	v45 =	vand.u32 $0x1, v44;
	v50 =	vshll.u32 v41, $0x1;
	v7 =	vshrl.u32 v41, $0xB  }
0x82: {  	[tilespmem:$0x90] =	vst v10;
	v57 =	vld [tilespmem:$0x2F0];
	v2 =	vor.u32 v52, v36;
	v3 =	vor.u32 v40, v5;
	v5 =	vand.u32 $0xFFE, v42  }
0x83: {  	[tilespmem:$0x80] =	vst v8;
	v61 =	vld [tilespmem:$0x2A0];
	v52 =	vand.u32 $0xFFFFF000, v41;
	v10 =	vand.u32 $0xFFE, v50;
	v7 =	vand.u32 $0x1, v7  }
0x84: {  	[tilespmem:$0xD0] =	vst v12;
	v60 =	vshll.u32 v53, $0x1;
	v62 =	vand.u32 $0xFFFFF000, v53;
	v12 =	vshrl.u32 v53, $0xB  }
0x85: {  	[tilespmem:$0xC0] =	vst v13;
	v38 =	vld [tilespmem:$0x340];
	v40 =	vshll.u32 v23, $0x1;
	v41 =	vand.u32 $0xFFFFF000, v23;
	v42 =	vand.u32 $0x1, v16  }
0x86: {  	[tilespmem:$0xB0] =	vst v11;
	v63 =	vld [tilespmem:$0x310];
	v2 =	vor.u32 v54, v2;
	v5 =	vor.u32 v43, v5;
	v10 =	vor.u32 v52, v10  }
0x87: {  	[tilespmem:$0x120] =	vst v19;
	v11 =	vand.u32 $0xFFE, v60;
	v12 =	vand.u32 $0x1, v12;
	v19 =	vshll.u32 v57, $0x1  }
0x88: {  	[tilespmem:$0x140] =	vst v20;
	v47 =	vld [tilespmem:$0x2C0];
	v20 =	vand.u32 $0xFFFFF000, v57;
	v13 =	vshrl.u32 v57, $0xB;
	v46 =	vshll.u32 v61, $0x1  }
0x89: {  	[tilespmem:$0x130] =	vst v18;
	v51 =	vld [tilespmem:$0x2D0];
	v5 =	vor.u32 v45, v5;
	v48 =	vand.u32 $0xFFFFF000, v61;
	v49 =	vshrl.u32 v61, $0xB  }
0x8a: {  	[tilespmem:$0x160] =	vst v21;
	v7 =	vor.u32 v7, v10;
	v11 =	vor.u32 v62, v11;
	v21 =	vand.u32 $0x1, v13  }
0x8b: {  	[tilespmem:$0x1A0] =	vst v26;
	v18 =	vshrl.u32 v38, $0xB;
	v8 =	vand.u32 $0xFFE, v46;
	v26 =	vshll.u32 v63, $0x1  }
0x8c: {  	[tilespmem:$0x100] =	vst v15;
	v44 =	vld [tilespmem:$0x350];
	v37 =	vand.u32 $0xFFFFF000, v63;
	v15 =	vshrl.u32 v63, $0xB;
	v18 =	vand.u32 $0x1, v18  }
0x8d: {  	[tilespmem:$0xA0] =	vst v9;
	v6 =	vor.u32 v48, v8;
	v8 =	vand.u32 $0x1, v49;
	v54 =	vshll.u32 v47, $0x1  }
0x8e: {  	[tilespmem:$0xE0] =	vst v14;
	v36 =	vld [tilespmem:$0x330];
	v55 =	vand.u32 $0xFFFFF000, v47;
	v9 =	vshrl.u32 v47, $0xB;
	v56 =	vshll.u32 v51, $0x1  }
0x8f: {  	[tilespmem:$0x110] =	vst v17;
	v50 =	vld [tilespmem:$0x370];
	v58 =	vand.u32 $0xFFFFF000, v51;
	v59 =	vshrl.u32 v51, $0xB;
	v14 =	vand.u32 $0xFFE, v26  }
0x90: {  	[tilespmem:$0x150] =	vst v22;
	v15 =	vand.u32 $0x1, v15;
	v47 =	vshll.u32 v38, $0x1;
	v49 =	vand.u32 $0xFFFFF000, v38  }
0x91: {  	[tilespmem:$0x180] =	vst v25;
	v53 =	vshll.u32 v44, $0x1;
	v6 =	vor.u32 v8, v6;
	v8 =	vand.u32 $0xFFE, v54  }
0x92: {  	[tilespmem:$0x200] =	vst v32;
	v32 =	vld [tilespmem:$0x3B0];
	v9 =	vand.u32 $0x1, v9;
	v10 =	vand.u32 $0xFFE, v56;
	v14 =	vor.u32 v37, v14  }
0x93: {  	[tilespmem:$0x190] =	vst v24;
	v43 =	vshll.u32 v36, $0x1;
	v45 =	vand.u32 $0xFFFFF000, v36;
	v46 =	vshrl.u32 v36, $0xB  }
0x94: {  	[tilespmem:$0x1B0] =	vst v28;
	v61 =	vld [tilespmem:$0x300];
	v17 =	vand.u32 $0xFFE, v47;
	v54 =	vand.u32 $0xFFFFF000, v44;
	v62 =	vshll.u32 v50, $0x1  }
0x95: {  	[tilespmem:$0x1C0] =	vst v27;
	v23 =	vshrl.u32 v50, $0xB;
	v8 =	vor.u32 v55, v8;
	v39 =	vor.u32 v15, v14  }
0x96: {  	[tilespmem:$0x1E0] =	vst v31;
	v14 =	vand.u32 $0xFFE, v40;
	v16 =	vand.u32 $0xFFE, v43;
	v17 =	vor.u32 v49, v17  }
0x97: {  	[tilespmem:$0x270] =	vst v4;
	v55 =	vshrl.u32 v44, $0xB;
	v4 =	vand.u32 $0xFFE, v62;
	v40 =	vand.u32 $0xFFFFF000, v32  }
0x98: {  	[tilespmem:$0x1F0] =	vst v30;
	v8 =	vor.u32 v9, v8;
	v9 =	vor.u32 v58, v10;
	v10 =	vand.u32 $0x1, v59  }
0x99: {  	[tilespmem:$0x1D0] =	vst v29;
	v63 =	vld [tilespmem:$0x390];
	v22 =	vshll.u32 v61, $0x1;
	v24 =	vand.u32 $0xFFFFF000, v61;
	v25 =	vshrl.u32 v61, $0xB  }
0x9a: {  	[tilespmem:$0x210] =	vst v34;
	v14 =	vor.u32 v41, v14;
	v15 =	vor.u32 v45, v16;
	v16 =	vand.u32 $0x1, v46  }
0x9b: {  	v52 =	vor.u32 v18, v17;
	v56 =	vand.u32 $0x1, v55;
	[tilespmem:$0x310] =	vst v39;
	v39 =	vshll.u32 v32, $0x1  }
0x9c: {  	[tilespmem:$0x220] =	vst v33;
	v48 =	vld [tilespmem:$0x360];
	v9 =	vor.u32 v10, v9;
	v10 =	vor.u32 v12, v11;
	v11 =	vand.u32 $0xFFE, v19  }
0x9d: {  	[tilespmem:$0x230] =	vst v35;
	v13 =	vand.u32 $0xFFE, v22;
	v14 =	vor.u32 v42, v14;
	v51 =	vor.u32 v16, v15  }
0x9e: {  	[tilespmem:$0x250] =	vst v0;
	v38 =	vld [tilespmem:$0x3D0];
	v16 =	vand.u32 $0xFFE, v53;
	v22 =	vand.u32 $0xFFFFF000, v50;
	v31 =	vshll.u32 v63, $0x1  }
0x9f: {  	[tilespmem:$0x2C0] =	vst v8;
	v33 =	vand.u32 $0xFFFFF000, v63;
	v34 =	vshrl.u32 v63, $0xB;
	v8 =	vshrl.u32 v32, $0xB  }
0xa0: {  	[tilespmem:$0x240] =	vst v1;
	v11 =	vor.u32 v20, v11;
	v12 =	vor.u32 v24, v13;
	v13 =	vand.u32 $0x1, v25  }
0xa1: {  	[tilespmem:$0x280] =	vst v3;
	v0 =	vor.u32 v54, v16;
	v57 =	vshll.u32 v48, $0x1;
	v59 =	vand.u32 $0xFFFFF000, v48  }
0xa2: {  	[tilespmem:$0x260] =	vst v2;
	v36 =	vld [tilespmem:$0x3C0];
	v61 =	vshrl.u32 v48, $0xB;
	v4 =	vor.u32 v22, v4;
	v24 =	vand.u32 $0x1, v23  }
0xa3: {  	[tilespmem:$0x2B0] =	vst v7;
	v7 =	vand.u32 $0xFFE, v31;
	v41 =	vand.u32 $0x1, v8;
	v48 =	vshll.u32 v38, $0x1  }
0xa4: {  	[tilespmem:$0x330] =	vst v51;
	v50 =	vand.u32 $0xFFFFF000, v38;
	v51 =	vshrl.u32 v38, $0xB;
	v11 =	vor.u32 v21, v11  }
0xa5: {  	[tilespmem:$0x290] =	vst v5;
	v43 =	vld [tilespmem:$0x3E0];
	v12 =	vor.u32 v13, v12;
	v0 =	vor.u32 v56, v0;
	v60 =	vand.u32 $0xFFE, v57  }
0xa6: {  	[tilespmem:$0x2A0] =	vst v6;
	v49 =	vld [tilespmem:$0x3F0];
	v3 =	vand.u32 $0x1, v61;
	v26 =	vor.u32 v24, v4;
	v5 =	vor.u32 v33, v7  }
0xa7: {  	v58 =	vld [tilespmem:$0x380];
	[tilespmem:$0x340] =	vst v52;
	v7 =	vand.u32 $0x1, v34;
	v42 =	vshll.u32 v36, $0x1;
	v45 =	vand.u32 $0xFFFFF000, v36  }
0xa8: {  	[tilespmem:$0x2D0] =	vst v9;
	v47 =	vshrl.u32 v36, $0xB;
	v52 =	vand.u32 $0x1, v51;
	v2 =	vor.u32 v59, v60  }
0xa9: {  	[tilespmem:$0x2E0] =	vst v10;
	v5 =	vor.u32 v7, v5;
	v7 =	vand.u32 $0xFFE, v39;
	v46 =	vand.u32 $0xFFE, v42  }
0xaa: {  	[tilespmem:$0x320] =	vst v14;
	v54 =	vshll.u32 v43, $0x1;
	v55 =	vand.u32 $0xFFFFF000, v43;
	v56 =	vshrl.u32 v43, $0xB  }
0xab: {  	v25 =	vld [tilespmem:$0x3A0];
	[tilespmem:$0x2F0] =	vst v11;
	v59 =	vshll.u32 v49, $0x1;
	v60 =	vand.u32 $0xFFFFF000, v49;
	v61 =	vshrl.u32 v49, $0xB  }
0xac: {  	[tilespmem:$0x300] =	vst v12;
	v2 =	vor.u32 v3, v2;
	v27 =	vshll.u32 v58, $0x1;
	v28 =	vand.u32 $0xFFFFF000, v58  }
0xad: {  	[tilespmem:$0x350] =	vst v0;
	v29 =	vshrl.u32 v58, $0xB;
	v1 =	vor.u32 v40, v7;
	v7 =	vand.u32 $0xFFE, v48  }
0xae: {  	[tilespmem:$0x370] =	vst v26;
	v58 =	vand.u32 $0x1, v56;
	v4 =	vand.u32 $0xFFE, v27;
	v30 =	vand.u32 $0x1, v29  }
0xaf: {  	[tilespmem:$0x390] =	vst v5;
	v44 =	vor.u32 v41, v1;
	v1 =	vor.u32 v45, v46;
	v3 =	vor.u32 v50, v7  }
0xb0: {  	[tilespmem:$0x360] =	vst v2;
	v2 =	vand.u32 $0x1, v47;
	v4 =	vor.u32 v28, v4;
	v35 =	vshll.u32 v25, $0x1  }
0xb1: {  	v37 =	vand.u32 $0xFFFFF000, v25;
	v6 =	vshrl.u32 v25, $0xB;
	v1 =	vor.u32 v2, v1;
	[tilespmem:$0x3B0] =	vst v44  }
0xb2: {  	v53 =	vor.u32 v52, v3;
	v3 =	vand.u32 $0xFFE, v54;
	v4 =	vor.u32 v30, v4;
	[tilespmem:$0x3C0] =	vst v1  }
0xb3: {  	v9 =	vand.u32 $0xFFE, v35;
	v6 =	vand.u32 $0x1, v6;
	v57 =	vor.u32 v55, v3;
	[tilespmem:$0x3D0] =	vst v53  }
0xb4: {  	v9 =	vor.u32 v37, v9;
	[tilespmem:$0x380] =	vst v4;
	v4 =	vand.u32 $0xFFE, v59;
	v0 =	vor.u32 v58, v57  }
0xb5: {  	v62 =	vand.u32 $0x1, v61;
	v6 =	vor.u32 v6, v9;
	v1 =	vor.u32 v60, v4;
	[tilespmem:$0x3E0] =	vst v0  }
0xb6: {  	[tilespmem:$0x3A0] =	vst v6;
	v63 =	vor.u32 v62, v1  }
0xb7: {  	[tilespmem:$0x3F0] =	vst v63  }
0xb8: {  	[tilespmem:s13], [sflag:$0x1] =	stream.indirect.gather [hbm4b:s3+s12], $0x40, s2, s12, $0xb8;
	[tilespmem:$0x10400] =	vst v63  }
0xb9: {  	_ = 	snop  }
0xba: {  	[tilespmem:s14], [sflag:$0x1] =	stream.indirect.gather [hbm4b:s4+s12], $0x40, s11, s12, $0xb8;
	[tilespmem:$0x10400] =	vst v63  }
0xbb: {  	_ = 	snop  }
0xbc: {  	[tilespmem:s15], [sflag:$0x1] =	stream.indirect.gather [hbm4b:s3+s12], $0x40, s12, s12, $0xb8;
	[tilespmem:$0x10400] =	vst v63  }
0xbd: {  	_ = 	snop  }
0xbe: {  	[tilespmem:s17], [sflag:$0x1] =	stream.indirect.gather [hbm4b:s4+s12], $0x40, s16, s12, $0xb8;
	[tilespmem:$0x10400] =	vst v63  }
0xbf: {  	_ = 	snop  }
0xc0: {  	[tilespmem:s19], [sflag:$0x1] =	stream.indirect.gather [hbm4b:s3+s12], $0x40, s18, s12, $0xb8;
	[tilespmem:$0x10400] =	vst v63  }
0xc1: {  	_ = 	snop  }
0xc2: {  	[tilespmem:s21], [sflag:$0x1] =	stream.indirect.gather [hbm4b:s4+s12], $0x40, s20, s12, $0xb8;
	[tilespmem:$0x10400] =	vst v63  }
0xc3: {  	_ = 	snop  }
0xc4: {  	[tilespmem:s23], [sflag:$0x1] =	stream.indirect.gather [hbm4b:s3+s12], $0x40, s22, s12, $0xb8;
	[tilespmem:$0x10400] =	vst v63  }
0xc5: {  	_ = 	snop  }
0xc6: {  	[tilespmem:s25], [sflag:$0x1] =	stream.indirect.gather [hbm4b:s4+s12], $0x40, s24, s12, $0xb8;
	[tilespmem:$0x10400] =	vst v63  }
0xc7: {  	_ =	swait.ge [sflag:s26], $0x2000  }
0xc8: {  	[sflag:s26] =	ssyncset.done $0x0  }
0xc9: {  	[sflag:s26] =	ssyncadd.s32 $0xFFFFE000  }
0xca: {  	_ =	swait.ge [sflag:s26], $0x2000  }
0xcb: {  	[sflag:s26] =	ssyncset.done $0x0  }
0xcc: {  	[sflag:s26] =	ssyncadd.s32 $0xFFFFE000  }
0xcd: {  	_ =	swait.ge [sflag:s26], $0x2000  }
0xce: {  	[sflag:s26] =	ssyncset.done $0x0  }
0xcf: {  	[sflag:s26] =	ssyncadd.s32 $0xFFFFE000  }
0xd0: {  	_ =	swait.ge [sflag:s26], $0x2000  }
0xd1: {  	[sflag:s26] =	ssyncset.done $0x0  }
0xd2: {  	[sflag:s26] =	ssyncadd.s32 $0xFFFFE000  }
0xd3: {  	_ =	swait.ge [sflag:s26], $0x2000  }
0xd4: {  	[sflag:s26] =	ssyncset.done $0x0  }
0xd5: {  	[sflag:s26] =	ssyncadd.s32 $0xFFFFE000  }
0xd6: {  	_ =	swait.ge [sflag:s26], $0x2000  }
0xd7: {  	[sflag:s26] =	ssyncset.done $0x0  }
0xd8: {  	[sflag:s26] =	ssyncadd.s32 $0xFFFFE000  }
0xd9: {  	_ =	swait.ge [sflag:s26], $0x2000  }
0xda: {  	[sflag:s26] =	ssyncset.done $0x0  }
0xdb: {  	[sflag:s26] =	ssyncadd.s32 $0xFFFFE000  }
0xdc: {  	_ =	swait.ge [sflag:s26], $0x2000  }
0xdd: {  	[sflag:s26] =	ssyncset.done $0x0  }
0xde: {  	[sflag:s26] =	ssyncadd.s32 $0xFFFFE000  }
0xdf: {  	[hbm4b:s7+s28] =	stream.strided.scatter [tilespmem:s13], [sflag:$0x2], $0x8000, s12, s28, $0x38;
	[tilespmem:$0x10400] =	vst v63  }
0xe0: {  	_ =	swait.ge [sflag:s10], $0x8000  }
0xe1: {  	p0 =	sne.s32 s9, $0x1;
	[sflag:s10] =	ssyncset.done $0x0  }
.Ltmp0:
0xe2: {  	[sflag:s10] =	ssyncadd.s32 $0xFFFF8000;
	(pc) =	sbr.rel @p0 .LBB2_1-.Ltmp0, $4  }
0xe3: {  	[hbm4b:s8+s28] =	stream.strided.scatter [tilespmem:s14], [sflag:$0x2], $0x8000, s12, s28, $0x38;
	[tilespmem:$0x10400] =	vst v63  }
0xe4: {  	_ =	swait.ge [sflag:s10], $0x8000  }
0xe5: {  	[sflag:s10] =	ssyncset.done $0x0  }
0xe6: {  	s9 =	sadd.s32 $0xFFFFFFFF, s9;
	[sflag:s10] =	ssyncadd.s32 $0xFFFF8000  }
0xe7: {  	_ =	sfence.sel $0x180000  }
0xe8: {  	[bflag:$0x0] =	sbarrier.arrive $0xFFFF  }
0xe9: {  	p0 =	sne.s32 s0, $0x0;
	_ =	strace $0x90000047  }
0xea: {  	s0 =	sadd.s32 @!p0 $0x100000, s1;
	[bflag:$0x2] =	sbarrier.arrive $0xFFFF  }
0xeb: {  	[sflag:s0] =	ssyncadd.tile.s32 @!p0 $0x1;
	_ =	shalt  }
.Lfunc_end2:
_tile_overlayer_lowered:
.L_overlay_start_2:
0xec: {  	(tag) =	ssettag $0x2  }
0xed: {  	s0 =	rddreg [dreg:$0x0];
	s2 =	stileid.u32  }
0xee: {  	s1 =	rddreg [dreg:$0x1];
	p0 =	sne.s32 s2, $0x0  }
0xef: {  	s3 =	rddreg [dreg:$0x2];
	[bflag:$0x3] =	sbarrier.arrive $0xFFFF;
	s2 =	simm.s32 @!p0 $0x1C02  }
0xf0: {  	[timem:s3], [sflag:s2] =	dma.local @!p0 [hbm:s0], s1  }
0xf1: {  	s0 =	simm.s32 @!p0 $0x2  }
0xf2: {  	_ =	swait.ge @!p0 [sflag:s0], s1  }
0xf3: {  	s1 =	ssub.s32 @!p0 $0x0, s1;
	[sflag:s0] =	ssyncset.done @!p0 $0x0  }
0xf4: {  	[sflag:s0] =	ssyncadd.s32 @!p0 s1  }
0xf5: {  	[bflag:$0x3] =	sbarrier.arrive $0xFFFF  }
0xf6: {  	_ =	shalt  }

</sc_bundles>
